<compile_context>
chip_gen: v7x
topology: tpu7x:2x2x1
jax: 0.10.2.dev20260603
libtpu: 0.0.44.dev20260713+nightly
codegen_flags: <defaults>
</compile_context>

<pallas_src>
import functools

import jax
import jax.numpy as jnp
from jax import lax
from jax.experimental import pallas as pl
from jax.experimental.pallas import tpu as pltpu
from jax.experimental.pallas import tpu_sc as plsc

_NBUF = 3


def _fp_kernel(mask_ref, out_ref):
    n = mask_ref.shape[1]
    iota = jax.lax.broadcasted_iota(jnp.int32, mask_ref.shape, 1)
    cand = jnp.where(mask_ref[...] != 0, n, iota)
    fp = jnp.min(cand, axis=1, keepdims=True)
    out_ref[...] = jnp.broadcast_to(fp, out_ref.shape)


def _sc_body(b, n, d, x_hbm, out_hbm, g0, g1, g2, o0, o1, o2, zbuf, cbuf,
             sem_in, sem_out, sem_z):
    gbufs = [g0, g1, g2]
    obufs = [o0, o1, o2]
    c = lax.axis_index("c")
    s = lax.axis_index("s")
    bpc = b // 2
    npc = 16 // bpc
    batch = c * bpc + s // npc
    sl = s % npc
    ntr = n // 8
    tpw = ntr // npc
    t0 = sl * tpw
    is_last = sl == npc - 1

    def gather(tr, k):
        trc = jnp.maximum(tr, 0)
        pltpu.make_async_copy(
            x_hbm.at[batch, pl.ds(trc * 8, 8), :], gbufs[k], sem_in).start()

    def wait_gather(k):
        pltpu.make_async_copy(
            x_hbm.at[batch, pl.ds(0, 8), :], gbufs[k], sem_in).wait()

    def wait_scatter(k):
        pltpu.make_async_copy(
            obufs[k], out_hbm.at[batch, pl.ds(0, 8), :], sem_out).wait()

    gather(t0 - 1, _NBUF - 1)
    wait_gather(_NBUF - 1)

    def prime_cc(cc, carry):
        cbuf[0, pl.ds(cc * 16, 16)] = gbufs[_NBUF - 1][7, pl.ds(cc * 16, 16)]
        return carry

    lax.fori_loop(0, d // 16, prime_cc, 0)

    groups = tpw // _NBUF

    def copy_group(g, carry):
        base = g * _NBUF
        for k in range(_NBUF):
            pl.when(g > 0)(lambda k=k: wait_scatter(k))
            gather(t0 + base + k, k)
        for k in range(_NBUF):
            wait_gather(k)

            def shuf_cc(cc, carry, k=k):
                for u in range(4):
                    col = pl.ds(cc * 64 + u * 16, 16)
                    v7 = gbufs[k][7, col]
                    obufs[k][0, col] = cbuf[0, col]
                    for r in range(7):
                        obufs[k][r + 1, col] = gbufs[k][r, col]
                    cbuf[0, col] = v7
                return carry

            lax.fori_loop(0, d // 64, shuf_cc, 0)
            pltpu.make_async_copy(
                obufs[k],
                out_hbm.at[batch, pl.ds((t0 + base + k) * 8, 8), :],
                sem_out).start()
        return carry

    lax.fori_loop(0, groups, copy_group, 0)

    for k in range(tpw % _NBUF):
        wait_scatter(k)
        gather(t0 + groups * _NBUF + k, k)
        wait_gather(k)

        def rem_cc(cc, carry, k=k):
            col = pl.ds(cc * 16, 16)
            v7 = gbufs[k][7, col]
            obufs[k][0, col] = cbuf[0, col]
            for r in range(7):
                obufs[k][r + 1, col] = gbufs[k][r, col]
            cbuf[0, col] = v7
            return carry

        lax.fori_loop(0, d // 16, rem_cc, 0)
        pltpu.make_async_copy(
            obufs[k],
            out_hbm.at[batch, pl.ds((t0 + groups * _NBUF + k) * 8, 8), :],
            sem_out).start()
    for k in range(_NBUF):
        wait_scatter(k)

    @pl.when(is_last)
    def _():
        zv = jnp.zeros((16,), jnp.float32)

        def z_cc(cc, carry):
            zbuf[0, pl.ds(cc * 16, 16)] = cbuf[0, pl.ds(cc * 16, 16)]
            zbuf[1, pl.ds(cc * 16, 16)] = zv
            return carry

        lax.fori_loop(0, d // 16, z_cc, 0)
        cp = pltpu.make_async_copy(
            zbuf, out_hbm.at[batch, pl.ds(n, 2), :], sem_z)
        cp.start()
        cp.wait()


def _fixup_kernel(n, fp_ref, in_ref, start_ref, end_ref, out_ref):
    bi = pl.program_id(0)
    m = pl.program_id(1)
    tr = jnp.where(m == 0, 0, jnp.where(m == 1, fp_ref[bi] // 8, (n + 1) // 8))
    rows = jax.lax.broadcasted_iota(jnp.int32, (8, 1), 0) + tr * 8
    v = in_ref[...]
    v = jnp.where(rows == 0, start_ref[...], v)
    v = jnp.where(rows == n + 1, 0.0, v)
    v = jnp.where(rows == fp_ref[bi], end_ref[...], v)
    out_ref[...] = v


def kernel(x, protein_mask, start, end):
    b, n, d = x.shape
    mask_i32 = protein_mask.astype(jnp.int32)
    fp_full = pl.pallas_call(
        _fp_kernel,
        out_shape=jax.ShapeDtypeStruct((b, 128), jnp.int32),
    )(mask_i32)
    fp = fp_full[:, 0]

    sc_call = pl.kernel(
        functools.partial(_sc_body, b, n, d),
        out_type=jax.ShapeDtypeStruct((b, n + 2, d), jnp.float32),
        mesh=plsc.VectorSubcoreMesh(core_axis_name="c", subcore_axis_name="s"),
        scratch_types=[
            pltpu.VMEM((8, d), jnp.float32),
            pltpu.VMEM((8, d), jnp.float32),
            pltpu.VMEM((8, d), jnp.float32),
            pltpu.VMEM((8, d), jnp.float32),
            pltpu.VMEM((8, d), jnp.float32),
            pltpu.VMEM((8, d), jnp.float32),
            pltpu.VMEM((2, d), jnp.float32),
            pltpu.VMEM((1, d), jnp.float32),
            pltpu.SemaphoreType.DMA,
            pltpu.SemaphoreType.DMA,
            pltpu.SemaphoreType.DMA,
        ],
    )
    out0 = sc_call(x)

    def tr_map(bi, m, fp_ref):
        return (bi, jnp.where(m == 0, 0,
                              jnp.where(m == 1, fp_ref[bi] // 8,
                                        (n + 1) // 8)), 0)

    out = pl.pallas_call(
        functools.partial(_fixup_kernel, n),
        grid_spec=pltpu.PrefetchScalarGridSpec(
            num_scalar_prefetch=1,
            grid=(b, 3),
            in_specs=[
                pl.BlockSpec((None, 8, d), tr_map),
                pl.BlockSpec((1, d), lambda bi, m, *_: (0, 0)),
                pl.BlockSpec((1, d), lambda bi, m, *_: (0, 0)),
            ],
            out_specs=pl.BlockSpec((None, 8, d), tr_map),
        ),
        out_shape=jax.ShapeDtypeStruct((b, n + 2, d), jnp.float32),
        input_output_aliases={1: 0},
    )(fp, out0, start.reshape(1, d), end.reshape(1, d))
    return out

# --- scband reference (transcript-rebuilt; emitter-appended) ---
"""Pipeline reference for scband-start-end-pad-54357106098671 (READ-ONLY COPY).

The authoritative reference and input builder live on the scoring server;
editing this copy changes nothing except your own understanding.
"""

import jax, jax.numpy as jnp
import numpy as np


def find_first_padded(not_pad_mask):
    first_padded = jnp.argmax((~not_pad_mask).astype(jnp.int64), axis=1)
    seq_lengths = not_pad_mask.sum(axis=1)
    no_padding = (first_padded == 0) & (seq_lengths == not_pad_mask.shape[1])
    first_padded = jnp.where(no_padding, not_pad_mask.shape[1], first_padded)
    return first_padded


def setup_inputs(seed: int = 0) -> dict:
    key = jax.random.key(seed)
    k_x, k_s, k_e = jax.random.split(key, 3)
    B, N, D = 4, 8192, 2048
    x = jax.random.normal(k_x, (B, N, D), dtype=jnp.float32)
    protein_mask = jnp.ones((B, N), dtype=bool)
    start = jax.random.normal(k_s, (D,), dtype=jnp.float32)
    end = jax.random.normal(k_e, (D,), dtype=jnp.float32)
    return {"x": x, "protein_mask": protein_mask, "start": start, "end": end}


def reference(x, protein_mask, start, end):
    B, N, D = x.shape
    xp = jnp.pad(x, ((0, 0), (1, 1), (0, 0)), constant_values=0.0)
    mask = jnp.pad(protein_mask, ((0, 0), (0, 1)), constant_values=False)
    first_padded = find_first_padded(mask)
    xp = xp.at[:, 0].set(jnp.broadcast_to(start[None, :], (B, D)))
    xp = xp.at[jnp.arange(B), first_padded].set(jnp.broadcast_to(end[None, :], (B, D)))
    return xp

if __name__ == "__main__":
    import jax
    _d = setup_inputs()
    print(jax.jit(kernel)(*tuple(_d.values())))

</pallas_src>

<mosaic_0001>
#map = affine_map<(d0, d1) -> (0, 0, 0)>
module attributes {stable_mosaic.version = 14 : i64} {
  func.func @_sc_body(%arg0: i32, %arg1: i32, %arg2: memref<4x8192x2048xf32, #tpu.memory_space<hbm>>, %arg3: memref<4x8194x2048xf32, #tpu.memory_space<hbm>>, %arg4: memref<8x2048xf32, #tpu.memory_space<vmem>>, %arg5: memref<8x2048xf32, #tpu.memory_space<vmem>>, %arg6: memref<8x2048xf32, #tpu.memory_space<vmem>>, %arg7: memref<8x2048xf32, #tpu.memory_space<vmem>>, %arg8: memref<8x2048xf32, #tpu.memory_space<vmem>>, %arg9: memref<8x2048xf32, #tpu.memory_space<vmem>>, %arg10: memref<2x2048xf32, #tpu.memory_space<vmem>>, %arg11: memref<1x2048xf32, #tpu.memory_space<vmem>>, %arg12: memref<!tpu.dma_semaphore, #tpu.memory_space<semaphore_mem>>, %arg13: memref<!tpu.dma_semaphore, #tpu.memory_space<semaphore_mem>>, %arg14: memref<!tpu.dma_semaphore, #tpu.memory_space<semaphore_mem>>) attributes {dimension_semantics = [#tpu.dimension_semantics<core_parallel>, #tpu.dimension_semantics<subcore_parallel>], iteration_bounds = array<i64: 2, 16>, scalar_prefetch = 0 : i64, scratch_operands = 11 : i64, tpu.core_type = #tpu.core_type<sc_vector_subcore>, window_params = [{transform_indices = #map}, {transform_indices = #map}]} {
    %mul3A = arith.constant 2 : i32
    %mul3A_0 = arith.muli %arg0, %mul3A : i32
    %jit3A = arith.constant 8 : i32
    %div3A = arith.divsi %arg1, %jit3A : i32
    %sign3A = arith.constant 0 : i32
    %sign3A_1 = arith.cmpi sgt, %arg1, %sign3A : i32
    %sign3A_2 = arith.extui %sign3A_1 : i1 to i32
    %sign3A_3 = arith.constant 0 : i32
    %sign3A_4 = arith.cmpi slt, %arg1, %sign3A_3 : i32
    %sign3A_5 = arith.extui %sign3A_4 : i1 to i32
    %sign3A_6 = arith.subi %sign3A_2, %sign3A_5 : i32
    %sign3A_7 = arith.constant 0 : i32
    %sign3A_8 = arith.cmpi sgt, %jit3A, %sign3A_7 : i32
    %sign3A_9 = arith.extui %sign3A_8 : i1 to i32
    %sign3A_10 = arith.constant 0 : i32
    %sign3A_11 = arith.cmpi slt, %jit3A, %sign3A_10 : i32
    %sign3A_12 = arith.extui %sign3A_11 : i1 to i32
    %sign3A_13 = arith.subi %sign3A_9, %sign3A_12 : i32
    %ne3A = arith.cmpi ne, %sign3A_6, %sign3A_13 : i32
    %rem3A = arith.remsi %arg1, %jit3A : i32
    %ne3A_14 = arith.constant 0 : i32
    %ne3A_15 = arith.cmpi ne, %rem3A, %ne3A_14 : i32
    %and3A = arith.andi %ne3A, %ne3A_15 : i1
    %sub3A = arith.constant 1 : i32
    %sub3A_16 = arith.subi %div3A, %sub3A : i32
    %select_n3A = arith.select %and3A, %sub3A_16, %div3A : i32
    %add3A = arith.addi %mul3A_0, %select_n3A : i32
    %jit3A_17 = arith.constant 8 : i32
    %eq3A = arith.constant 0 : i32
    %eq3A_18 = arith.cmpi eq, %jit3A_17, %eq3A : i32
    %jit3A_19 = arith.constant 1 : i32
    %select_n3A_20 = arith.select %eq3A_18, %jit3A_19, %jit3A_17 : i32
    %rem3A_21 = arith.remsi %arg1, %select_n3A_20 : i32
    %ne3A_22 = arith.constant 0 : i32
    %ne3A_23 = arith.cmpi ne, %rem3A_21, %ne3A_22 : i32
    %lt3A = arith.constant 0 : i32
    %lt3A_24 = arith.cmpi slt, %rem3A_21, %lt3A : i32
    %lt3A_25 = arith.constant 0 : i32
    %lt3A_26 = arith.cmpi slt, %select_n3A_20, %lt3A_25 : i32
    %ne3A_27 = arith.xori %lt3A_24, %lt3A_26 : i1
    %and3A_28 = arith.andi %ne3A_27, %ne3A_23 : i1
    %add3A_29 = arith.addi %rem3A_21, %select_n3A_20 : i32
    %select_n3A_30 = arith.select %and3A_28, %add3A_29, %rem3A_21 : i32
    %mul3A_31 = arith.constant 128 : i32
    %mul3A_32 = arith.muli %select_n3A_30, %mul3A_31 : i32
    %eq3A_33 = arith.constant 7 : i32
    %eq3A_34 = arith.cmpi eq, %select_n3A_30, %eq3A_33 : i32
    %sub3A_35 = arith.constant 1 : i32
    %sub3A_36 = arith.subi %mul3A_32, %sub3A_35 : i32
    %max3A = arith.constant 0 : i32
    %max3A_37 = arith.maxsi %sub3A_36, %max3A : i32
    %mul3A_38 = arith.constant 8 : i32
    %mul3A_39 = arith.muli %max3A_37, %mul3A_38 : i32
    %dma_start3A = arith.constant 0 : i32
    %dma_start3A_40 = tpu.memref_slice %arg2[%add3A, %mul3A_39, %dma_start3A] : memref<4x8192x2048xf32, #tpu.memory_space<hbm>> -> memref<1x8x2048xf32, #tpu.memory_space<hbm>>
    %dma_start3A_41 = tpu.memref_squeeze %dma_start3A_40 : memref<1x8x2048xf32, #tpu.memory_space<hbm>> -> memref<8x2048xf32, #tpu.memory_space<hbm>>
    %dma_start3A_42 = arith.constant 0 : i32
    %dma_start3A_43 = tpu.memref_slice %arg2[%add3A, %mul3A_39, %dma_start3A_42] : memref<4x8192x2048xf32, #tpu.memory_space<hbm>> -> memref<1x8x2048xf32, #tpu.memory_space<hbm>>
    %dma_start3A_44 = tpu.memref_squeeze %dma_start3A_43 : memref<1x8x2048xf32, #tpu.memory_space<hbm>> -> memref<8x2048xf32, #tpu.memory_space<hbm>>
    tpu.enqueue_dma source(%dma_start3A_44 : memref<8x2048xf32, #tpu.memory_space<hbm>>) target(%arg6 : memref<8x2048xf32, #tpu.memory_space<vmem>>) target_semaphore(%arg12 : memref<!tpu.dma_semaphore, #tpu.memory_space<semaphore_mem>>)
    %dma_wait3A = arith.constant 0 : i32
    %dma_wait3A_45 = arith.constant 0 : i32
    %dma_wait3A_46 = tpu.memref_slice %arg2[%add3A, %dma_wait3A, %dma_wait3A_45] : memref<4x8192x2048xf32, #tpu.memory_space<hbm>> -> memref<1x8x2048xf32, #tpu.memory_space<hbm>>
    %dma_wait3A_47 = tpu.memref_squeeze %dma_wait3A_46 : memref<1x8x2048xf32, #tpu.memory_space<hbm>> -> memref<8x2048xf32, #tpu.memory_space<hbm>>
    %dma_wait3A_48 = arith.constant 0 : i32
    %dma_wait3A_49 = arith.constant 0 : i32
    %dma_wait3A_50 = tpu.memref_slice %arg2[%add3A, %dma_wait3A_48, %dma_wait3A_49] : memref<4x8192x2048xf32, #tpu.memory_space<hbm>> -> memref<1x8x2048xf32, #tpu.memory_space<hbm>>
    %dma_wait3A_51 = tpu.memref_squeeze %dma_wait3A_50 : memref<1x8x2048xf32, #tpu.memory_space<hbm>> -> memref<8x2048xf32, #tpu.memory_space<hbm>>
    tpu.wait_dma2 semaphore(%arg12 : memref<!tpu.dma_semaphore, #tpu.memory_space<semaphore_mem>>) src(%dma_wait3A_51 : memref<8x2048xf32, #tpu.memory_space<hbm>>) dst(%arg6 : memref<8x2048xf32, #tpu.memory_space<vmem>>)
    %scan3A = arith.constant 0 : i32
    %scan3A_52 = arith.constant 0 : i32
    %scan3A_53 = arith.constant 128 : i32
    %scan3A_54 = arith.addi %scan3A_52, %scan3A_53 : i32
    %scan3A_55 = arith.constant 1 : i32
    scf.for %scan3A_184 = %scan3A_52 to %scan3A_54 step %scan3A_55  : i32 {
      %mul3A_185 = arith.constant 16 : i32
      %mul3A_186 = arith.muli %scan3A_184, %mul3A_185 : i32
      %get3A = arith.constant 7 : i32
      %get3A_187 = arith.index_cast %get3A : i32 to index
      %get3A_188 = arith.index_cast %mul3A_186 : i32 to index
      %get3A_189 = tpu.vector_load %arg6[%get3A_187, %get3A_188] {strides = array<i32>} : memref<8x2048xf32, #tpu.memory_space<vmem>>, vector<1x16xf32>,
      %get3A_190 = vector.shape_cast %get3A_189 : vector<1x16xf32> to vector<16xf32>
      %mul3A_191 = arith.constant 16 : i32
      %mul3A_192 = arith.muli %scan3A_184, %mul3A_191 : i32
      %swap3A = arith.constant 0 : i32
      %swap3A_193 = arith.index_cast %swap3A : i32 to index
      %swap3A_194 = arith.index_cast %mul3A_192 : i32 to index
      %swap3A_195 = tpu.vector_load %arg11[%swap3A_193, %swap3A_194] {strides = array<i32>} : memref<1x2048xf32, #tpu.memory_space<vmem>>, vector<1x16xf32>,
      %swap3A_196 = vector.shape_cast %swap3A_195 : vector<1x16xf32> to vector<16xf32>
      %swap3A_197 = vector.shape_cast %get3A_190 : vector<16xf32> to vector<1x16xf32>
      tpu.vector_store %arg11[%swap3A_193, %swap3A_194], %swap3A_197 {strides = array<i32>} : memref<1x2048xf32, #tpu.memory_space<vmem>>, vector<1x16xf32>,
    }
    %scan3A_56 = arith.constant 128 : i32
    %scan3A_57 = arith.constant 0 : i32
    %scan3A_58 = arith.constant 0 : i32
    %scan3A_59 = arith.constant 42 : i32
    %scan3A_60 = arith.addi %scan3A_58, %scan3A_59 : i32
    %scan3A_61 = arith.constant 1 : i32
    scf.for %scan3A_184 = %scan3A_58 to %scan3A_60 step %scan3A_61  : i32 {
      %mul3A_185 = arith.constant 3 : i32
      %mul3A_186 = arith.muli %scan3A_184, %mul3A_185 : i32
      %gt3A = arith.constant 0 : i32
      %gt3A_187 = arith.cmpi sgt, %scan3A_184, %gt3A : i32
      %convert_element_type3A_188 = arith.extui %gt3A_187 : i1 to i32
      %cond3A_189 = arith.constant 0 : i32
      %cond3A_190 = arith.cmpi ne, %convert_element_type3A_188, %cond3A_189 : i32
      scf.if %cond3A_190 {
        %dma_wait3A_315 = arith.constant 0 : i32
        %dma_wait3A_316 = arith.constant 0 : i32
        %dma_wait3A_317 = tpu.memref_slice %arg3[%add3A, %dma_wait3A_315, %dma_wait3A_316] : memref<4x8194x2048xf32, #tpu.memory_space<hbm>> -> memref<1x8x2048xf32, #tpu.memory_space<hbm>>
        %dma_wait3A_318 = tpu.memref_squeeze %dma_wait3A_317 : memref<1x8x2048xf32, #tpu.memory_space<hbm>> -> memref<8x2048xf32, #tpu.memory_space<hbm>>
        %dma_wait3A_319 = arith.constant 0 : i32
        %dma_wait3A_320 = arith.constant 0 : i32
        %dma_wait3A_321 = tpu.memref_slice %arg3[%add3A, %dma_wait3A_319, %dma_wait3A_320] : memref<4x8194x2048xf32, #tpu.memory_space<hbm>> -> memref<1x8x2048xf32, #tpu.memory_space<hbm>>
        %dma_wait3A_322 = tpu.memref_squeeze %dma_wait3A_321 : memref<1x8x2048xf32, #tpu.memory_space<hbm>> -> memref<8x2048xf32, #tpu.memory_space<hbm>>
        tpu.wait_dma2 semaphore(%arg13 : memref<!tpu.dma_semaphore, #tpu.memory_space<semaphore_mem>>) src(%arg7 : memref<8x2048xf32, #tpu.memory_space<vmem>>) dst(%dma_wait3A_322 : memref<8x2048xf32, #tpu.memory_space<hbm>>)
      } else {
      }
      %add3A_191 = arith.addi %mul3A_32, %mul3A_186 : i32
      %add3A_192 = arith.constant 0 : i32
      %add3A_193 = arith.addi %add3A_191, %add3A_192 : i32
      %max3A_194 = arith.constant 0 : i32
      %max3A_195 = arith.maxsi %add3A_193, %max3A_194 : i32
      %mul3A_196 = arith.constant 8 : i32
      %mul3A_197 = arith.muli %max3A_195, %mul3A_196 : i32
      %dma_start3A_198 = arith.constant 0 : i32
      %dma_start3A_199 = tpu.memref_slice %arg2[%add3A, %mul3A_197, %dma_start3A_198] : memref<4x8192x2048xf32, #tpu.memory_space<hbm>> -> memref<1x8x2048xf32, #tpu.memory_space<hbm>>
      %dma_start3A_200 = tpu.memref_squeeze %dma_start3A_199 : memref<1x8x2048xf32, #tpu.memory_space<hbm>> -> memref<8x2048xf32, #tpu.memory_space<hbm>>
      %dma_start3A_201 = arith.constant 0 : i32
      %dma_start3A_202 = tpu.memref_slice %arg2[%add3A, %mul3A_197, %dma_start3A_201] : memref<4x8192x2048xf32, #tpu.memory_space<hbm>> -> memref<1x8x2048xf32, #tpu.memory_space<hbm>>
      %dma_start3A_203 = tpu.memref_squeeze %dma_start3A_202 : memref<1x8x2048xf32, #tpu.memory_space<hbm>> -> memref<8x2048xf32, #tpu.memory_space<hbm>>
      tpu.enqueue_dma source(%dma_start3A_203 : memref<8x2048xf32, #tpu.memory_space<hbm>>) target(%arg4 : memref<8x2048xf32, #tpu.memory_space<vmem>>) target_semaphore(%arg12 : memref<!tpu.dma_semaphore, #tpu.memory_space<semaphore_mem>>)
      %gt3A_204 = arith.constant 0 : i32
      %gt3A_205 = arith.cmpi sgt, %scan3A_184, %gt3A_204 : i32
      %convert_element_type3A_206 = arith.extui %gt3A_205 : i1 to i32
      %cond3A_207 = arith.constant 0 : i32
      %cond3A_208 = arith.cmpi ne, %convert_element_type3A_206, %cond3A_207 : i32
      scf.if %cond3A_208 {
        %dma_wait3A_315 = arith.constant 0 : i32
        %dma_wait3A_316 = arith.constant 0 : i32
        %dma_wait3A_317 = tpu.memref_slice %arg3[%add3A, %dma_wait3A_315, %dma_wait3A_316] : memref<4x8194x2048xf32, #tpu.memory_space<hbm>> -> memref<1x8x2048xf32, #tpu.memory_space<hbm>>
        %dma_wait3A_318 = tpu.memref_squeeze %dma_wait3A_317 : memref<1x8x2048xf32, #tpu.memory_space<hbm>> -> memref<8x2048xf32, #tpu.memory_space<hbm>>
        %dma_wait3A_319 = arith.constant 0 : i32
        %dma_wait3A_320 = arith.constant 0 : i32
        %dma_wait3A_321 = tpu.memref_slice %arg3[%add3A, %dma_wait3A_319, %dma_wait3A_320] : memref<4x8194x2048xf32, #tpu.memory_space<hbm>> -> memref<1x8x2048xf32, #tpu.memory_space<hbm>>
        %dma_wait3A_322 = tpu.memref_squeeze %dma_wait3A_321 : memref<1x8x2048xf32, #tpu.memory_space<hbm>> -> memref<8x2048xf32, #tpu.memory_space<hbm>>
        tpu.wait_dma2 semaphore(%arg13 : memref<!tpu.dma_semaphore, #tpu.memory_space<semaphore_mem>>) src(%arg8 : memref<8x2048xf32, #tpu.memory_space<vmem>>) dst(%dma_wait3A_322 : memref<8x2048xf32, #tpu.memory_space<hbm>>)
      } else {
      }
      %add3A_209 = arith.addi %mul3A_32, %mul3A_186 : i32
      %add3A_210 = arith.constant 1 : i32
      %add3A_211 = arith.addi %add3A_209, %add3A_210 : i32
      %max3A_212 = arith.constant 0 : i32
      %max3A_213 = arith.maxsi %add3A_211, %max3A_212 : i32
      %mul3A_214 = arith.constant 8 : i32
      %mul3A_215 = arith.muli %max3A_213, %mul3A_214 : i32
      %dma_start3A_216 = arith.constant 0 : i32
      %dma_start3A_217 = tpu.memref_slice %arg2[%add3A, %mul3A_215, %dma_start3A_216] : memref<4x8192x2048xf32, #tpu.memory_space<hbm>> -> memref<1x8x2048xf32, #tpu.memory_space<hbm>>
      %dma_start3A_218 = tpu.memref_squeeze %dma_start3A_217 : memref<1x8x2048xf32, #tpu.memory_space<hbm>> -> memref<8x2048xf32, #tpu.memory_space<hbm>>
      %dma_start3A_219 = arith.constant 0 : i32
      %dma_start3A_220 = tpu.memref_slice %arg2[%add3A, %mul3A_215, %dma_start3A_219] : memref<4x8192x2048xf32, #tpu.memory_space<hbm>> -> memref<1x8x2048xf32, #tpu.memory_space<hbm>>
      %dma_start3A_221 = tpu.memref_squeeze %dma_start3A_220 : memref<1x8x2048xf32, #tpu.memory_space<hbm>> -> memref<8x2048xf32, #tpu.memory_space<hbm>>
      tpu.enqueue_dma source(%dma_start3A_221 : memref<8x2048xf32, #tpu.memory_space<hbm>>) target(%arg5 : memref<8x2048xf32, #tpu.memory_space<vmem>>) target_semaphore(%arg12 : memref<!tpu.dma_semaphore, #tpu.memory_space<semaphore_mem>>)
      %gt3A_222 = arith.constant 0 : i32
      %gt3A_223 = arith.cmpi sgt, %scan3A_184, %gt3A_222 : i32
      %convert_element_type3A_224 = arith.extui %gt3A_223 : i1 to i32
      %cond3A_225 = arith.constant 0 : i32
      %cond3A_226 = arith.cmpi ne, %convert_element_type3A_224, %cond3A_225 : i32
      scf.if %cond3A_226 {
        %dma_wait3A_315 = arith.constant 0 : i32
        %dma_wait3A_316 = arith.constant 0 : i32
        %dma_wait3A_317 = tpu.memref_slice %arg3[%add3A, %dma_wait3A_315, %dma_wait3A_316] : memref<4x8194x2048xf32, #tpu.memory_space<hbm>> -> memref<1x8x2048xf32, #tpu.memory_space<hbm>>
        %dma_wait3A_318 = tpu.memref_squeeze %dma_wait3A_317 : memref<1x8x2048xf32, #tpu.memory_space<hbm>> -> memref<8x2048xf32, #tpu.memory_space<hbm>>
        %dma_wait3A_319 = arith.constant 0 : i32
        %dma_wait3A_320 = arith.constant 0 : i32
        %dma_wait3A_321 = tpu.memref_slice %arg3[%add3A, %dma_wait3A_319, %dma_wait3A_320] : memref<4x8194x2048xf32, #tpu.memory_space<hbm>> -> memref<1x8x2048xf32, #tpu.memory_space<hbm>>
        %dma_wait3A_322 = tpu.memref_squeeze %dma_wait3A_321 : memref<1x8x2048xf32, #tpu.memory_space<hbm>> -> memref<8x2048xf32, #tpu.memory_space<hbm>>
        tpu.wait_dma2 semaphore(%arg13 : memref<!tpu.dma_semaphore, #tpu.memory_space<semaphore_mem>>) src(%arg9 : memref<8x2048xf32, #tpu.memory_space<vmem>>) dst(%dma_wait3A_322 : memref<8x2048xf32, #tpu.memory_space<hbm>>)
      } else {
      }
      %add3A_227 = arith.addi %mul3A_32, %mul3A_186 : i32
      %add3A_228 = arith.constant 2 : i32
      %add3A_229 = arith.addi %add3A_227, %add3A_228 : i32
      %max3A_230 = arith.constant 0 : i32
      %max3A_231 = arith.maxsi %add3A_229, %max3A_230 : i32
      %mul3A_232 = arith.constant 8 : i32
      %mul3A_233 = arith.muli %max3A_231, %mul3A_232 : i32
      %dma_start3A_234 = arith.constant 0 : i32
      %dma_start3A_235 = tpu.memref_slice %arg2[%add3A, %mul3A_233, %dma_start3A_234] : memref<4x8192x2048xf32, #tpu.memory_space<hbm>> -> memref<1x8x2048xf32, #tpu.memory_space<hbm>>
      %dma_start3A_236 = tpu.memref_squeeze %dma_start3A_235 : memref<1x8x2048xf32, #tpu.memory_space<hbm>> -> memref<8x2048xf32, #tpu.memory_space<hbm>>
      %dma_start3A_237 = arith.constant 0 : i32
      %dma_start3A_238 = tpu.memref_slice %arg2[%add3A, %mul3A_233, %dma_start3A_237] : memref<4x8192x2048xf32, #tpu.memory_space<hbm>> -> memref<1x8x2048xf32, #tpu.memory_space<hbm>>
      %dma_start3A_239 = tpu.memref_squeeze %dma_start3A_238 : memref<1x8x2048xf32, #tpu.memory_space<hbm>> -> memref<8x2048xf32, #tpu.memory_space<hbm>>
      tpu.enqueue_dma source(%dma_start3A_239 : memref<8x2048xf32, #tpu.memory_space<hbm>>) target(%arg6 : memref<8x2048xf32, #tpu.memory_space<vmem>>) target_semaphore(%arg12 : memref<!tpu.dma_semaphore, #tpu.memory_space<semaphore_mem>>)
      %dma_wait3A_240 = arith.constant 0 : i32
      %dma_wait3A_241 = arith.constant 0 : i32
      %dma_wait3A_242 = tpu.memref_slice %arg2[%add3A, %dma_wait3A_240, %dma_wait3A_241] : memref<4x8192x2048xf32, #tpu.memory_space<hbm>> -> memref<1x8x2048xf32, #tpu.memory_space<hbm>>
      %dma_wait3A_243 = tpu.memref_squeeze %dma_wait3A_242 : memref<1x8x2048xf32, #tpu.memory_space<hbm>> -> memref<8x2048xf32, #tpu.memory_space<hbm>>
      %dma_wait3A_244 = arith.constant 0 : i32
      %dma_wait3A_245 = arith.constant 0 : i32
      %dma_wait3A_246 = tpu.memref_slice %arg2[%add3A, %dma_wait3A_244, %dma_wait3A_245] : memref<4x8192x2048xf32, #tpu.memory_space<hbm>> -> memref<1x8x2048xf32, #tpu.memory_space<hbm>>
      %dma_wait3A_247 = tpu.memref_squeeze %dma_wait3A_246 : memref<1x8x2048xf32, #tpu.memory_space<hbm>> -> memref<8x2048xf32, #tpu.memory_space<hbm>>
      tpu.wait_dma2 semaphore(%arg12 : memref<!tpu.dma_semaphore, #tpu.memory_space<semaphore_mem>>) src(%dma_wait3A_247 : memref<8x2048xf32, #tpu.memory_space<hbm>>) dst(%arg4 : memref<8x2048xf32, #tpu.memory_space<vmem>>)
      %scan3A_248 = arith.constant 0 : i32
      %scan3A_249 = arith.constant 0 : i32
      %scan3A_250 = arith.constant 32 : i32
      %scan3A_251 = arith.addi %scan3A_249, %scan3A_250 : i32
      %scan3A_252 = arith.constant 1 : i32
      scf.for %scan3A_315 = %scan3A_249 to %scan3A_251 step %scan3A_252  : i32 {
        %mul3A_316 = arith.constant 64 : i32
        %mul3A_317 = arith.muli %scan3A_315, %mul3A_316 : i32
        %add3A_318 = arith.constant 0 : i32
        %add3A_319 = arith.addi %mul3A_317, %add3A_318 : i32
        %get3A = arith.constant 7 : i32
        %get3A_320 = arith.index_cast %get3A : i32 to index
        %get3A_321 = arith.index_cast %add3A_319 : i32 to index
        %get3A_322 = tpu.vector_load %arg4[%get3A_320, %get3A_321] {strides = array<i32>} : memref<8x2048xf32, #tpu.memory_space<vmem>>, vector<1x16xf32>,
        %get3A_323 = vector.shape_cast %get3A_322 : vector<1x16xf32> to vector<16xf32>
        %get3A_324 = arith.constant 0 : i32
        %get3A_325 = arith.index_cast %get3A_324 : i32 to index
        %get3A_326 = arith.index_cast %add3A_319 : i32 to index
        %get3A_327 = tpu.vector_load %arg11[%get3A_325, %get3A_326] {strides = array<i32>} : memref<1x2048xf32, #tpu.memory_space<vmem>>, vector<1x16xf32>,
        %get3A_328 = vector.shape_cast %get3A_327 : vector<1x16xf32> to vector<16xf32>
        %swap3A = arith.constant 0 : i32
        %swap3A_329 = arith.index_cast %swap3A : i32 to index
        %swap3A_330 = arith.index_cast %add3A_319 : i32 to index
        %swap3A_331 = tpu.vector_load %arg7[%swap3A_329, %swap3A_330] {strides = array<i32>} : memref<8x2048xf32, #tpu.memory_space<vmem>>, vector<1x16xf32>,
        %swap3A_332 = vector.shape_cast %swap3A_331 : vector<1x16xf32> to vector<16xf32>
        %swap3A_333 = vector.shape_cast %get3A_328 : vector<16xf32> to vector<1x16xf32>
        tpu.vector_store %arg7[%swap3A_329, %swap3A_330], %swap3A_333 {strides = array<i32>} : memref<8x2048xf32, #tpu.memory_space<vmem>>, vector<1x16xf32>,
        %get3A_334 = arith.constant 0 : i32
        %get3A_335 = arith.index_cast %get3A_334 : i32 to index
        %get3A_336 = arith.index_cast %add3A_319 : i32 to index
        %get3A_337 = tpu.vector_load %arg4[%get3A_335, %get3A_336] {strides = array<i32>} : memref<8x2048xf32, #tpu.memory_space<vmem>>, vector<1x16xf32>,
        %get3A_338 = vector.shape_cast %get3A_337 : vector<1x16xf32> to vector<16xf32>
        %swap3A_339 = arith.constant 1 : i32
        %swap3A_340 = arith.index_cast %swap3A_339 : i32 to index
        %swap3A_341 = arith.index_cast %add3A_319 : i32 to index
        %swap3A_342 = tpu.vector_load %arg7[%swap3A_340, %swap3A_341] {strides = array<i32>} : memref<8x2048xf32, #tpu.memory_space<vmem>>, vector<1x16xf32>,
        %swap3A_343 = vector.shape_cast %swap3A_342 : vector<1x16xf32> to vector<16xf32>
        %swap3A_344 = vector.shape_cast %get3A_338 : vector<16xf32> to vector<1x16xf32>
        tpu.vector_store %arg7[%swap3A_340, %swap3A_341], %swap3A_344 {strides = array<i32>} : memref<8x2048xf32, #tpu.memory_space<vmem>>, vector<1x16xf32>,
        %get3A_345 = arith.constant 1 : i32
        %get3A_346 = arith.index_cast %get3A_345 : i32 to index
        %get3A_347 = arith.index_cast %add3A_319 : i32 to index
        %get3A_348 = tpu.vector_load %arg4[%get3A_346, %get3A_347] {strides = array<i32>} : memref<8x2048xf32, #tpu.memory_space<vmem>>, vector<1x16xf32>,
        %get3A_349 = vector.shape_cast %get3A_348 : vector<1x16xf32> to vector<16xf32>
        %swap3A_350 = arith.constant 2 : i32
        %swap3A_351 = arith.index_cast %swap3A_350 : i32 to index
        %swap3A_352 = arith.index_cast %add3A_319 : i32 to index
        %swap3A_353 = tpu.vector_load %arg7[%swap3A_351, %swap3A_352] {strides = array<i32>} : memref<8x2048xf32, #tpu.memory_space<vmem>>, vector<1x16xf32>,
        %swap3A_354 = vector.shape_cast %swap3A_353 : vector<1x16xf32> to vector<16xf32>
        %swap3A_355 = vector.shape_cast %get3A_349 : vector<16xf32> to vector<1x16xf32>
        tpu.vector_store %arg7[%swap3A_351, %swap3A_352], %swap3A_355 {strides = array<i32>} : memref<8x2048xf32, #tpu.memory_space<vmem>>, vector<1x16xf32>,
        %get3A_356 = arith.constant 2 : i32
        %get3A_357 = arith.index_cast %get3A_356 : i32 to index
        %get3A_358 = arith.index_cast %add3A_319 : i32 to index
        %get3A_359 = tpu.vector_load %arg4[%get3A_357, %get3A_358] {strides = array<i32>} : memref<8x2048xf32, #tpu.memory_space<vmem>>, vector<1x16xf32>,
        %get3A_360 = vector.shape_cast %get3A_359 : vector<1x16xf32> to vector<16xf32>
        %swap3A_361 = arith.constant 3 : i32
        %swap3A_362 = arith.index_cast %swap3A_361 : i32 to index
        %swap3A_363 = arith.index_cast %add3A_319 : i32 to index
        %swap3A_364 = tpu.vector_load %arg7[%swap3A_362, %swap3A_363] {strides = array<i32>} : memref<8x2048xf32, #tpu.memory_space<vmem>>, vector<1x16xf32>,
        %swap3A_365 = vector.shape_cast %swap3A_364 : vector<1x16xf32> to vector<16xf32>
        %swap3A_366 = vector.shape_cast %get3A_360 : vector<16xf32> to vector<1x16xf32>
        tpu.vector_store %arg7[%swap3A_362, %swap3A_363], %swap3A_366 {strides = array<i32>} : memref<8x2048xf32, #tpu.memory_space<vmem>>, vector<1x16xf32>,
        %get3A_367 = arith.constant 3 : i32
        %get3A_368 = arith.index_cast %get3A_367 : i32 to index
        %get3A_369 = arith.index_cast %add3A_319 : i32 to index
        %get3A_370 = tpu.vector_load %arg4[%get3A_368, %get3A_369] {strides = array<i32>} : memref<8x2048xf32, #tpu.memory_space<vmem>>, vector<1x16xf32>,
        %get3A_371 = vector.shape_cast %get3A_370 : vector<1x16xf32> to vector<16xf32>
        %swap3A_372 = arith.constant 4 : i32
        %swap3A_373 = arith.index_cast %swap3A_372 : i32 to index
        %swap3A_374 = arith.index_cast %add3A_319 : i32 to index
        %swap3A_375 = tpu.vector_load %arg7[%swap3A_373, %swap3A_374] {strides = array<i32>} : memref<8x2048xf32, #tpu.memory_space<vmem>>, vector<1x16xf32>,
        %swap3A_376 = vector.shape_cast %swap3A_375 : vector<1x16xf32> to vector<16xf32>
        %swap3A_377 = vector.shape_cast %get3A_371 : vector<16xf32> to vector<1x16xf32>
        tpu.vector_store %arg7[%swap3A_373, %swap3A_374], %swap3A_377 {strides = array<i32>} : memref<8x2048xf32, #tpu.memory_space<vmem>>, vector<1x16xf32>,
        %get3A_378 = arith.constant 4 : i32
        %get3A_379 = arith.index_cast %get3A_378 : i32 to index
        %get3A_380 = arith.index_cast %add3A_319 : i32 to index
        %get3A_381 = tpu.vector_load %arg4[%get3A_379, %get3A_380] {strides = array<i32>} : memref<8x2048xf32, #tpu.memory_space<vmem>>, vector<1x16xf32>,
        %get3A_382 = vector.shape_cast %get3A_381 : vector<1x16xf32> to vector<16xf32>
        %swap3A_383 = arith.constant 5 : i32
        %swap3A_384 = arith.index_cast %swap3A_383 : i32 to index
        %swap3A_385 = arith.index_cast %add3A_319 : i32 to index
        %swap3A_386 = tpu.vector_load %arg7[%swap3A_384, %swap3A_385] {strides = array<i32>} : memref<8x2048xf32, #tpu.memory_space<vmem>>, vector<1x16xf32>,
        %swap3A_387 = vector.shape_cast %swap3A_386 : vector<1x16xf32> to vector<16xf32>
        %swap3A_388 = vector.shape_cast %get3A_382 : vector<16xf32> to vector<1x16xf32>
        tpu.vector_store %arg7[%swap3A_384, %swap3A_385], %swap3A_388 {strides = array<i32>} : memref<8x2048xf32, #tpu.memory_space<vmem>>, vector<1x16xf32>,
        %get3A_389 = arith.constant 5 : i32
        %get3A_390 = arith.index_cast %get3A_389 : i32 to index
        %get3A_391 = arith.index_cast %add3A_319 : i32 to index
        %get3A_392 = tpu.vector_load %arg4[%get3A_390, %get3A_391] {strides = array<i32>} : memref<8x2048xf32, #tpu.memory_space<vmem>>, vector<1x16xf32>,
        %get3A_393 = vector.shape_cast %get3A_392 : vector<1x16xf32> to vector<16xf32>
        %swap3A_394 = arith.constant 6 : i32
        %swap3A_395 = arith.index_cast %swap3A_394 : i32 to index
        %swap3A_396 = arith.index_cast %add3A_319 : i32 to index
        %swap3A_397 = tpu.vector_load %arg7[%swap3A_395, %swap3A_396] {strides = array<i32>} : memref<8x2048xf32, #tpu.memory_space<vmem>>, vector<1x16xf32>,
        %swap3A_398 = vector.shape_cast %swap3A_397 : vector<1x16xf32> to vector<16xf32>
        %swap3A_399 = vector.shape_cast %get3A_393 : vector<16xf32> to vector<1x16xf32>
        tpu.vector_store %arg7[%swap3A_395, %swap3A_396], %swap3A_399 {strides = array<i32>} : memref<8x2048xf32, #tpu.memory_space<vmem>>, vector<1x16xf32>,
        %get3A_400 = arith.constant 6 : i32
        %get3A_401 = arith.index_cast %get3A_400 : i32 to index
        %get3A_402 = arith.index_cast %add3A_319 : i32 to index
        %get3A_403 = tpu.vector_load %arg4[%get3A_401, %get3A_402] {strides = array<i32>} : memref<8x2048xf32, #tpu.memory_space<vmem>>, vector<1x16xf32>,
        %get3A_404 = vector.shape_cast %get3A_403 : vector<1x16xf32> to vector<16xf32>
        %swap3A_405 = arith.constant 7 : i32
        %swap3A_406 = arith.index_cast %swap3A_405 : i32 to index
        %swap3A_407 = arith.index_cast %add3A_319 : i32 to index
        %swap3A_408 = tpu.vector_load %arg7[%swap3A_406, %swap3A_407] {strides = array<i32>} : memref<8x2048xf32, #tpu.memory_space<vmem>>, vector<1x16xf32>,
        %swap3A_409 = vector.shape_cast %swap3A_408 : vector<1x16xf32> to vector<16xf32>
        %swap3A_410 = vector.shape_cast %get3A_404 : vector<16xf32> to vector<1x16xf32>
        tpu.vector_store %arg7[%swap3A_406, %swap3A_407], %swap3A_410 {strides = array<i32>} : memref<8x2048xf32, #tpu.memory_space<vmem>>, vector<1x16xf32>,
        %swap3A_411 = arith.constant 0 : i32
        %swap3A_412 = arith.index_cast %swap3A_411 : i32 to index
        %swap3A_413 = arith.index_cast %add3A_319 : i32 to index
        %swap3A_414 = tpu.vector_load %arg11[%swap3A_412, %swap3A_413] {strides = array<i32>} : memref<1x2048xf32, #tpu.memory_space<vmem>>, vector<1x16xf32>,
        %swap3A_415 = vector.shape_cast %swap3A_414 : vector<1x16xf32> to vector<16xf32>
        %swap3A_416 = vector.shape_cast %get3A_323 : vector<16xf32> to vector<1x16xf32>
        tpu.vector_store %arg11[%swap3A_412, %swap3A_413], %swap3A_416 {strides = array<i32>} : memref<1x2048xf32, #tpu.memory_space<vmem>>, vector<1x16xf32>,
        %mul3A_417 = arith.constant 64 : i32
        %mul3A_418 = arith.muli %scan3A_315, %mul3A_417 : i32
        %add3A_419 = arith.constant 16 : i32
        %add3A_420 = arith.addi %mul3A_418, %add3A_419 : i32
        %get3A_421 = arith.constant 7 : i32
        %get3A_422 = arith.index_cast %get3A_421 : i32 to index
        %get3A_423 = arith.index_cast %add3A_420 : i32 to index
        %get3A_424 = tpu.vector_load %arg4[%get3A_422, %get3A_423] {strides = array<i32>} : memref<8x2048xf32, #tpu.memory_space<vmem>>, vector<1x16xf32>,
        %get3A_425 = vector.shape_cast %get3A_424 : vector<1x16xf32> to vector<16xf32>
        %get3A_426 = arith.constant 0 : i32
        %get3A_427 = arith.index_cast %get3A_426 : i32 to index
        %get3A_428 = arith.index_cast %add3A_420 : i32 to index
        %get3A_429 = tpu.vector_load %arg11[%get3A_427, %get3A_428] {strides = array<i32>} : memref<1x2048xf32, #tpu.memory_space<vmem>>, vector<1x16xf32>,
        %get3A_430 = vector.shape_cast %get3A_429 : vector<1x16xf32> to vector<16xf32>
        %swap3A_431 = arith.constant 0 : i32
        %swap3A_432 = arith.index_cast %swap3A_431 : i32 to index
        %swap3A_433 = arith.index_cast %add3A_420 : i32 to index
        %swap3A_434 = tpu.vector_load %arg7[%swap3A_432, %swap3A_433] {strides = array<i32>} : memref<8x2048xf32, #tpu.memory_space<vmem>>, vector<1x16xf32>,
        %swap3A_435 = vector.shape_cast %swap3A_434 : vector<1x16xf32> to vector<16xf32>
        %swap3A_436 = vector.shape_cast %get3A_430 : vector<16xf32> to vector<1x16xf32>
        tpu.vector_store %arg7[%swap3A_432, %swap3A_433], %swap3A_436 {strides = array<i32>} : memref<8x2048xf32, #tpu.memory_space<vmem>>, vector<1x16xf32>,
        %get3A_437 = arith.constant 0 : i32
        %get3A_438 = arith.index_cast %get3A_437 : i32 to index
        %get3A_439 = arith.index_cast %add3A_420 : i32 to index
        %get3A_440 = tpu.vector_load %arg4[%get3A_438, %get3A_439] {strides = array<i32>} : memref<8x2048xf32, #tpu.memory_space<vmem>>, vector<1x16xf32>,
        %get3A_441 = vector.shape_cast %get3A_440 : vector<1x16xf32> to vector<16xf32>
        %swap3A_442 = arith.constant 1 : i32
        %swap3A_443 = arith.index_cast %swap3A_442 : i32 to index
        %swap3A_444 = arith.index_cast %add3A_420 : i32 to index
        %swap3A_445 = tpu.vector_load %arg7[%swap3A_443, %swap3A_444] {strides = array<i32>} : memref<8x2048xf32, #tpu.memory_space<vmem>>, vector<1x16xf32>,
        %swap3A_446 = vector.shape_cast %swap3A_445 : vector<1x16xf32> to vector<16xf32>
        %swap3A_447 = vector.shape_cast %get3A_441 : vector<16xf32> to vector<1x16xf32>
        tpu.vector_store %arg7[%swap3A_443, %swap3A_444], %swap3A_447 {strides = array<i32>} : memref<8x2048xf32, #tpu.memory_space<vmem>>, vector<1x16xf32>,
        %get3A_448 = arith.constant 1 : i32
        %get3A_449 = arith.index_cast %get3A_448 : i32 to index
        %get3A_450 = arith.index_cast %add3A_420 : i32 to index
        %get3A_451 = tpu.vector_load %arg4[%get3A_449, %get3A_450] {strides = array<i32>} : memref<8x2048xf32, #tpu.memory_space<vmem>>, vector<1x16xf32>,
        %get3A_452 = vector.shape_cast %get3A_451 : vector<1x16xf32> to vector<16xf32>
        %swap3A_453 = arith.constant 2 : i32
        %swap3A_454 = arith.index_cast %swap3A_453 : i32 to index
        %swap3A_455 = arith.index_cast %add3A_420 : i32 to index
        %swap3A_456 = tpu.vector_load %arg7[%swap3A_454, %swap3A_455] {strides = array<i32>} : memref<8x2048xf32, #tpu.memory_space<vmem>>, vector<1x16xf32>,
        %swap3A_457 = vector.shape_cast %swap3A_456 : vector<1x16xf32> to vector<16xf32>
        %swap3A_458 = vector.shape_cast %get3A_452 : vector<16xf32> to vector<1x16xf32>
        tpu.vector_store %arg7[%swap3A_454, %swap3A_455], %swap3A_458 {strides = array<i32>} : memref<8x2048xf32, #tpu.memory_space<vmem>>, vector<1x16xf32>,
        %get3A_459 = arith.constant 2 : i32
        %get3A_460 = arith.index_cast %get3A_459 : i32 to index
        %get3A_461 = arith.index_cast %add3A_420 : i32 to index
        %get3A_462 = tpu.vector_load %arg4[%get3A_460, %get3A_461] {strides = array<i32>} : memref<8x2048xf32, #tpu.memory_space<vmem>>, vector<1x16xf32>,
        %get3A_463 = vector.shape_cast %get3A_462 : vector<1x16xf32> to vector<16xf32>
        %swap3A_464 = arith.constant 3 : i32
        %swap3A_465 = arith.index_cast %swap3A_464 : i32 to index
        %swap3A_466 = arith.index_cast %add3A_420 : i32 to index
        %swap3A_467 = tpu.vector_load %arg7[%swap3A_465, %swap3A_466] {strides = array<i32>} : memref<8x2048xf32, #tpu.memory_space<vmem>>, vector<1x16xf32>,
        %swap3A_468 = vector.shape_cast %swap3A_467 : vector<1x16xf32> to vector<16xf32>
        %swap3A_469 = vector.shape_cast %get3A_463 : vector<16xf32> to vector<1x16xf32>
        tpu.vector_store %arg7[%swap3A_465, %swap3A_466], %swap3A_469 {strides = array<i32>} : memref<8x2048xf32, #tpu.memory_space<vmem>>, vector<1x16xf32>,
        %get3A_470 = arith.constant 3 : i32
        %get3A_471 = arith.index_cast %get3A_470 : i32 to index
        %get3A_472 = arith.index_cast %add3A_420 : i32 to index
        %get3A_473 = tpu.vector_load %arg4[%get3A_471, %get3A_472] {strides = array<i32>} : memref<8x2048xf32, #tpu.memory_space<vmem>>, vector<1x16xf32>,
        %get3A_474 = vector.shape_cast %get3A_473 : vector<1x16xf32> to vector<16xf32>
        %swap3A_475 = arith.constant 4 : i32
        %swap3A_476 = arith.index_cast %swap3A_475 : i32 to index
        %swap3A_477 = arith.index_cast %add3A_420 : i32 to index
        %swap3A_478 = tpu.vector_load %arg7[%swap3A_476, %swap3A_477] {strides = array<i32>} : memref<8x2048xf32, #tpu.memory_space<vmem>>, vector<1x16xf32>,
        %swap3A_479 = vector.shape_cast %swap3A_478 : vector<1x16xf32> to vector<16xf32>
        %swap3A_480 = vector.shape_cast %get3A_474 : vector<16xf32> to vector<1x16xf32>
        tpu.vector_store %arg7[%swap3A_476, %swap3A_477], %swap3A_480 {strides = array<i32>} : memref<8x2048xf32, #tpu.memory_space<vmem>>, vector<1x16xf32>,
        %get3A_481 = arith.constant 4 : i32
        %get3A_482 = arith.index_cast %get3A_481 : i32 to index
        %get3A_483 = arith.index_cast %add3A_420 : i32 to index
        %get3A_484 = tpu.vector_load %arg4[%get3A_482, %get3A_483] {strides = array<i32>} : memref<8x2048xf32, #tpu.memory_space<vmem>>, vector<1x16xf32>,
        %get3A_485 = vector.shape_cast %get3A_484 : vector<1x16xf32> to vector<16xf32>
        %swap3A_486 = arith.constant 5 : i32
        %swap3A_487 = arith.index_cast %swap3A_486 : i32 to index
        %swap3A_488 = arith.index_cast %add3A_420 : i32 to index
        %swap3A_489 = tpu.vector_load %arg7[%swap3A_487, %swap3A_488] {strides = array<i32>} : memref<8x2048xf32, #tpu.memory_space<vmem>>, vector<1x16xf32>,
        %swap3A_490 = vector.shape_cast %swap3A_489 : vector<1x16xf32> to vector<16xf32>
        %swap3A_491 = vector.shape_cast %get3A_485 : vector<16xf32> to vector<1x16xf32>
        tpu.vector_store %arg7[%swap3A_487, %swap3A_488], %swap3A_491 {strides = array<i32>} : memref<8x2048xf32, #tpu.memory_space<vmem>>, vector<1x16xf32>,
        %get3A_492 = arith.constant 5 : i32
        %get3A_493 = arith.index_cast %get3A_492 : i32 to index
        %get3A_494 = arith.index_cast %add3A_420 : i32 to index
        %get3A_495 = tpu.vector_load %arg4[%get3A_493, %get3A_494] {strides = array<i32>} : memref<8x2048xf32, #tpu.memory_space<vmem>>, vector<1x16xf32>,
        %get3A_496 = vector.shape_cast %get3A_495 : vector<1x16xf32> to vector<16xf32>
        %swap3A_497 = arith.constant 6 : i32
        %swap3A_498 = arith.index_cast %swap3A_497 : i32 to index
        %swap3A_499 = arith.index_cast %add3A_420 : i32 to index
        %swap3A_500 = tpu.vector_load %arg7[%swap3A_498, %swap3A_499] {strides = array<i32>} : memref<8x2048xf32, #tpu.memory_space<vmem>>, vector<1x16xf32>,
        %swap3A_501 = vector.shape_cast %swap3A_500 : vector<1x16xf32> to vector<16xf32>
        %swap3A_502 = vector.shape_cast %get3A_496 : vector<16xf32> to vector<1x16xf32>
        tpu.vector_store %arg7[%swap3A_498, %swap3A_499], %swap3A_502 {strides = array<i32>} : memref<8x2048xf32, #tpu.memory_space<vmem>>, vector<1x16xf32>,
        %get3A_503 = arith.constant 6 : i32
        %get3A_504 = arith.index_cast %get3A_503 : i32 to index
        %get3A_505 = arith.index_cast %add3A_420 : i32 to index
        %get3A_506 = tpu.vector_load %arg4[%get3A_504, %get3A_505] {strides = array<i32>} : memref<8x2048xf32, #tpu.memory_space<vmem>>, vector<1x16xf32>,
        %get3A_507 = vector.shape_cast %get3A_506 : vector<1x16xf32> to vector<16xf32>
        %swap3A_508 = arith.constant 7 : i32
        %swap3A_509 = arith.index_cast %swap3A_508 : i32 to index
        %swap3A_510 = arith.index_cast %add3A_420 : i32 to index
        %swap3A_511 = tpu.vector_load %arg7[%swap3A_509, %swap3A_510] {strides = array<i32>} : memref<8x2048xf32, #tpu.memory_space<vmem>>, vector<1x16xf32>,
        %swap3A_512 = vector.shape_cast %swap3A_511 : vector<1x16xf32> to vector<16xf32>
        %swap3A_513 = vector.shape_cast %get3A_507 : vector<16xf32> to vector<1x16xf32>
        tpu.vector_store %arg7[%swap3A_509, %swap3A_510], %swap3A_513 {strides = array<i32>} : memref<8x2048xf32, #tpu.memory_space<vmem>>, vector<1x16xf32>,
        %swap3A_514 = arith.constant 0 : i32
        %swap3A_515 = arith.index_cast %swap3A_514 : i32 to index
        %swap3A_516 = arith.index_cast %add3A_420 : i32 to index
        %swap3A_517 = tpu.vector_load %arg11[%swap3A_515, %swap3A_516] {strides = array<i32>} : memref<1x2048xf32, #tpu.memory_space<vmem>>, vector<1x16xf32>,
        %swap3A_518 = vector.shape_cast %swap3A_517 : vector<1x16xf32> to vector<16xf32>
        %swap3A_519 = vector.shape_cast %get3A_425 : vector<16xf32> to vector<1x16xf32>
        tpu.vector_store %arg11[%swap3A_515, %swap3A_516], %swap3A_519 {strides = array<i32>} : memref<1x2048xf32, #tpu.memory_space<vmem>>, vector<1x16xf32>,
        %mul3A_520 = arith.constant 64 : i32
        %mul3A_521 = arith.muli %scan3A_315, %mul3A_520 : i32
        %add3A_522 = arith.constant 32 : i32
        %add3A_523 = arith.addi %mul3A_521, %add3A_522 : i32
        %get3A_524 = arith.constant 7 : i32
        %get3A_525 = arith.index_cast %get3A_524 : i32 to index
        %get3A_526 = arith.index_cast %add3A_523 : i32 to index
        %get3A_527 = tpu.vector_load %arg4[%get3A_525, %get3A_526] {strides = array<i32>} : memref<8x2048xf32, #tpu.memory_space<vmem>>, vector<1x16xf32>,
        %get3A_528 = vector.shape_cast %get3A_527 : vector<1x16xf32> to vector<16xf32>
        %get3A_529 = arith.constant 0 : i32
        %get3A_530 = arith.index_cast %get3A_529 : i32 to index
        %get3A_531 = arith.index_cast %add3A_523 : i32 to index
        %get3A_532 = tpu.vector_load %arg11[%get3A_530, %get3A_531] {strides = array<i32>} : memref<1x2048xf32, #tpu.memory_space<vmem>>, vector<1x16xf32>,
        %get3A_533 = vector.shape_cast %get3A_532 : vector<1x16xf32> to vector<16xf32>
        %swap3A_534 = arith.constant 0 : i32
        %swap3A_535 = arith.index_cast %swap3A_534 : i32 to index
        %swap3A_536 = arith.index_cast %add3A_523 : i32 to index
        %swap3A_537 = tpu.vector_load %arg7[%swap3A_535, %swap3A_536] {strides = array<i32>} : memref<8x2048xf32, #tpu.memory_space<vmem>>, vector<1x16xf32>,
        %swap3A_538 = vector.shape_cast %swap3A_537 : vector<1x16xf32> to vector<16xf32>
        %swap3A_539 = vector.shape_cast %get3A_533 : vector<16xf32> to vector<1x16xf32>
        tpu.vector_store %arg7[%swap3A_535, %swap3A_536], %swap3A_539 {strides = array<i32>} : memref<8x2048xf32, #tpu.memory_space<vmem>>, vector<1x16xf32>,
        %get3A_540 = arith.constant 0 : i32
        %get3A_541 = arith.index_cast %get3A_540 : i32 to index
        %get3A_542 = arith.index_cast %add3A_523 : i32 to index
        %get3A_543 = tpu.vector_load %arg4[%get3A_541, %get3A_542] {strides = array<i32>} : memref<8x2048xf32, #tpu.memory_space<vmem>>, vector<1x16xf32>,
        %get3A_544 = vector.shape_cast %get3A_543 : vector<1x16xf32> to vector<16xf32>
        %swap3A_545 = arith.constant 1 : i32
        %swap3A_546 = arith.index_cast %swap3A_545 : i32 to index
        %swap3A_547 = arith.index_cast %add3A_523 : i32 to index
        %swap3A_548 = tpu.vector_load %arg7[%swap3A_546, %swap3A_547] {strides = array<i32>} : memref<8x2048xf32, #tpu.memory_space<vmem>>, vector<1x16xf32>,
        %swap3A_549 = vector.shape_cast %swap3A_548 : vector<1x16xf32> to vector<16xf32>
        %swap3A_550 = vector.shape_cast %get3A_544 : vector<16xf32> to vector<1x16xf32>
        tpu.vector_store %arg7[%swap3A_546, %swap3A_547], %swap3A_550 {strides = array<i32>} : memref<8x2048xf32, #tpu.memory_space<vmem>>, vector<1x16xf32>,
        %get3A_551 = arith.constant 1 : i32
        %get3A_552 = arith.index_cast %get3A_551 : i32 to index
        %get3A_553 = arith.index_cast %add3A_523 : i32 to index
        %get3A_554 = tpu.vector_load %arg4[%get3A_552, %get3A_553] {strides = array<i32>} : memref<8x2048xf32, #tpu.memory_space<vmem>>, vector<1x16xf32>,
        %get3A_555 = vector.shape_cast %get3A_554 : vector<1x16xf32> to vector<16xf32>
        %swap3A_556 = arith.constant 2 : i32
        %swap3A_557 = arith.index_cast %swap3A_556 : i32 to index
        %swap3A_558 = arith.index_cast %add3A_523 : i32 to index
        %swap3A_559 = tpu.vector_load %arg7[%swap3A_557, %swap3A_558] {strides = array<i32>} : memref<8x2048xf32, #tpu.memory_space<vmem>>, vector<1x16xf32>,
        %swap3A_560 = vector.shape_cast %swap3A_559 : vector<1x16xf32> to vector<16xf32>
        %swap3A_561 = vector.shape_cast %get3A_555 : vector<16xf32> to vector<1x16xf32>
        tpu.vector_store %arg7[%swap3A_557, %swap3A_558], %swap3A_561 {strides = array<i32>} : memref<8x2048xf32, #tpu.memory_space<vmem>>, vector<1x16xf32>,
        %get3A_562 = arith.constant 2 : i32
        %get3A_563 = arith.index_cast %get3A_562 : i32 to index
        %get3A_564 = arith.index_cast %add3A_523 : i32 to index
        %get3A_565 = tpu.vector_load %arg4[%get3A_563, %get3A_564] {strides = array<i32>} : memref<8x2048xf32, #tpu.memory_space<vmem>>, vector<1x16xf32>,
        %get3A_566 = vector.shape_cast %get3A_565 : vector<1x16xf32> to vector<16xf32>
        %swap3A_567 = arith.constant 3 : i32
        %swap3A_568 = arith.index_cast %swap3A_567 : i32 to index
        %swap3A_569 = arith.index_cast %add3A_523 : i32 to index
        %swap3A_570 = tpu.vector_load %arg7[%swap3A_568, %swap3A_569] {strides = array<i32>} : memref<8x2048xf32, #tpu.memory_space<vmem>>, vector<1x16xf32>,
        %swap3A_571 = vector.shape_cast %swap3A_570 : vector<1x16xf32> to vector<16xf32>
        %swap3A_572 = vector.shape_cast %get3A_566 : vector<16xf32> to vector<1x16xf32>
        tpu.vector_store %arg7[%swap3A_568, %swap3A_569], %swap3A_572 {strides = array<i32>} : memref<8x2048xf32, #tpu.memory_space<vmem>>, vector<1x16xf32>,
        %get3A_573 = arith.constant 3 : i32
        %get3A_574 = arith.index_cast %get3A_573 : i32 to index
        %get3A_575 = arith.index_cast %add3A_523 : i32 to index
        %get3A_576 = tpu.vector_load %arg4[%get3A_574, %get3A_575] {strides = array<i32>} : memref<8x2048xf32, #tpu.memory_space<vmem>>, vector<1x16xf32>,
        %get3A_577 = vector.shape_cast %get3A_576 : vector<1x16xf32> to vector<16xf32>
        %swap3A_578 = arith.constant 4 : i32
        %swap3A_579 = arith.index_cast %swap3A_578 : i32 to index
        %swap3A_580 = arith.index_cast %add3A_523 : i32 to index
        %swap3A_581 = tpu.vector_load %arg7[%swap3A_579, %swap3A_580] {strides = array<i32>} : memref<8x2048xf32, #tpu.memory_space<vmem>>, vector<1x16xf32>,
        %swap3A_582 = vector.shape_cast %swap3A_581 : vector<1x16xf32> to vector<16xf32>
        %swap3A_583 = vector.shape_cast %get3A_577 : vector<16xf32> to vector<1x16xf32>
        tpu.vector_store %arg7[%swap3A_579, %swap3A_580], %swap3A_583 {strides = array<i32>} : memref<8x2048xf32, #tpu.memory_space<vmem>>, vector<1x16xf32>,
        %get3A_584 = arith.constant 4 : i32
        %get3A_585 = arith.index_cast %get3A_584 : i32 to index
        %get3A_586 = arith.index_cast %add3A_523 : i32 to index
        %get3A_587 = tpu.vector_load %arg4[%get3A_585, %get3A_586] {strides = array<i32>} : memref<8x2048xf32, #tpu.memory_space<vmem>>, vector<1x16xf32>,
        %get3A_588 = vector.shape_cast %get3A_587 : vector<1x16xf32> to vector<16xf32>
        %swap3A_589 = arith.constant 5 : i32
        %swap3A_590 = arith.index_cast %swap3A_589 : i32 to index
        %swap3A_591 = arith.index_cast %add3A_523 : i32 to index
        %swap3A_592 = tpu.vector_load %arg7[%swap3A_590, %swap3A_591] {strides = array<i32>} : memref<8x2048xf32, #tpu.memory_space<vmem>>, vector<1x16xf32>,
        %swap3A_593 = vector.shape_cast %swap3A_592 : vector<1x16xf32> to vector<16xf32>
        %swap3A_594 = vector.shape_cast %get3A_588 : vector<16xf32> to vector<1x16xf32>
        tpu.vector_store %arg7[%swap3A_590, %swap3A_591], %swap3A_594 {strides = array<i32>} : memref<8x2048xf32, #tpu.memory_space<vmem>>, vector<1x16xf32>,
        %get3A_595 = arith.constant 5 : i32
        %get3A_596 = arith.index_cast %get3A_595 : i32 to index
        %get3A_597 = arith.index_cast %add3A_523 : i32 to index
        %get3A_598 = tpu.vector_load %arg4[%get3A_596, %get3A_597] {strides = array<i32>} : memref<8x2048xf32, #tpu.memory_space<vmem>>, vector<1x16xf32>,
        %get3A_599 = vector.shape_cast %get3A_598 : vector<1x16xf32> to vector<16xf32>
        %swap3A_600 = arith.constant 6 : i32
        %swap3A_601 = arith.index_cast %swap3A_600 : i32 to index
        %swap3A_602 = arith.index_cast %add3A_523 : i32 to index
        %swap3A_603 = tpu.vector_load %arg7[%swap3A_601, %swap3A_602] {strides = array<i32>} : memref<8x2048xf32, #tpu.memory_space<vmem>>, vector<1x16xf32>,
        %swap3A_604 = vector.shape_cast %swap3A_603 : vector<1x16xf32> to vector<16xf32>
        %swap3A_605 = vector.shape_cast %get3A_599 : vector<16xf32> to vector<1x16xf32>
        tpu.vector_store %arg7[%swap3A_601, %swap3A_602], %swap3A_605 {strides = array<i32>} : memref<8x2048xf32, #tpu.memory_space<vmem>>, vector<1x16xf32>,
        %get3A_606 = arith.constant 6 : i32
        %get3A_607 = arith.index_cast %get3A_606 : i32 to index
        %get3A_608 = arith.index_cast %add3A_523 : i32 to index
        %get3A_609 = tpu.vector_load %arg4[%get3A_607, %get3A_608] {strides = array<i32>} : memref<8x2048xf32, #tpu.memory_space<vmem>>, vector<1x16xf32>,
        %get3A_610 = vector.shape_cast %get3A_609 : vector<1x16xf32> to vector<16xf32>
        %swap3A_611 = arith.constant 7 : i32
        %swap3A_612 = arith.index_cast %swap3A_611 : i32 to index
        %swap3A_613 = arith.index_cast %add3A_523 : i32 to index
        %swap3A_614 = tpu.vector_load %arg7[%swap3A_612, %swap3A_613] {strides = array<i32>} : memref<8x2048xf32, #tpu.memory_space<vmem>>, vector<1x16xf32>,
        %swap3A_615 = vector.shape_cast %swap3A_614 : vector<1x16xf32> to vector<16xf32>
        %swap3A_616 = vector.shape_cast %get3A_610 : vector<16xf32> to vector<1x16xf32>
        tpu.vector_store %arg7[%swap3A_612, %swap3A_613], %swap3A_616 {strides = array<i32>} : memref<8x2048xf32, #tpu.memory_space<vmem>>, vector<1x16xf32>,
        %swap3A_617 = arith.constant 0 : i32
        %swap3A_618 = arith.index_cast %swap3A_617 : i32 to index
        %swap3A_619 = arith.index_cast %add3A_523 : i32 to index
        %swap3A_620 = tpu.vector_load %arg11[%swap3A_618, %swap3A_619] {strides = array<i32>} : memref<1x2048xf32, #tpu.memory_space<vmem>>, vector<1x16xf32>,
        %swap3A_621 = vector.shape_cast %swap3A_620 : vector<1x16xf32> to vector<16xf32>
        %swap3A_622 = vector.shape_cast %get3A_528 : vector<16xf32> to vector<1x16xf32>
        tpu.vector_store %arg11[%swap3A_618, %swap3A_619], %swap3A_622 {strides = array<i32>} : memref<1x2048xf32, #tpu.memory_space<vmem>>, vector<1x16xf32>,
        %mul3A_623 = arith.constant 64 : i32
        %mul3A_624 = arith.muli %scan3A_315, %mul3A_623 : i32
        %add3A_625 = arith.constant 48 : i32
        %add3A_626 = arith.addi %mul3A_624, %add3A_625 : i32
        %get3A_627 = arith.constant 7 : i32
        %get3A_628 = arith.index_cast %get3A_627 : i32 to index
        %get3A_629 = arith.index_cast %add3A_626 : i32 to index
        %get3A_630 = tpu.vector_load %arg4[%get3A_628, %get3A_629] {strides = array<i32>} : memref<8x2048xf32, #tpu.memory_space<vmem>>, vector<1x16xf32>,
        %get3A_631 = vector.shape_cast %get3A_630 : vector<1x16xf32> to vector<16xf32>
        %get3A_632 = arith.constant 0 : i32
        %get3A_633 = arith.index_cast %get3A_632 : i32 to index
        %get3A_634 = arith.index_cast %add3A_626 : i32 to index
        %get3A_635 = tpu.vector_load %arg11[%get3A_633, %get3A_634] {strides = array<i32>} : memref<1x2048xf32, #tpu.memory_space<vmem>>, vector<1x16xf32>,
        %get3A_636 = vector.shape_cast %get3A_635 : vector<1x16xf32> to vector<16xf32>
        %swap3A_637 = arith.constant 0 : i32
        %swap3A_638 = arith.index_cast %swap3A_637 : i32 to index
        %swap3A_639 = arith.index_cast %add3A_626 : i32 to index
        %swap3A_640 = tpu.vector_load %arg7[%swap3A_638, %swap3A_639] {strides = array<i32>} : memref<8x2048xf32, #tpu.memory_space<vmem>>, vector<1x16xf32>,
        %swap3A_641 = vector.shape_cast %swap3A_640 : vector<1x16xf32> to vector<16xf32>
        %swap3A_642 = vector.shape_cast %get3A_636 : vector<16xf32> to vector<1x16xf32>
        tpu.vector_store %arg7[%swap3A_638, %swap3A_639], %swap3A_642 {strides = array<i32>} : memref<8x2048xf32, #tpu.memory_space<vmem>>, vector<1x16xf32>,
        %get3A_643 = arith.constant 0 : i32
        %get3A_644 = arith.index_cast %get3A_643 : i32 to index
        %get3A_645 = arith.index_cast %add3A_626 : i32 to index
        %get3A_646 = tpu.vector_load %arg4[%get3A_644, %get3A_645] {strides = array<i32>} : memref<8x2048xf32, #tpu.memory_space<vmem>>, vector<1x16xf32>,
        %get3A_647 = vector.shape_cast %get3A_646 : vector<1x16xf32> to vector<16xf32>
        %swap3A_648 = arith.constant 1 : i32
        %swap3A_649 = arith.index_cast %swap3A_648 : i32 to index
        %swap3A_650 = arith.index_cast %add3A_626 : i32 to index
        %swap3A_651 = tpu.vector_load %arg7[%swap3A_649, %swap3A_650] {strides = array<i32>} : memref<8x2048xf32, #tpu.memory_space<vmem>>, vector<1x16xf32>,
        %swap3A_652 = vector.shape_cast %swap3A_651 : vector<1x16xf32> to vector<16xf32>
        %swap3A_653 = vector.shape_cast %get3A_647 : vector<16xf32> to vector<1x16xf32>
        tpu.vector_store %arg7[%swap3A_649, %swap3A_650], %swap3A_653 {strides = array<i32>} : memref<8x2048xf32, #tpu.memory_space<vmem>>, vector<1x16xf32>,
        %get3A_654 = arith.constant 1 : i32
        %get3A_655 = arith.index_cast %get3A_654 : i32 to index
        %get3A_656 = arith.index_cast %add3A_626 : i32 to index
        %get3A_657 = tpu.vector_load %arg4[%get3A_655, %get3A_656] {strides = array<i32>} : memref<8x2048xf32, #tpu.memory_space<vmem>>, vector<1x16xf32>,
        %get3A_658 = vector.shape_cast %get3A_657 : vector<1x16xf32> to vector<16xf32>
        %swap3A_659 = arith.constant 2 : i32
        %swap3A_660 = arith.index_cast %swap3A_659 : i32 to index
        %swap3A_661 = arith.index_cast %add3A_626 : i32 to index
        %swap3A_662 = tpu.vector_load %arg7[%swap3A_660, %swap3A_661] {strides = array<i32>} : memref<8x2048xf32, #tpu.memory_space<vmem>>, vector<1x16xf32>,
        %swap3A_663 = vector.shape_cast %swap3A_662 : vector<1x16xf32> to vector<16xf32>
        %swap3A_664 = vector.shape_cast %get3A_658 : vector<16xf32> to vector<1x16xf32>
        tpu.vector_store %arg7[%swap3A_660, %swap3A_661], %swap3A_664 {strides = array<i32>} : memref<8x2048xf32, #tpu.memory_space<vmem>>, vector<1x16xf32>,
        %get3A_665 = arith.constant 2 : i32
        %get3A_666 = arith.index_cast %get3A_665 : i32 to index
        %get3A_667 = arith.index_cast %add3A_626 : i32 to index
        %get3A_668 = tpu.vector_load %arg4[%get3A_666, %get3A_667] {strides = array<i32>} : memref<8x2048xf32, #tpu.memory_space<vmem>>, vector<1x16xf32>,
        %get3A_669 = vector.shape_cast %get3A_668 : vector<1x16xf32> to vector<16xf32>
        %swap3A_670 = arith.constant 3 : i32
        %swap3A_671 = arith.index_cast %swap3A_670 : i32 to index
        %swap3A_672 = arith.index_cast %add3A_626 : i32 to index
        %swap3A_673 = tpu.vector_load %arg7[%swap3A_671, %swap3A_672] {strides = array<i32>} : memref<8x2048xf32, #tpu.memory_space<vmem>>, vector<1x16xf32>,
        %swap3A_674 = vector.shape_cast %swap3A_673 : vector<1x16xf32> to vector<16xf32>
        %swap3A_675 = vector.shape_cast %get3A_669 : vector<16xf32> to vector<1x16xf32>
        tpu.vector_store %arg7[%swap3A_671, %swap3A_672], %swap3A_675 {strides = array<i32>} : memref<8x2048xf32, #tpu.memory_space<vmem>>, vector<1x16xf32>,
        %get3A_676 = arith.constant 3 : i32
        %get3A_677 = arith.index_cast %get3A_676 : i32 to index
        %get3A_678 = arith.index_cast %add3A_626 : i32 to index
        %get3A_679 = tpu.vector_load %arg4[%get3A_677, %get3A_678] {strides = array<i32>} : memref<8x2048xf32, #tpu.memory_space<vmem>>, vector<1x16xf32>,
        %get3A_680 = vector.shape_cast %get3A_679 : vector<1x16xf32> to vector<16xf32>
        %swap3A_681 = arith.constant 4 : i32
        %swap3A_682 = arith.index_cast %swap3A_681 : i32 to index
        %swap3A_683 = arith.index_cast %add3A_626 : i32 to index
        %swap3A_684 = tpu.vector_load %arg7[%swap3A_682, %swap3A_683] {strides = array<i32>} : memref<8x2048xf32, #tpu.memory_space<vmem>>, vector<1x16xf32>,
        %swap3A_685 = vector.shape_cast %swap3A_684 : vector<1x16xf32> to vector<16xf32>
        %swap3A_686 = vector.shape_cast %get3A_680 : vector<16xf32> to vector<1x16xf32>
        tpu.vector_store %arg7[%swap3A_682, %swap3A_683], %swap3A_686 {strides = array<i32>} : memref<8x2048xf32, #tpu.memory_space<vmem>>, vector<1x16xf32>,
        %get3A_687 = arith.constant 4 : i32
        %get3A_688 = arith.index_cast %get3A_687 : i32 to index
        %get3A_689 = arith.index_cast %add3A_626 : i32 to index
        %get3A_690 = tpu.vector_load %arg4[%get3A_688, %get3A_689] {strides = array<i32>} : memref<8x2048xf32, #tpu.memory_space<vmem>>, vector<1x16xf32>,
        %get3A_691 = vector.shape_cast %get3A_690 : vector<1x16xf32> to vector<16xf32>
        %swap3A_692 = arith.constant 5 : i32
        %swap3A_693 = arith.index_cast %swap3A_692 : i32 to index
        %swap3A_694 = arith.index_cast %add3A_626 : i32 to index
        %swap3A_695 = tpu.vector_load %arg7[%swap3A_693, %swap3A_694] {strides = array<i32>} : memref<8x2048xf32, #tpu.memory_space<vmem>>, vector<1x16xf32>,
        %swap3A_696 = vector.shape_cast %swap3A_695 : vector<1x16xf32> to vector<16xf32>
        %swap3A_697 = vector.shape_cast %get3A_691 : vector<16xf32> to vector<1x16xf32>
        tpu.vector_store %arg7[%swap3A_693, %swap3A_694], %swap3A_697 {strides = array<i32>} : memref<8x2048xf32, #tpu.memory_space<vmem>>, vector<1x16xf32>,
        %get3A_698 = arith.constant 5 : i32
        %get3A_699 = arith.index_cast %get3A_698 : i32 to index
        %get3A_700 = arith.index_cast %add3A_626 : i32 to index
        %get3A_701 = tpu.vector_load %arg4[%get3A_699, %get3A_700] {strides = array<i32>} : memref<8x2048xf32, #tpu.memory_space<vmem>>, vector<1x16xf32>,
        %get3A_702 = vector.shape_cast %get3A_701 : vector<1x16xf32> to vector<16xf32>
        %swap3A_703 = arith.constant 6 : i32
        %swap3A_704 = arith.index_cast %swap3A_703 : i32 to index
        %swap3A_705 = arith.index_cast %add3A_626 : i32 to index
        %swap3A_706 = tpu.vector_load %arg7[%swap3A_704, %swap3A_705] {strides = array<i32>} : memref<8x2048xf32, #tpu.memory_space<vmem>>, vector<1x16xf32>,
        %swap3A_707 = vector.shape_cast %swap3A_706 : vector<1x16xf32> to vector<16xf32>
        %swap3A_708 = vector.shape_cast %get3A_702 : vector<16xf32> to vector<1x16xf32>
        tpu.vector_store %arg7[%swap3A_704, %swap3A_705], %swap3A_708 {strides = array<i32>} : memref<8x2048xf32, #tpu.memory_space<vmem>>, vector<1x16xf32>,
        %get3A_709 = arith.constant 6 : i32
        %get3A_710 = arith.index_cast %get3A_709 : i32 to index
        %get3A_711 = arith.index_cast %add3A_626 : i32 to index
        %get3A_712 = tpu.vector_load %arg4[%get3A_710, %get3A_711] {strides = array<i32>} : memref<8x2048xf32, #tpu.memory_space<vmem>>, vector<1x16xf32>,
        %get3A_713 = vector.shape_cast %get3A_712 : vector<1x16xf32> to vector<16xf32>
        %swap3A_714 = arith.constant 7 : i32
        %swap3A_715 = arith.index_cast %swap3A_714 : i32 to index
        %swap3A_716 = arith.index_cast %add3A_626 : i32 to index
        %swap3A_717 = tpu.vector_load %arg7[%swap3A_715, %swap3A_716] {strides = array<i32>} : memref<8x2048xf32, #tpu.memory_space<vmem>>, vector<1x16xf32>,
        %swap3A_718 = vector.shape_cast %swap3A_717 : vector<1x16xf32> to vector<16xf32>
        %swap3A_719 = vector.shape_cast %get3A_713 : vector<16xf32> to vector<1x16xf32>
        tpu.vector_store %arg7[%swap3A_715, %swap3A_716], %swap3A_719 {strides = array<i32>} : memref<8x2048xf32, #tpu.memory_space<vmem>>, vector<1x16xf32>,
        %swap3A_720 = arith.constant 0 : i32
        %swap3A_721 = arith.index_cast %swap3A_720 : i32 to index
        %swap3A_722 = arith.index_cast %add3A_626 : i32 to index
        %swap3A_723 = tpu.vector_load %arg11[%swap3A_721, %swap3A_722] {strides = array<i32>} : memref<1x2048xf32, #tpu.memory_space<vmem>>, vector<1x16xf32>,
        %swap3A_724 = vector.shape_cast %swap3A_723 : vector<1x16xf32> to vector<16xf32>
        %swap3A_725 = vector.shape_cast %get3A_631 : vector<16xf32> to vector<1x16xf32>
        tpu.vector_store %arg11[%swap3A_721, %swap3A_722], %swap3A_725 {strides = array<i32>} : memref<1x2048xf32, #tpu.memory_space<vmem>>, vector<1x16xf32>,
      }
      %scan3A_253 = arith.constant 32 : i32
      %add3A_254 = arith.addi %mul3A_32, %mul3A_186 : i32
      %add3A_255 = arith.constant 0 : i32
      %add3A_256 = arith.addi %add3A_254, %add3A_255 : i32
      %mul3A_257 = arith.constant 8 : i32
      %mul3A_258 = arith.muli %add3A_256, %mul3A_257 : i32
      %dma_start3A_259 = arith.constant 0 : i32
      %dma_start3A_260 = tpu.memref_slice %arg3[%add3A, %mul3A_258, %dma_start3A_259] : memref<4x8194x2048xf32, #tpu.memory_space<hbm>> -> memref<1x8x2048xf32, #tpu.memory_space<hbm>>
      %dma_start3A_261 = tpu.memref_squeeze %dma_start3A_260 : memref<1x8x2048xf32, #tpu.memory_space<hbm>> -> memref<8x2048xf32, #tpu.memory_space<hbm>>
      %dma_start3A_262 = arith.constant 0 : i32
      %dma_start3A_263 = tpu.memref_slice %arg3[%add3A, %mul3A_258, %dma_start3A_262] : memref<4x8194x2048xf32, #tpu.memory_space<hbm>> -> memref<1x8x2048xf32, #tpu.memory_space<hbm>>
      %dma_start3A_264 = tpu.memref_squeeze %dma_start3A_263 : memref<1x8x2048xf32, #tpu.memory_space<hbm>> -> memref<8x2048xf32, #tpu.memory_space<hbm>>
      tpu.enqueue_dma source(%arg7 : memref<8x2048xf32, #tpu.memory_space<vmem>>) target(%dma_start3A_264 : memref<8x2048xf32, #tpu.memory_space<hbm>>) target_semaphore(%arg13 : memref<!tpu.dma_semaphore, #tpu.memory_space<semaphore_mem>>)
      %dma_wait3A_265 = arith.constant 0 : i32
      %dma_wait3A_266 = arith.constant 0 : i32
      %dma_wait3A_267 = tpu.memref_slice %arg2[%add3A, %dma_wait3A_265, %dma_wait3A_266] : memref<4x8192x2048xf32, #tpu.memory_space<hbm>> -> memref<1x8x2048xf32, #tpu.memory_space<hbm>>
      %dma_wait3A_268 = tpu.memref_squeeze %dma_wait3A_267 : memref<1x8x2048xf32, #tpu.memory_space<hbm>> -> memref<8x2048xf32, #tpu.memory_space<hbm>>
      %dma_wait3A_269 = arith.constant 0 : i32
      %dma_wait3A_270 = arith.constant 0 : i32
      %dma_wait3A_271 = tpu.memref_slice %arg2[%add3A, %dma_wait3A_269, %dma_wait3A_270] : memref<4x8192x2048xf32, #tpu.memory_space<hbm>> -> memref<1x8x2048xf32, #tpu.memory_space<hbm>>
      %dma_wait3A_272 = tpu.memref_squeeze %dma_wait3A_271 : memref<1x8x2048xf32, #tpu.memory_space<hbm>> -> memref<8x2048xf32, #tpu.memory_space<hbm>>
      tpu.wait_dma2 semaphore(%arg12 : memref<!tpu.dma_semaphore, #tpu.memory_space<semaphore_mem>>) src(%dma_wait3A_272 : memref<8x2048xf32, #tpu.memory_space<hbm>>) dst(%arg5 : memref<8x2048xf32, #tpu.memory_space<vmem>>)
      %scan3A_273 = arith.constant 0 : i32
      %scan3A_274 = arith.constant 0 : i32
      %scan3A_275 = arith.constant 32 : i32
      %scan3A_276 = arith.addi %scan3A_274, %scan3A_275 : i32
      %scan3A_277 = arith.constant 1 : i32
      scf.for %scan3A_315 = %scan3A_274 to %scan3A_276 step %scan3A_277  : i32 {
        %mul3A_316 = arith.constant 64 : i32
        %mul3A_317 = arith.muli %scan3A_315, %mul3A_316 : i32
        %add3A_318 = arith.constant 0 : i32
        %add3A_319 = arith.addi %mul3A_317, %add3A_318 : i32
        %get3A = arith.constant 7 : i32
        %get3A_320 = arith.index_cast %get3A : i32 to index
        %get3A_321 = arith.index_cast %add3A_319 : i32 to index
        %get3A_322 = tpu.vector_load %arg5[%get3A_320, %get3A_321] {strides = array<i32>} : memref<8x2048xf32, #tpu.memory_space<vmem>>, vector<1x16xf32>,
        %get3A_323 = vector.shape_cast %get3A_322 : vector<1x16xf32> to vector<16xf32>
        %get3A_324 = arith.constant 0 : i32
        %get3A_325 = arith.index_cast %get3A_324 : i32 to index
        %get3A_326 = arith.index_cast %add3A_319 : i32 to index
        %get3A_327 = tpu.vector_load %arg11[%get3A_325, %get3A_326] {strides = array<i32>} : memref<1x2048xf32, #tpu.memory_space<vmem>>, vector<1x16xf32>,
        %get3A_328 = vector.shape_cast %get3A_327 : vector<1x16xf32> to vector<16xf32>
        %swap3A = arith.constant 0 : i32
        %swap3A_329 = arith.index_cast %swap3A : i32 to index
        %swap3A_330 = arith.index_cast %add3A_319 : i32 to index
        %swap3A_331 = tpu.vector_load %arg8[%swap3A_329, %swap3A_330] {strides = array<i32>} : memref<8x2048xf32, #tpu.memory_space<vmem>>, vector<1x16xf32>,
        %swap3A_332 = vector.shape_cast %swap3A_331 : vector<1x16xf32> to vector<16xf32>
        %swap3A_333 = vector.shape_cast %get3A_328 : vector<16xf32> to vector<1x16xf32>
        tpu.vector_store %arg8[%swap3A_329, %swap3A_330], %swap3A_333 {strides = array<i32>} : memref<8x2048xf32, #tpu.memory_space<vmem>>, vector<1x16xf32>,
        %get3A_334 = arith.constant 0 : i32
        %get3A_335 = arith.index_cast %get3A_334 : i32 to index
        %get3A_336 = arith.index_cast %add3A_319 : i32 to index
        %get3A_337 = tpu.vector_load %arg5[%get3A_335, %get3A_336] {strides = array<i32>} : memref<8x2048xf32, #tpu.memory_space<vmem>>, vector<1x16xf32>,
        %get3A_338 = vector.shape_cast %get3A_337 : vector<1x16xf32> to vector<16xf32>
        %swap3A_339 = arith.constant 1 : i32
        %swap3A_340 = arith.index_cast %swap3A_339 : i32 to index
        %swap3A_341 = arith.index_cast %add3A_319 : i32 to index
        %swap3A_342 = tpu.vector_load %arg8[%swap3A_340, %swap3A_341] {strides = array<i32>} : memref<8x2048xf32, #tpu.memory_space<vmem>>, vector<1x16xf32>,
        %swap3A_343 = vector.shape_cast %swap3A_342 : vector<1x16xf32> to vector<16xf32>
        %swap3A_344 = vector.shape_cast %get3A_338 : vector<16xf32> to vector<1x16xf32>
        tpu.vector_store %arg8[%swap3A_340, %swap3A_341], %swap3A_344 {strides = array<i32>} : memref<8x2048xf32, #tpu.memory_space<vmem>>, vector<1x16xf32>,
        %get3A_345 = arith.constant 1 : i32
        %get3A_346 = arith.index_cast %get3A_345 : i32 to index
        %get3A_347 = arith.index_cast %add3A_319 : i32 to index
        %get3A_348 = tpu.vector_load %arg5[%get3A_346, %get3A_347] {strides = array<i32>} : memref<8x2048xf32, #tpu.memory_space<vmem>>, vector<1x16xf32>,
        %get3A_349 = vector.shape_cast %get3A_348 : vector<1x16xf32> to vector<16xf32>
        %swap3A_350 = arith.constant 2 : i32
        %swap3A_351 = arith.index_cast %swap3A_350 : i32 to index
        %swap3A_352 = arith.index_cast %add3A_319 : i32 to index
        %swap3A_353 = tpu.vector_load %arg8[%swap3A_351, %swap3A_352] {strides = array<i32>} : memref<8x2048xf32, #tpu.memory_space<vmem>>, vector<1x16xf32>,
        %swap3A_354 = vector.shape_cast %swap3A_353 : vector<1x16xf32> to vector<16xf32>
        %swap3A_355 = vector.shape_cast %get3A_349 : vector<16xf32> to vector<1x16xf32>
        tpu.vector_store %arg8[%swap3A_351, %swap3A_352], %swap3A_355 {strides = array<i32>} : memref<8x2048xf32, #tpu.memory_space<vmem>>, vector<1x16xf32>,
        %get3A_356 = arith.constant 2 : i32
        %get3A_357 = arith.index_cast %get3A_356 : i32 to index
        %get3A_358 = arith.index_cast %add3A_319 : i32 to index
        %get3A_359 = tpu.vector_load %arg5[%get3A_357, %get3A_358] {strides = array<i32>} : memref<8x2048xf32, #tpu.memory_space<vmem>>, vector<1x16xf32>,
        %get3A_360 = vector.shape_cast %get3A_359 : vector<1x16xf32> to vector<16xf32>
        %swap3A_361 = arith.constant 3 : i32
        %swap3A_362 = arith.index_cast %swap3A_361 : i32 to index
        %swap3A_363 = arith.index_cast %add3A_319 : i32 to index
        %swap3A_364 = tpu.vector_load %arg8[%swap3A_362, %swap3A_363] {strides = array<i32>} : memref<8x2048xf32, #tpu.memory_space<vmem>>, vector<1x16xf32>,
        %swap3A_365 = vector.shape_cast %swap3A_364 : vector<1x16xf32> to vector<16xf32>
        %swap3A_366 = vector.shape_cast %get3A_360 : vector<16xf32> to vector<1x16xf32>
        tpu.vector_store %arg8[%swap3A_362, %swap3A_363], %swap3A_366 {strides = array<i32>} : memref<8x2048xf32, #tpu.memory_space<vmem>>, vector<1x16xf32>,
        %get3A_367 = arith.constant 3 : i32
        %get3A_368 = arith.index_cast %get3A_367 : i32 to index
        %get3A_369 = arith.index_cast %add3A_319 : i32 to index
        %get3A_370 = tpu.vector_load %arg5[%get3A_368, %get3A_369] {strides = array<i32>} : memref<8x2048xf32, #tpu.memory_space<vmem>>, vector<1x16xf32>,
        %get3A_371 = vector.shape_cast %get3A_370 : vector<1x16xf32> to vector<16xf32>
        %swap3A_372 = arith.constant 4 : i32
        %swap3A_373 = arith.index_cast %swap3A_372 : i32 to index
        %swap3A_374 = arith.index_cast %add3A_319 : i32 to index
        %swap3A_375 = tpu.vector_load %arg8[%swap3A_373, %swap3A_374] {strides = array<i32>} : memref<8x2048xf32, #tpu.memory_space<vmem>>, vector<1x16xf32>,
        %swap3A_376 = vector.shape_cast %swap3A_375 : vector<1x16xf32> to vector<16xf32>
        %swap3A_377 = vector.shape_cast %get3A_371 : vector<16xf32> to vector<1x16xf32>
        tpu.vector_store %arg8[%swap3A_373, %swap3A_374], %swap3A_377 {strides = array<i32>} : memref<8x2048xf32, #tpu.memory_space<vmem>>, vector<1x16xf32>,
        %get3A_378 = arith.constant 4 : i32
        %get3A_379 = arith.index_cast %get3A_378 : i32 to index
        %get3A_380 = arith.index_cast %add3A_319 : i32 to index
        %get3A_381 = tpu.vector_load %arg5[%get3A_379, %get3A_380] {strides = array<i32>} : memref<8x2048xf32, #tpu.memory_space<vmem>>, vector<1x16xf32>,
        %get3A_382 = vector.shape_cast %get3A_381 : vector<1x16xf32> to vector<16xf32>
        %swap3A_383 = arith.constant 5 : i32
        %swap3A_384 = arith.index_cast %swap3A_383 : i32 to index
        %swap3A_385 = arith.index_cast %add3A_319 : i32 to index
        %swap3A_386 = tpu.vector_load %arg8[%swap3A_384, %swap3A_385] {strides = array<i32>} : memref<8x2048xf32, #tpu.memory_space<vmem>>, vector<1x16xf32>,
        %swap3A_387 = vector.shape_cast %swap3A_386 : vector<1x16xf32> to vector<16xf32>
        %swap3A_388 = vector.shape_cast %get3A_382 : vector<16xf32> to vector<1x16xf32>
        tpu.vector_store %arg8[%swap3A_384, %swap3A_385], %swap3A_388 {strides = array<i32>} : memref<8x2048xf32, #tpu.memory_space<vmem>>, vector<1x16xf32>,
        %get3A_389 = arith.constant 5 : i32
        %get3A_390 = arith.index_cast %get3A_389 : i32 to index
        %get3A_391 = arith.index_cast %add3A_319 : i32 to index
        %get3A_392 = tpu.vector_load %arg5[%get3A_390, %get3A_391] {strides = array<i32>} : memref<8x2048xf32, #tpu.memory_space<vmem>>, vector<1x16xf32>,
        %get3A_393 = vector.shape_cast %get3A_392 : vector<1x16xf32> to vector<16xf32>
        %swap3A_394 = arith.constant 6 : i32
        %swap3A_395 = arith.index_cast %swap3A_394 : i32 to index
        %swap3A_396 = arith.index_cast %add3A_319 : i32 to index
        %swap3A_397 = tpu.vector_load %arg8[%swap3A_395, %swap3A_396] {strides = array<i32>} : memref<8x2048xf32, #tpu.memory_space<vmem>>, vector<1x16xf32>,
        %swap3A_398 = vector.shape_cast %swap3A_397 : vector<1x16xf32> to vector<16xf32>
        %swap3A_399 = vector.shape_cast %get3A_393 : vector<16xf32> to vector<1x16xf32>
        tpu.vector_store %arg8[%swap3A_395, %swap3A_396], %swap3A_399 {strides = array<i32>} : memref<8x2048xf32, #tpu.memory_space<vmem>>, vector<1x16xf32>,
        %get3A_400 = arith.constant 6 : i32
        %get3A_401 = arith.index_cast %get3A_400 : i32 to index
        %get3A_402 = arith.index_cast %add3A_319 : i32 to index
        %get3A_403 = tpu.vector_load %arg5[%get3A_401, %get3A_402] {strides = array<i32>} : memref<8x2048xf32, #tpu.memory_space<vmem>>, vector<1x16xf32>,
        %get3A_404 = vector.shape_cast %get3A_403 : vector<1x16xf32> to vector<16xf32>
        %swap3A_405 = arith.constant 7 : i32
        %swap3A_406 = arith.index_cast %swap3A_405 : i32 to index
        %swap3A_407 = arith.index_cast %add3A_319 : i32 to index
        %swap3A_408 = tpu.vector_load %arg8[%swap3A_406, %swap3A_407] {strides = array<i32>} : memref<8x2048xf32, #tpu.memory_space<vmem>>, vector<1x16xf32>,
        %swap3A_409 = vector.shape_cast %swap3A_408 : vector<1x16xf32> to vector<16xf32>
        %swap3A_410 = vector.shape_cast %get3A_404 : vector<16xf32> to vector<1x16xf32>
        tpu.vector_store %arg8[%swap3A_406, %swap3A_407], %swap3A_410 {strides = array<i32>} : memref<8x2048xf32, #tpu.memory_space<vmem>>, vector<1x16xf32>,
        %swap3A_411 = arith.constant 0 : i32
        %swap3A_412 = arith.index_cast %swap3A_411 : i32 to index
        %swap3A_413 = arith.index_cast %add3A_319 : i32 to index
        %swap3A_414 = tpu.vector_load %arg11[%swap3A_412, %swap3A_413] {strides = array<i32>} : memref<1x2048xf32, #tpu.memory_space<vmem>>, vector<1x16xf32>,
        %swap3A_415 = vector.shape_cast %swap3A_414 : vector<1x16xf32> to vector<16xf32>
        %swap3A_416 = vector.shape_cast %get3A_323 : vector<16xf32> to vector<1x16xf32>
        tpu.vector_store %arg11[%swap3A_412, %swap3A_413], %swap3A_416 {strides = array<i32>} : memref<1x2048xf32, #tpu.memory_space<vmem>>, vector<1x16xf32>,
        %mul3A_417 = arith.constant 64 : i32
        %mul3A_418 = arith.muli %scan3A_315, %mul3A_417 : i32
        %add3A_419 = arith.constant 16 : i32
        %add3A_420 = arith.addi %mul3A_418, %add3A_419 : i32
        %get3A_421 = arith.constant 7 : i32
        %get3A_422 = arith.index_cast %get3A_421 : i32 to index
        %get3A_423 = arith.index_cast %add3A_420 : i32 to index
        %get3A_424 = tpu.vector_load %arg5[%get3A_422, %get3A_423] {strides = array<i32>} : memref<8x2048xf32, #tpu.memory_space<vmem>>, vector<1x16xf32>,
        %get3A_425 = vector.shape_cast %get3A_424 : vector<1x16xf32> to vector<16xf32>
        %get3A_426 = arith.constant 0 : i32
        %get3A_427 = arith.index_cast %get3A_426 : i32 to index
        %get3A_428 = arith.index_cast %add3A_420 : i32 to index
        %get3A_429 = tpu.vector_load %arg11[%get3A_427, %get3A_428] {strides = array<i32>} : memref<1x2048xf32, #tpu.memory_space<vmem>>, vector<1x16xf32>,
        %get3A_430 = vector.shape_cast %get3A_429 : vector<1x16xf32> to vector<16xf32>
        %swap3A_431 = arith.constant 0 : i32
        %swap3A_432 = arith.index_cast %swap3A_431 : i32 to index
        %swap3A_433 = arith.index_cast %add3A_420 : i32 to index
        %swap3A_434 = tpu.vector_load %arg8[%swap3A_432, %swap3A_433] {strides = array<i32>} : memref<8x2048xf32, #tpu.memory_space<vmem>>, vector<1x16xf32>,
        %swap3A_435 = vector.shape_cast %swap3A_434 : vector<1x16xf32> to vector<16xf32>
        %swap3A_436 = vector.shape_cast %get3A_430 : vector<16xf32> to vector<1x16xf32>
        tpu.vector_store %arg8[%swap3A_432, %swap3A_433], %swap3A_436 {strides = array<i32>} : memref<8x2048xf32, #tpu.memory_space<vmem>>, vector<1x16xf32>,
        %get3A_437 = arith.constant 0 : i32
        %get3A_438 = arith.index_cast %get3A_437 : i32 to index
        %get3A_439 = arith.index_cast %add3A_420 : i32 to index
        %get3A_440 = tpu.vector_load %arg5[%get3A_438, %get3A_439] {strides = array<i32>} : memref<8x2048xf32, #tpu.memory_space<vmem>>, vector<1x16xf32>,
        %get3A_441 = vector.shape_cast %get3A_440 : vector<1x16xf32> to vector<16xf32>
        %swap3A_442 = arith.constant 1 : i32
        %swap3A_443 = arith.index_cast %swap3A_442 : i32 to index
        %swap3A_444 = arith.index_cast %add3A_420 : i32 to index
        %swap3A_445 = tpu.vector_load %arg8[%swap3A_443, %swap3A_444] {strides = array<i32>} : memref<8x2048xf32, #tpu.memory_space<vmem>>, vector<1x16xf32>,
        %swap3A_446 = vector.shape_cast %swap3A_445 : vector<1x16xf32> to vector<16xf32>
        %swap3A_447 = vector.shape_cast %get3A_441 : vector<16xf32> to vector<1x16xf32>
        tpu.vector_store %arg8[%swap3A_443, %swap3A_444], %swap3A_447 {strides = array<i32>} : memref<8x2048xf32, #tpu.memory_space<vmem>>, vector<1x16xf32>,
        %get3A_448 = arith.constant 1 : i32
        %get3A_449 = arith.index_cast %get3A_448 : i32 to index
        %get3A_450 = arith.index_cast %add3A_420 : i32 to index
        %get3A_451 = tpu.vector_load %arg5[%get3A_449, %get3A_450] {strides = array<i32>} : memref<8x2048xf32, #tpu.memory_space<vmem>>, vector<1x16xf32>,
        %get3A_452 = vector.shape_cast %get3A_451 : vector<1x16xf32> to vector<16xf32>
        %swap3A_453 = arith.constant 2 : i32
        %swap3A_454 = arith.index_cast %swap3A_453 : i32 to index
        %swap3A_455 = arith.index_cast %add3A_420 : i32 to index
        %swap3A_456 = tpu.vector_load %arg8[%swap3A_454, %swap3A_455] {strides = array<i32>} : memref<8x2048xf32, #tpu.memory_space<vmem>>, vector<1x16xf32>,
        %swap3A_457 = vector.shape_cast %swap3A_456 : vector<1x16xf32> to vector<16xf32>
        %swap3A_458 = vector.shape_cast %get3A_452 : vector<16xf32> to vector<1x16xf32>
        tpu.vector_store %arg8[%swap3A_454, %swap3A_455], %swap3A_458 {strides = array<i32>} : memref<8x2048xf32, #tpu.memory_space<vmem>>, vector<1x16xf32>,
        %get3A_459 = arith.constant 2 : i32
        %get3A_460 = arith.index_cast %get3A_459 : i32 to index
        %get3A_461 = arith.index_cast %add3A_420 : i32 to index
        %get3A_462 = tpu.vector_load %arg5[%get3A_460, %get3A_461] {strides = array<i32>} : memref<8x2048xf32, #tpu.memory_space<vmem>>, vector<1x16xf32>,
        %get3A_463 = vector.shape_cast %get3A_462 : vector<1x16xf32> to vector<16xf32>
        %swap3A_464 = arith.constant 3 : i32
        %swap3A_465 = arith.index_cast %swap3A_464 : i32 to index
        %swap3A_466 = arith.index_cast %add3A_420 : i32 to index
        %swap3A_467 = tpu.vector_load %arg8[%swap3A_465, %swap3A_466] {strides = array<i32>} : memref<8x2048xf32, #tpu.memory_space<vmem>>, vector<1x16xf32>,
        %swap3A_468 = vector.shape_cast %swap3A_467 : vector<1x16xf32> to vector<16xf32>
        %swap3A_469 = vector.shape_cast %get3A_463 : vector<16xf32> to vector<1x16xf32>
        tpu.vector_store %arg8[%swap3A_465, %swap3A_466], %swap3A_469 {strides = array<i32>} : memref<8x2048xf32, #tpu.memory_space<vmem>>, vector<1x16xf32>,
        %get3A_470 = arith.constant 3 : i32
        %get3A_471 = arith.index_cast %get3A_470 : i32 to index
        %get3A_472 = arith.index_cast %add3A_420 : i32 to index
        %get3A_473 = tpu.vector_load %arg5[%get3A_471, %get3A_472] {strides = array<i32>} : memref<8x2048xf32, #tpu.memory_space<vmem>>, vector<1x16xf32>,
        %get3A_474 = vector.shape_cast %get3A_473 : vector<1x16xf32> to vector<16xf32>
        %swap3A_475 = arith.constant 4 : i32
        %swap3A_476 = arith.index_cast %swap3A_475 : i32 to index
        %swap3A_477 = arith.index_cast %add3A_420 : i32 to index
        %swap3A_478 = tpu.vector_load %arg8[%swap3A_476, %swap3A_477] {strides = array<i32>} : memref<8x2048xf32, #tpu.memory_space<vmem>>, vector<1x16xf32>,
        %swap3A_479 = vector.shape_cast %swap3A_478 : vector<1x16xf32> to vector<16xf32>
        %swap3A_480 = vector.shape_cast %get3A_474 : vector<16xf32> to vector<1x16xf32>
        tpu.vector_store %arg8[%swap3A_476, %swap3A_477], %swap3A_480 {strides = array<i32>} : memref<8x2048xf32, #tpu.memory_space<vmem>>, vector<1x16xf32>,
        %get3A_481 = arith.constant 4 : i32
        %get3A_482 = arith.index_cast %get3A_481 : i32 to index
        %get3A_483 = arith.index_cast %add3A_420 : i32 to index
        %get3A_484 = tpu.vector_load %arg5[%get3A_482, %get3A_483] {strides = array<i32>} : memref<8x2048xf32, #tpu.memory_space<vmem>>, vector<1x16xf32>,
        %get3A_485 = vector.shape_cast %get3A_484 : vector<1x16xf32> to vector<16xf32>
        %swap3A_486 = arith.constant 5 : i32
        %swap3A_487 = arith.index_cast %swap3A_486 : i32 to index
        %swap3A_488 = arith.index_cast %add3A_420 : i32 to index
        %swap3A_489 = tpu.vector_load %arg8[%swap3A_487, %swap3A_488] {strides = array<i32>} : memref<8x2048xf32, #tpu.memory_space<vmem>>, vector<1x16xf32>,
        %swap3A_490 = vector.shape_cast %swap3A_489 : vector<1x16xf32> to vector<16xf32>
        %swap3A_491 = vector.shape_cast %get3A_485 : vector<16xf32> to vector<1x16xf32>
        tpu.vector_store %arg8[%swap3A_487, %swap3A_488], %swap3A_491 {strides = array<i32>} : memref<8x2048xf32, #tpu.memory_space<vmem>>, vector<1x16xf32>,
        %get3A_492 = arith.constant 5 : i32
        %get3A_493 = arith.index_cast %get3A_492 : i32 to index
        %get3A_494 = arith.index_cast %add3A_420 : i32 to index
        %get3A_495 = tpu.vector_load %arg5[%get3A_493, %get3A_494] {strides = array<i32>} : memref<8x2048xf32, #tpu.memory_space<vmem>>, vector<1x16xf32>,
        %get3A_496 = vector.shape_cast %get3A_495 : vector<1x16xf32> to vector<16xf32>
        %swap3A_497 = arith.constant 6 : i32
        %swap3A_498 = arith.index_cast %swap3A_497 : i32 to index
        %swap3A_499 = arith.index_cast %add3A_420 : i32 to index
        %swap3A_500 = tpu.vector_load %arg8[%swap3A_498, %swap3A_499] {strides = array<i32>} : memref<8x2048xf32, #tpu.memory_space<vmem>>, vector<1x16xf32>,
        %swap3A_501 = vector.shape_cast %swap3A_500 : vector<1x16xf32> to vector<16xf32>
        %swap3A_502 = vector.shape_cast %get3A_496 : vector<16xf32> to vector<1x16xf32>
        tpu.vector_store %arg8[%swap3A_498, %swap3A_499], %swap3A_502 {strides = array<i32>} : memref<8x2048xf32, #tpu.memory_space<vmem>>, vector<1x16xf32>,
        %get3A_503 = arith.constant 6 : i32
        %get3A_504 = arith.index_cast %get3A_503 : i32 to index
        %get3A_505 = arith.index_cast %add3A_420 : i32 to index
        %get3A_506 = tpu.vector_load %arg5[%get3A_504, %get3A_505] {strides = array<i32>} : memref<8x2048xf32, #tpu.memory_space<vmem>>, vector<1x16xf32>,
        %get3A_507 = vector.shape_cast %get3A_506 : vector<1x16xf32> to vector<16xf32>
        %swap3A_508 = arith.constant 7 : i32
        %swap3A_509 = arith.index_cast %swap3A_508 : i32 to index
        %swap3A_510 = arith.index_cast %add3A_420 : i32 to index
        %swap3A_511 = tpu.vector_load %arg8[%swap3A_509, %swap3A_510] {strides = array<i32>} : memref<8x2048xf32, #tpu.memory_space<vmem>>, vector<1x16xf32>,
        %swap3A_512 = vector.shape_cast %swap3A_511 : vector<1x16xf32> to vector<16xf32>
        %swap3A_513 = vector.shape_cast %get3A_507 : vector<16xf32> to vector<1x16xf32>
        tpu.vector_store %arg8[%swap3A_509, %swap3A_510], %swap3A_513 {strides = array<i32>} : memref<8x2048xf32, #tpu.memory_space<vmem>>, vector<1x16xf32>,
        %swap3A_514 = arith.constant 0 : i32
        %swap3A_515 = arith.index_cast %swap3A_514 : i32 to index
        %swap3A_516 = arith.index_cast %add3A_420 : i32 to index
        %swap3A_517 = tpu.vector_load %arg11[%swap3A_515, %swap3A_516] {strides = array<i32>} : memref<1x2048xf32, #tpu.memory_space<vmem>>, vector<1x16xf32>,
        %swap3A_518 = vector.shape_cast %swap3A_517 : vector<1x16xf32> to vector<16xf32>
        %swap3A_519 = vector.shape_cast %get3A_425 : vector<16xf32> to vector<1x16xf32>
        tpu.vector_store %arg11[%swap3A_515, %swap3A_516], %swap3A_519 {strides = array<i32>} : memref<1x2048xf32, #tpu.memory_space<vmem>>, vector<1x16xf32>,
        %mul3A_520 = arith.constant 64 : i32
        %mul3A_521 = arith.muli %scan3A_315, %mul3A_520 : i32
        %add3A_522 = arith.constant 32 : i32
        %add3A_523 = arith.addi %mul3A_521, %add3A_522 : i32
        %get3A_524 = arith.constant 7 : i32
        %get3A_525 = arith.index_cast %get3A_524 : i32 to index
        %get3A_526 = arith.index_cast %add3A_523 : i32 to index
        %get3A_527 = tpu.vector_load %arg5[%get3A_525, %get3A_526] {strides = array<i32>} : memref<8x2048xf32, #tpu.memory_space<vmem>>, vector<1x16xf32>,
        %get3A_528 = vector.shape_cast %get3A_527 : vector<1x16xf32> to vector<16xf32>
        %get3A_529 = arith.constant 0 : i32
        %get3A_530 = arith.index_cast %get3A_529 : i32 to index
        %get3A_531 = arith.index_cast %add3A_523 : i32 to index
        %get3A_532 = tpu.vector_load %arg11[%get3A_530, %get3A_531] {strides = array<i32>} : memref<1x2048xf32, #tpu.memory_space<vmem>>, vector<1x16xf32>,
        %get3A_533 = vector.shape_cast %get3A_532 : vector<1x16xf32> to vector<16xf32>
        %swap3A_534 = arith.constant 0 : i32
        %swap3A_535 = arith.index_cast %swap3A_534 : i32 to index
        %swap3A_536 = arith.index_cast %add3A_523 : i32 to index
        %swap3A_537 = tpu.vector_load %arg8[%swap3A_535, %swap3A_536] {strides = array<i32>} : memref<8x2048xf32, #tpu.memory_space<vmem>>, vector<1x16xf32>,
        %swap3A_538 = vector.shape_cast %swap3A_537 : vector<1x16xf32> to vector<16xf32>
        %swap3A_539 = vector.shape_cast %get3A_533 : vector<16xf32> to vector<1x16xf32>
        tpu.vector_store %arg8[%swap3A_535, %swap3A_536], %swap3A_539 {strides = array<i32>} : memref<8x2048xf32, #tpu.memory_space<vmem>>, vector<1x16xf32>,
        %get3A_540 = arith.constant 0 : i32
        %get3A_541 = arith.index_cast %get3A_540 : i32 to index
        %get3A_542 = arith.index_cast %add3A_523 : i32 to index
        %get3A_543 = tpu.vector_load %arg5[%get3A_541, %get3A_542] {strides = array<i32>} : memref<8x2048xf32, #tpu.memory_space<vmem>>, vector<1x16xf32>,
        %get3A_544 = vector.shape_cast %get3A_543 : vector<1x16xf32> to vector<16xf32>
        %swap3A_545 = arith.constant 1 : i32
        %swap3A_546 = arith.index_cast %swap3A_545 : i32 to index
        %swap3A_547 = arith.index_cast %add3A_523 : i32 to index
        %swap3A_548 = tpu.vector_load %arg8[%swap3A_546, %swap3A_547] {strides = array<i32>} : memref<8x2048xf32, #tpu.memory_space<vmem>>, vector<1x16xf32>,
        %swap3A_549 = vector.shape_cast %swap3A_548 : vector<1x16xf32> to vector<16xf32>
        %swap3A_550 = vector.shape_cast %get3A_544 : vector<16xf32> to vector<1x16xf32>
        tpu.vector_store %arg8[%swap3A_546, %swap3A_547], %swap3A_550 {strides = array<i32>} : memref<8x2048xf32, #tpu.memory_space<vmem>>, vector<1x16xf32>,
        %get3A_551 = arith.constant 1 : i32
        %get3A_552 = arith.index_cast %get3A_551 : i32 to index
        %get3A_553 = arith.index_cast %add3A_523 : i32 to index
        %get3A_554 = tpu.vector_load %arg5[%get3A_552, %get3A_553] {strides = array<i32>} : memref<8x2048xf32, #tpu.memory_space<vmem>>, vector<1x16xf32>,
        %get3A_555 = vector.shape_cast %get3A_554 : vector<1x16xf32> to vector<16xf32>
        %swap3A_556 = arith.constant 2 : i32
        %swap3A_557 = arith.index_cast %swap3A_556 : i32 to index
        %swap3A_558 = arith.index_cast %add3A_523 : i32 to index
        %swap3A_559 = tpu.vector_load %arg8[%swap3A_557, %swap3A_558] {strides = array<i32>} : memref<8x2048xf32, #tpu.memory_space<vmem>>, vector<1x16xf32>,
        %swap3A_560 = vector.shape_cast %swap3A_559 : vector<1x16xf32> to vector<16xf32>
        %swap3A_561 = vector.shape_cast %get3A_555 : vector<16xf32> to vector<1x16xf32>
        tpu.vector_store %arg8[%swap3A_557, %swap3A_558], %swap3A_561 {strides = array<i32>} : memref<8x2048xf32, #tpu.memory_space<vmem>>, vector<1x16xf32>,
        %get3A_562 = arith.constant 2 : i32
        %get3A_563 = arith.index_cast %get3A_562 : i32 to index
        %get3A_564 = arith.index_cast %add3A_523 : i32 to index
        %get3A_565 = tpu.vector_load %arg5[%get3A_563, %get3A_564] {strides = array<i32>} : memref<8x2048xf32, #tpu.memory_space<vmem>>, vector<1x16xf32>,
        %get3A_566 = vector.shape_cast %get3A_565 : vector<1x16xf32> to vector<16xf32>
        %swap3A_567 = arith.constant 3 : i32
        %swap3A_568 = arith.index_cast %swap3A_567 : i32 to index
        %swap3A_569 = arith.index_cast %add3A_523 : i32 to index
        %swap3A_570 = tpu.vector_load %arg8[%swap3A_568, %swap3A_569] {strides = array<i32>} : memref<8x2048xf32, #tpu.memory_space<vmem>>, vector<1x16xf32>,
        %swap3A_571 = vector.shape_cast %swap3A_570 : vector<1x16xf32> to vector<16xf32>
        %swap3A_572 = vector.shape_cast %get3A_566 : vector<16xf32> to vector<1x16xf32>
        tpu.vector_store %arg8[%swap3A_568, %swap3A_569], %swap3A_572 {strides = array<i32>} : memref<8x2048xf32, #tpu.memory_space<vmem>>, vector<1x16xf32>,
        %get3A_573 = arith.constant 3 : i32
        %get3A_574 = arith.index_cast %get3A_573 : i32 to index
        %get3A_575 = arith.index_cast %add3A_523 : i32 to index
        %get3A_576 = tpu.vector_load %arg5[%get3A_574, %get3A_575] {strides = array<i32>} : memref<8x2048xf32, #tpu.memory_space<vmem>>, vector<1x16xf32>,
        %get3A_577 = vector.shape_cast %get3A_576 : vector<1x16xf32> to vector<16xf32>
        %swap3A_578 = arith.constant 4 : i32
        %swap3A_579 = arith.index_cast %swap3A_578 : i32 to index
        %swap3A_580 = arith.index_cast %add3A_523 : i32 to index
        %swap3A_581 = tpu.vector_load %arg8[%swap3A_579, %swap3A_580] {strides = array<i32>} : memref<8x2048xf32, #tpu.memory_space<vmem>>, vector<1x16xf32>,
        %swap3A_582 = vector.shape_cast %swap3A_581 : vector<1x16xf32> to vector<16xf32>
        %swap3A_583 = vector.shape_cast %get3A_577 : vector<16xf32> to vector<1x16xf32>
        tpu.vector_store %arg8[%swap3A_579, %swap3A_580], %swap3A_583 {strides = array<i32>} : memref<8x2048xf32, #tpu.memory_space<vmem>>, vector<1x16xf32>,
        %get3A_584 = arith.constant 4 : i32
        %get3A_585 = arith.index_cast %get3A_584 : i32 to index
        %get3A_586 = arith.index_cast %add3A_523 : i32 to index
        %get3A_587 = tpu.vector_load %arg5[%get3A_585, %get3A_586] {strides = array<i32>} : memref<8x2048xf32, #tpu.memory_space<vmem>>, vector<1x16xf32>,
        %get3A_588 = vector.shape_cast %get3A_587 : vector<1x16xf32> to vector<16xf32>
        %swap3A_589 = arith.constant 5 : i32
        %swap3A_590 = arith.index_cast %swap3A_589 : i32 to index
        %swap3A_591 = arith.index_cast %add3A_523 : i32 to index
        %swap3A_592 = tpu.vector_load %arg8[%swap3A_590, %swap3A_591] {strides = array<i32>} : memref<8x2048xf32, #tpu.memory_space<vmem>>, vector<1x16xf32>,
        %swap3A_593 = vector.shape_cast %swap3A_592 : vector<1x16xf32> to vector<16xf32>
        %swap3A_594 = vector.shape_cast %get3A_588 : vector<16xf32> to vector<1x16xf32>
        tpu.vector_store %arg8[%swap3A_590, %swap3A_591], %swap3A_594 {strides = array<i32>} : memref<8x2048xf32, #tpu.memory_space<vmem>>, vector<1x16xf32>,
        %get3A_595 = arith.constant 5 : i32
        %get3A_596 = arith.index_cast %get3A_595 : i32 to index
        %get3A_597 = arith.index_cast %add3A_523 : i32 to index
        %get3A_598 = tpu.vector_load %arg5[%get3A_596, %get3A_597] {strides = array<i32>} : memref<8x2048xf32, #tpu.memory_space<vmem>>, vector<1x16xf32>,
        %get3A_599 = vector.shape_cast %get3A_598 : vector<1x16xf32> to vector<16xf32>
        %swap3A_600 = arith.constant 6 : i32
        %swap3A_601 = arith.index_cast %swap3A_600 : i32 to index
        %swap3A_602 = arith.index_cast %add3A_523 : i32 to index
        %swap3A_603 = tpu.vector_load %arg8[%swap3A_601, %swap3A_602] {strides = array<i32>} : memref<8x2048xf32, #tpu.memory_space<vmem>>, vector<1x16xf32>,
        %swap3A_604 = vector.shape_cast %swap3A_603 : vector<1x16xf32> to vector<16xf32>
        %swap3A_605 = vector.shape_cast %get3A_599 : vector<16xf32> to vector<1x16xf32>
        tpu.vector_store %arg8[%swap3A_601, %swap3A_602], %swap3A_605 {strides = array<i32>} : memref<8x2048xf32, #tpu.memory_space<vmem>>, vector<1x16xf32>,
        %get3A_606 = arith.constant 6 : i32
        %get3A_607 = arith.index_cast %get3A_606 : i32 to index
        %get3A_608 = arith.index_cast %add3A_523 : i32 to index
        %get3A_609 = tpu.vector_load %arg5[%get3A_607, %get3A_608] {strides = array<i32>} : memref<8x2048xf32, #tpu.memory_space<vmem>>, vector<1x16xf32>,
        %get3A_610 = vector.shape_cast %get3A_609 : vector<1x16xf32> to vector<16xf32>
        %swap3A_611 = arith.constant 7 : i32
        %swap3A_612 = arith.index_cast %swap3A_611 : i32 to index
        %swap3A_613 = arith.index_cast %add3A_523 : i32 to index
        %swap3A_614 = tpu.vector_load %arg8[%swap3A_612, %swap3A_613] {strides = array<i32>} : memref<8x2048xf32, #tpu.memory_space<vmem>>, vector<1x16xf32>,
        %swap3A_615 = vector.shape_cast %swap3A_614 : vector<1x16xf32> to vector<16xf32>
        %swap3A_616 = vector.shape_cast %get3A_610 : vector<16xf32> to vector<1x16xf32>
        tpu.vector_store %arg8[%swap3A_612, %swap3A_613], %swap3A_616 {strides = array<i32>} : memref<8x2048xf32, #tpu.memory_space<vmem>>, vector<1x16xf32>,
        %swap3A_617 = arith.constant 0 : i32
        %swap3A_618 = arith.index_cast %swap3A_617 : i32 to index
        %swap3A_619 = arith.index_cast %add3A_523 : i32 to index
        %swap3A_620 = tpu.vector_load %arg11[%swap3A_618, %swap3A_619] {strides = array<i32>} : memref<1x2048xf32, #tpu.memory_space<vmem>>, vector<1x16xf32>,
        %swap3A_621 = vector.shape_cast %swap3A_620 : vector<1x16xf32> to vector<16xf32>
        %swap3A_622 = vector.shape_cast %get3A_528 : vector<16xf32> to vector<1x16xf32>
        tpu.vector_store %arg11[%swap3A_618, %swap3A_619], %swap3A_622 {strides = array<i32>} : memref<1x2048xf32, #tpu.memory_space<vmem>>, vector<1x16xf32>,
        %mul3A_623 = arith.constant 64 : i32
        %mul3A_624 = arith.muli %scan3A_315, %mul3A_623 : i32
        %add3A_625 = arith.constant 48 : i32
        %add3A_626 = arith.addi %mul3A_624, %add3A_625 : i32
        %get3A_627 = arith.constant 7 : i32
        %get3A_628 = arith.index_cast %get3A_627 : i32 to index
        %get3A_629 = arith.index_cast %add3A_626 : i32 to index
        %get3A_630 = tpu.vector_load %arg5[%get3A_628, %get3A_629] {strides = array<i32>} : memref<8x2048xf32, #tpu.memory_space<vmem>>, vector<1x16xf32>,
        %get3A_631 = vector.shape_cast %get3A_630 : vector<1x16xf32> to vector<16xf32>
        %get3A_632 = arith.constant 0 : i32
        %get3A_633 = arith.index_cast %get3A_632 : i32 to index
        %get3A_634 = arith.index_cast %add3A_626 : i32 to index
        %get3A_635 = tpu.vector_load %arg11[%get3A_633, %get3A_634] {strides = array<i32>} : memref<1x2048xf32, #tpu.memory_space<vmem>>, vector<1x16xf32>,
        %get3A_636 = vector.shape_cast %get3A_635 : vector<1x16xf32> to vector<16xf32>
        %swap3A_637 = arith.constant 0 : i32
        %swap3A_638 = arith.index_cast %swap3A_637 : i32 to index
        %swap3A_639 = arith.index_cast %add3A_626 : i32 to index
        %swap3A_640 = tpu.vector_load %arg8[%swap3A_638, %swap3A_639] {strides = array<i32>} : memref<8x2048xf32, #tpu.memory_space<vmem>>, vector<1x16xf32>,
        %swap3A_641 = vector.shape_cast %swap3A_640 : vector<1x16xf32> to vector<16xf32>
        %swap3A_642 = vector.shape_cast %get3A_636 : vector<16xf32> to vector<1x16xf32>
        tpu.vector_store %arg8[%swap3A_638, %swap3A_639], %swap3A_642 {strides = array<i32>} : memref<8x2048xf32, #tpu.memory_space<vmem>>, vector<1x16xf32>,
        %get3A_643 = arith.constant 0 : i32
        %get3A_644 = arith.index_cast %get3A_643 : i32 to index
        %get3A_645 = arith.index_cast %add3A_626 : i32 to index
        %get3A_646 = tpu.vector_load %arg5[%get3A_644, %get3A_645] {strides = array<i32>} : memref<8x2048xf32, #tpu.memory_space<vmem>>, vector<1x16xf32>,
        %get3A_647 = vector.shape_cast %get3A_646 : vector<1x16xf32> to vector<16xf32>
        %swap3A_648 = arith.constant 1 : i32
        %swap3A_649 = arith.index_cast %swap3A_648 : i32 to index
        %swap3A_650 = arith.index_cast %add3A_626 : i32 to index
        %swap3A_651 = tpu.vector_load %arg8[%swap3A_649, %swap3A_650] {strides = array<i32>} : memref<8x2048xf32, #tpu.memory_space<vmem>>, vector<1x16xf32>,
        %swap3A_652 = vector.shape_cast %swap3A_651 : vector<1x16xf32> to vector<16xf32>
        %swap3A_653 = vector.shape_cast %get3A_647 : vector<16xf32> to vector<1x16xf32>
        tpu.vector_store %arg8[%swap3A_649, %swap3A_650], %swap3A_653 {strides = array<i32>} : memref<8x2048xf32, #tpu.memory_space<vmem>>, vector<1x16xf32>,
        %get3A_654 = arith.constant 1 : i32
        %get3A_655 = arith.index_cast %get3A_654 : i32 to index
        %get3A_656 = arith.index_cast %add3A_626 : i32 to index
        %get3A_657 = tpu.vector_load %arg5[%get3A_655, %get3A_656] {strides = array<i32>} : memref<8x2048xf32, #tpu.memory_space<vmem>>, vector<1x16xf32>,
        %get3A_658 = vector.shape_cast %get3A_657 : vector<1x16xf32> to vector<16xf32>
        %swap3A_659 = arith.constant 2 : i32
        %swap3A_660 = arith.index_cast %swap3A_659 : i32 to index
        %swap3A_661 = arith.index_cast %add3A_626 : i32 to index
        %swap3A_662 = tpu.vector_load %arg8[%swap3A_660, %swap3A_661] {strides = array<i32>} : memref<8x2048xf32, #tpu.memory_space<vmem>>, vector<1x16xf32>,
        %swap3A_663 = vector.shape_cast %swap3A_662 : vector<1x16xf32> to vector<16xf32>
        %swap3A_664 = vector.shape_cast %get3A_658 : vector<16xf32> to vector<1x16xf32>
        tpu.vector_store %arg8[%swap3A_660, %swap3A_661], %swap3A_664 {strides = array<i32>} : memref<8x2048xf32, #tpu.memory_space<vmem>>, vector<1x16xf32>,
        %get3A_665 = arith.constant 2 : i32
        %get3A_666 = arith.index_cast %get3A_665 : i32 to index
        %get3A_667 = arith.index_cast %add3A_626 : i32 to index
        %get3A_668 = tpu.vector_load %arg5[%get3A_666, %get3A_667] {strides = array<i32>} : memref<8x2048xf32, #tpu.memory_space<vmem>>, vector<1x16xf32>,
        %get3A_669 = vector.shape_cast %get3A_668 : vector<1x16xf32> to vector<16xf32>
        %swap3A_670 = arith.constant 3 : i32
        %swap3A_671 = arith.index_cast %swap3A_670 : i32 to index
        %swap3A_672 = arith.index_cast %add3A_626 : i32 to index
        %swap3A_673 = tpu.vector_load %arg8[%swap3A_671, %swap3A_672] {strides = array<i32>} : memref<8x2048xf32, #tpu.memory_space<vmem>>, vector<1x16xf32>,
        %swap3A_674 = vector.shape_cast %swap3A_673 : vector<1x16xf32> to vector<16xf32>
        %swap3A_675 = vector.shape_cast %get3A_669 : vector<16xf32> to vector<1x16xf32>
        tpu.vector_store %arg8[%swap3A_671, %swap3A_672], %swap3A_675 {strides = array<i32>} : memref<8x2048xf32, #tpu.memory_space<vmem>>, vector<1x16xf32>,
        %get3A_676 = arith.constant 3 : i32
        %get3A_677 = arith.index_cast %get3A_676 : i32 to index
        %get3A_678 = arith.index_cast %add3A_626 : i32 to index
        %get3A_679 = tpu.vector_load %arg5[%get3A_677, %get3A_678] {strides = array<i32>} : memref<8x2048xf32, #tpu.memory_space<vmem>>, vector<1x16xf32>,
        %get3A_680 = vector.shape_cast %get3A_679 : vector<1x16xf32> to vector<16xf32>
        %swap3A_681 = arith.constant 4 : i32
        %swap3A_682 = arith.index_cast %swap3A_681 : i32 to index
        %swap3A_683 = arith.index_cast %add3A_626 : i32 to index
        %swap3A_684 = tpu.vector_load %arg8[%swap3A_682, %swap3A_683] {strides = array<i32>} : memref<8x2048xf32, #tpu.memory_space<vmem>>, vector<1x16xf32>,
        %swap3A_685 = vector.shape_cast %swap3A_684 : vector<1x16xf32> to vector<16xf32>
        %swap3A_686 = vector.shape_cast %get3A_680 : vector<16xf32> to vector<1x16xf32>
        tpu.vector_store %arg8[%swap3A_682, %swap3A_683], %swap3A_686 {strides = array<i32>} : memref<8x2048xf32, #tpu.memory_space<vmem>>, vector<1x16xf32>,
        %get3A_687 = arith.constant 4 : i32
        %get3A_688 = arith.index_cast %get3A_687 : i32 to index
        %get3A_689 = arith.index_cast %add3A_626 : i32 to index
        %get3A_690 = tpu.vector_load %arg5[%get3A_688, %get3A_689] {strides = array<i32>} : memref<8x2048xf32, #tpu.memory_space<vmem>>, vector<1x16xf32>,
        %get3A_691 = vector.shape_cast %get3A_690 : vector<1x16xf32> to vector<16xf32>
        %swap3A_692 = arith.constant 5 : i32
        %swap3A_693 = arith.index_cast %swap3A_692 : i32 to index
        %swap3A_694 = arith.index_cast %add3A_626 : i32 to index
        %swap3A_695 = tpu.vector_load %arg8[%swap3A_693, %swap3A_694] {strides = array<i32>} : memref<8x2048xf32, #tpu.memory_space<vmem>>, vector<1x16xf32>,
        %swap3A_696 = vector.shape_cast %swap3A_695 : vector<1x16xf32> to vector<16xf32>
        %swap3A_697 = vector.shape_cast %get3A_691 : vector<16xf32> to vector<1x16xf32>
        tpu.vector_store %arg8[%swap3A_693, %swap3A_694], %swap3A_697 {strides = array<i32>} : memref<8x2048xf32, #tpu.memory_space<vmem>>, vector<1x16xf32>,
        %get3A_698 = arith.constant 5 : i32
        %get3A_699 = arith.index_cast %get3A_698 : i32 to index
        %get3A_700 = arith.index_cast %add3A_626 : i32 to index
        %get3A_701 = tpu.vector_load %arg5[%get3A_699, %get3A_700] {strides = array<i32>} : memref<8x2048xf32, #tpu.memory_space<vmem>>, vector<1x16xf32>,
        %get3A_702 = vector.shape_cast %get3A_701 : vector<1x16xf32> to vector<16xf32>
        %swap3A_703 = arith.constant 6 : i32
        %swap3A_704 = arith.index_cast %swap3A_703 : i32 to index
        %swap3A_705 = arith.index_cast %add3A_626 : i32 to index
        %swap3A_706 = tpu.vector_load %arg8[%swap3A_704, %swap3A_705] {strides = array<i32>} : memref<8x2048xf32, #tpu.memory_space<vmem>>, vector<1x16xf32>,
        %swap3A_707 = vector.shape_cast %swap3A_706 : vector<1x16xf32> to vector<16xf32>
        %swap3A_708 = vector.shape_cast %get3A_702 : vector<16xf32> to vector<1x16xf32>
        tpu.vector_store %arg8[%swap3A_704, %swap3A_705], %swap3A_708 {strides = array<i32>} : memref<8x2048xf32, #tpu.memory_space<vmem>>, vector<1x16xf32>,
        %get3A_709 = arith.constant 6 : i32
        %get3A_710 = arith.index_cast %get3A_709 : i32 to index
        %get3A_711 = arith.index_cast %add3A_626 : i32 to index
        %get3A_712 = tpu.vector_load %arg5[%get3A_710, %get3A_711] {strides = array<i32>} : memref<8x2048xf32, #tpu.memory_space<vmem>>, vector<1x16xf32>,
        %get3A_713 = vector.shape_cast %get3A_712 : vector<1x16xf32> to vector<16xf32>
        %swap3A_714 = arith.constant 7 : i32
        %swap3A_715 = arith.index_cast %swap3A_714 : i32 to index
        %swap3A_716 = arith.index_cast %add3A_626 : i32 to index
        %swap3A_717 = tpu.vector_load %arg8[%swap3A_715, %swap3A_716] {strides = array<i32>} : memref<8x2048xf32, #tpu.memory_space<vmem>>, vector<1x16xf32>,
        %swap3A_718 = vector.shape_cast %swap3A_717 : vector<1x16xf32> to vector<16xf32>
        %swap3A_719 = vector.shape_cast %get3A_713 : vector<16xf32> to vector<1x16xf32>
        tpu.vector_store %arg8[%swap3A_715, %swap3A_716], %swap3A_719 {strides = array<i32>} : memref<8x2048xf32, #tpu.memory_space<vmem>>, vector<1x16xf32>,
        %swap3A_720 = arith.constant 0 : i32
        %swap3A_721 = arith.index_cast %swap3A_720 : i32 to index
        %swap3A_722 = arith.index_cast %add3A_626 : i32 to index
        %swap3A_723 = tpu.vector_load %arg11[%swap3A_721, %swap3A_722] {strides = array<i32>} : memref<1x2048xf32, #tpu.memory_space<vmem>>, vector<1x16xf32>,
        %swap3A_724 = vector.shape_cast %swap3A_723 : vector<1x16xf32> to vector<16xf32>
        %swap3A_725 = vector.shape_cast %get3A_631 : vector<16xf32> to vector<1x16xf32>
        tpu.vector_store %arg11[%swap3A_721, %swap3A_722], %swap3A_725 {strides = array<i32>} : memref<1x2048xf32, #tpu.memory_space<vmem>>, vector<1x16xf32>,
      }
      %scan3A_278 = arith.constant 32 : i32
      %add3A_279 = arith.addi %mul3A_32, %mul3A_186 : i32
      %add3A_280 = arith.constant 1 : i32
      %add3A_281 = arith.addi %add3A_279, %add3A_280 : i32
      %mul3A_282 = arith.constant 8 : i32
      %mul3A_283 = arith.muli %add3A_281, %mul3A_282 : i32
      %dma_start3A_284 = arith.constant 0 : i32
      %dma_start3A_285 = tpu.memref_slice %arg3[%add3A, %mul3A_283, %dma_start3A_284] : memref<4x8194x2048xf32, #tpu.memory_space<hbm>> -> memref<1x8x2048xf32, #tpu.memory_space<hbm>>
      %dma_start3A_286 = tpu.memref_squeeze %dma_start3A_285 : memref<1x8x2048xf32, #tpu.memory_space<hbm>> -> memref<8x2048xf32, #tpu.memory_space<hbm>>
      %dma_start3A_287 = arith.constant 0 : i32
      %dma_start3A_288 = tpu.memref_slice %arg3[%add3A, %mul3A_283, %dma_start3A_287] : memref<4x8194x2048xf32, #tpu.memory_space<hbm>> -> memref<1x8x2048xf32, #tpu.memory_space<hbm>>
      %dma_start3A_289 = tpu.memref_squeeze %dma_start3A_288 : memref<1x8x2048xf32, #tpu.memory_space<hbm>> -> memref<8x2048xf32, #tpu.memory_space<hbm>>
      tpu.enqueue_dma source(%arg8 : memref<8x2048xf32, #tpu.memory_space<vmem>>) target(%dma_start3A_289 : memref<8x2048xf32, #tpu.memory_space<hbm>>) target_semaphore(%arg13 : memref<!tpu.dma_semaphore, #tpu.memory_space<semaphore_mem>>)
      %dma_wait3A_290 = arith.constant 0 : i32
      %dma_wait3A_291 = arith.constant 0 : i32
      %dma_wait3A_292 = tpu.memref_slice %arg2[%add3A, %dma_wait3A_290, %dma_wait3A_291] : memref<4x8192x2048xf32, #tpu.memory_space<hbm>> -> memref<1x8x2048xf32, #tpu.memory_space<hbm>>
      %dma_wait3A_293 = tpu.memref_squeeze %dma_wait3A_292 : memref<1x8x2048xf32, #tpu.memory_space<hbm>> -> memref<8x2048xf32, #tpu.memory_space<hbm>>
      %dma_wait3A_294 = arith.constant 0 : i32
      %dma_wait3A_295 = arith.constant 0 : i32
      %dma_wait3A_296 = tpu.memref_slice %arg2[%add3A, %dma_wait3A_294, %dma_wait3A_295] : memref<4x8192x2048xf32, #tpu.memory_space<hbm>> -> memref<1x8x2048xf32, #tpu.memory_space<hbm>>
      %dma_wait3A_297 = tpu.memref_squeeze %dma_wait3A_296 : memref<1x8x2048xf32, #tpu.memory_space<hbm>> -> memref<8x2048xf32, #tpu.memory_space<hbm>>
      tpu.wait_dma2 semaphore(%arg12 : memref<!tpu.dma_semaphore, #tpu.memory_space<semaphore_mem>>) src(%dma_wait3A_297 : memref<8x2048xf32, #tpu.memory_space<hbm>>) dst(%arg6 : memref<8x2048xf32, #tpu.memory_space<vmem>>)
      %scan3A_298 = arith.constant 0 : i32
      %scan3A_299 = arith.constant 0 : i32
      %scan3A_300 = arith.constant 32 : i32
      %scan3A_301 = arith.addi %scan3A_299, %scan3A_300 : i32
      %scan3A_302 = arith.constant 1 : i32
      scf.for %scan3A_315 = %scan3A_299 to %scan3A_301 step %scan3A_302  : i32 {
        %mul3A_316 = arith.constant 64 : i32
        %mul3A_317 = arith.muli %scan3A_315, %mul3A_316 : i32
        %add3A_318 = arith.constant 0 : i32
        %add3A_319 = arith.addi %mul3A_317, %add3A_318 : i32
        %get3A = arith.constant 7 : i32
        %get3A_320 = arith.index_cast %get3A : i32 to index
        %get3A_321 = arith.index_cast %add3A_319 : i32 to index
        %get3A_322 = tpu.vector_load %arg6[%get3A_320, %get3A_321] {strides = array<i32>} : memref<8x2048xf32, #tpu.memory_space<vmem>>, vector<1x16xf32>,
        %get3A_323 = vector.shape_cast %get3A_322 : vector<1x16xf32> to vector<16xf32>
        %get3A_324 = arith.constant 0 : i32
        %get3A_325 = arith.index_cast %get3A_324 : i32 to index
        %get3A_326 = arith.index_cast %add3A_319 : i32 to index
        %get3A_327 = tpu.vector_load %arg11[%get3A_325, %get3A_326] {strides = array<i32>} : memref<1x2048xf32, #tpu.memory_space<vmem>>, vector<1x16xf32>,
        %get3A_328 = vector.shape_cast %get3A_327 : vector<1x16xf32> to vector<16xf32>
        %swap3A = arith.constant 0 : i32
        %swap3A_329 = arith.index_cast %swap3A : i32 to index
        %swap3A_330 = arith.index_cast %add3A_319 : i32 to index
        %swap3A_331 = tpu.vector_load %arg9[%swap3A_329, %swap3A_330] {strides = array<i32>} : memref<8x2048xf32, #tpu.memory_space<vmem>>, vector<1x16xf32>,
        %swap3A_332 = vector.shape_cast %swap3A_331 : vector<1x16xf32> to vector<16xf32>
        %swap3A_333 = vector.shape_cast %get3A_328 : vector<16xf32> to vector<1x16xf32>
        tpu.vector_store %arg9[%swap3A_329, %swap3A_330], %swap3A_333 {strides = array<i32>} : memref<8x2048xf32, #tpu.memory_space<vmem>>, vector<1x16xf32>,
        %get3A_334 = arith.constant 0 : i32
        %get3A_335 = arith.index_cast %get3A_334 : i32 to index
        %get3A_336 = arith.index_cast %add3A_319 : i32 to index
        %get3A_337 = tpu.vector_load %arg6[%get3A_335, %get3A_336] {strides = array<i32>} : memref<8x2048xf32, #tpu.memory_space<vmem>>, vector<1x16xf32>,
        %get3A_338 = vector.shape_cast %get3A_337 : vector<1x16xf32> to vector<16xf32>
        %swap3A_339 = arith.constant 1 : i32
        %swap3A_340 = arith.index_cast %swap3A_339 : i32 to index
        %swap3A_341 = arith.index_cast %add3A_319 : i32 to index
        %swap3A_342 = tpu.vector_load %arg9[%swap3A_340, %swap3A_341] {strides = array<i32>} : memref<8x2048xf32, #tpu.memory_space<vmem>>, vector<1x16xf32>,
        %swap3A_343 = vector.shape_cast %swap3A_342 : vector<1x16xf32> to vector<16xf32>
        %swap3A_344 = vector.shape_cast %get3A_338 : vector<16xf32> to vector<1x16xf32>
        tpu.vector_store %arg9[%swap3A_340, %swap3A_341], %swap3A_344 {strides = array<i32>} : memref<8x2048xf32, #tpu.memory_space<vmem>>, vector<1x16xf32>,
        %get3A_345 = arith.constant 1 : i32
        %get3A_346 = arith.index_cast %get3A_345 : i32 to index
        %get3A_347 = arith.index_cast %add3A_319 : i32 to index
        %get3A_348 = tpu.vector_load %arg6[%get3A_346, %get3A_347] {strides = array<i32>} : memref<8x2048xf32, #tpu.memory_space<vmem>>, vector<1x16xf32>,
        %get3A_349 = vector.shape_cast %get3A_348 : vector<1x16xf32> to vector<16xf32>
        %swap3A_350 = arith.constant 2 : i32
        %swap3A_351 = arith.index_cast %swap3A_350 : i32 to index
        %swap3A_352 = arith.index_cast %add3A_319 : i32 to index
        %swap3A_353 = tpu.vector_load %arg9[%swap3A_351, %swap3A_352] {strides = array<i32>} : memref<8x2048xf32, #tpu.memory_space<vmem>>, vector<1x16xf32>,
        %swap3A_354 = vector.shape_cast %swap3A_353 : vector<1x16xf32> to vector<16xf32>
        %swap3A_355 = vector.shape_cast %get3A_349 : vector<16xf32> to vector<1x16xf32>
        tpu.vector_store %arg9[%swap3A_351, %swap3A_352], %swap3A_355 {strides = array<i32>} : memref<8x2048xf32, #tpu.memory_space<vmem>>, vector<1x16xf32>,
        %get3A_356 = arith.constant 2 : i32
        %get3A_357 = arith.index_cast %get3A_356 : i32 to index
        %get3A_358 = arith.index_cast %add3A_319 : i32 to index
        %get3A_359 = tpu.vector_load %arg6[%get3A_357, %get3A_358] {strides = array<i32>} : memref<8x2048xf32, #tpu.memory_space<vmem>>, vector<1x16xf32>,
        %get3A_360 = vector.shape_cast %get3A_359 : vector<1x16xf32> to vector<16xf32>
        %swap3A_361 = arith.constant 3 : i32
        %swap3A_362 = arith.index_cast %swap3A_361 : i32 to index
        %swap3A_363 = arith.index_cast %add3A_319 : i32 to index
        %swap3A_364 = tpu.vector_load %arg9[%swap3A_362, %swap3A_363] {strides = array<i32>} : memref<8x2048xf32, #tpu.memory_space<vmem>>, vector<1x16xf32>,
        %swap3A_365 = vector.shape_cast %swap3A_364 : vector<1x16xf32> to vector<16xf32>
        %swap3A_366 = vector.shape_cast %get3A_360 : vector<16xf32> to vector<1x16xf32>
        tpu.vector_store %arg9[%swap3A_362, %swap3A_363], %swap3A_366 {strides = array<i32>} : memref<8x2048xf32, #tpu.memory_space<vmem>>, vector<1x16xf32>,
        %get3A_367 = arith.constant 3 : i32
        %get3A_368 = arith.index_cast %get3A_367 : i32 to index
        %get3A_369 = arith.index_cast %add3A_319 : i32 to index
        %get3A_370 = tpu.vector_load %arg6[%get3A_368, %get3A_369] {strides = array<i32>} : memref<8x2048xf32, #tpu.memory_space<vmem>>, vector<1x16xf32>,
        %get3A_371 = vector.shape_cast %get3A_370 : vector<1x16xf32> to vector<16xf32>
        %swap3A_372 = arith.constant 4 : i32
        %swap3A_373 = arith.index_cast %swap3A_372 : i32 to index
        %swap3A_374 = arith.index_cast %add3A_319 : i32 to index
        %swap3A_375 = tpu.vector_load %arg9[%swap3A_373, %swap3A_374] {strides = array<i32>} : memref<8x2048xf32, #tpu.memory_space<vmem>>, vector<1x16xf32>,
        %swap3A_376 = vector.shape_cast %swap3A_375 : vector<1x16xf32> to vector<16xf32>
        %swap3A_377 = vector.shape_cast %get3A_371 : vector<16xf32> to vector<1x16xf32>
        tpu.vector_store %arg9[%swap3A_373, %swap3A_374], %swap3A_377 {strides = array<i32>} : memref<8x2048xf32, #tpu.memory_space<vmem>>, vector<1x16xf32>,
        %get3A_378 = arith.constant 4 : i32
        %get3A_379 = arith.index_cast %get3A_378 : i32 to index
        %get3A_380 = arith.index_cast %add3A_319 : i32 to index
        %get3A_381 = tpu.vector_load %arg6[%get3A_379, %get3A_380] {strides = array<i32>} : memref<8x2048xf32, #tpu.memory_space<vmem>>, vector<1x16xf32>,
        %get3A_382 = vector.shape_cast %get3A_381 : vector<1x16xf32> to vector<16xf32>
        %swap3A_383 = arith.constant 5 : i32
        %swap3A_384 = arith.index_cast %swap3A_383 : i32 to index
        %swap3A_385 = arith.index_cast %add3A_319 : i32 to index
        %swap3A_386 = tpu.vector_load %arg9[%swap3A_384, %swap3A_385] {strides = array<i32>} : memref<8x2048xf32, #tpu.memory_space<vmem>>, vector<1x16xf32>,
        %swap3A_387 = vector.shape_cast %swap3A_386 : vector<1x16xf32> to vector<16xf32>
        %swap3A_388 = vector.shape_cast %get3A_382 : vector<16xf32> to vector<1x16xf32>
        tpu.vector_store %arg9[%swap3A_384, %swap3A_385], %swap3A_388 {strides = array<i32>} : memref<8x2048xf32, #tpu.memory_space<vmem>>, vector<1x16xf32>,
        %get3A_389 = arith.constant 5 : i32
        %get3A_390 = arith.index_cast %get3A_389 : i32 to index
        %get3A_391 = arith.index_cast %add3A_319 : i32 to index
        %get3A_392 = tpu.vector_load %arg6[%get3A_390, %get3A_391] {strides = array<i32>} : memref<8x2048xf32, #tpu.memory_space<vmem>>, vector<1x16xf32>,
        %get3A_393 = vector.shape_cast %get3A_392 : vector<1x16xf32> to vector<16xf32>
        %swap3A_394 = arith.constant 6 : i32
        %swap3A_395 = arith.index_cast %swap3A_394 : i32 to index
        %swap3A_396 = arith.index_cast %add3A_319 : i32 to index
        %swap3A_397 = tpu.vector_load %arg9[%swap3A_395, %swap3A_396] {strides = array<i32>} : memref<8x2048xf32, #tpu.memory_space<vmem>>, vector<1x16xf32>,
        %swap3A_398 = vector.shape_cast %swap3A_397 : vector<1x16xf32> to vector<16xf32>
        %swap3A_399 = vector.shape_cast %get3A_393 : vector<16xf32> to vector<1x16xf32>
        tpu.vector_store %arg9[%swap3A_395, %swap3A_396], %swap3A_399 {strides = array<i32>} : memref<8x2048xf32, #tpu.memory_space<vmem>>, vector<1x16xf32>,
        %get3A_400 = arith.constant 6 : i32
        %get3A_401 = arith.index_cast %get3A_400 : i32 to index
        %get3A_402 = arith.index_cast %add3A_319 : i32 to index
        %get3A_403 = tpu.vector_load %arg6[%get3A_401, %get3A_402] {strides = array<i32>} : memref<8x2048xf32, #tpu.memory_space<vmem>>, vector<1x16xf32>,
        %get3A_404 = vector.shape_cast %get3A_403 : vector<1x16xf32> to vector<16xf32>
        %swap3A_405 = arith.constant 7 : i32
        %swap3A_406 = arith.index_cast %swap3A_405 : i32 to index
        %swap3A_407 = arith.index_cast %add3A_319 : i32 to index
        %swap3A_408 = tpu.vector_load %arg9[%swap3A_406, %swap3A_407] {strides = array<i32>} : memref<8x2048xf32, #tpu.memory_space<vmem>>, vector<1x16xf32>,
        %swap3A_409 = vector.shape_cast %swap3A_408 : vector<1x16xf32> to vector<16xf32>
        %swap3A_410 = vector.shape_cast %get3A_404 : vector<16xf32> to vector<1x16xf32>
        tpu.vector_store %arg9[%swap3A_406, %swap3A_407], %swap3A_410 {strides = array<i32>} : memref<8x2048xf32, #tpu.memory_space<vmem>>, vector<1x16xf32>,
        %swap3A_411 = arith.constant 0 : i32
        %swap3A_412 = arith.index_cast %swap3A_411 : i32 to index
        %swap3A_413 = arith.index_cast %add3A_319 : i32 to index
        %swap3A_414 = tpu.vector_load %arg11[%swap3A_412, %swap3A_413] {strides = array<i32>} : memref<1x2048xf32, #tpu.memory_space<vmem>>, vector<1x16xf32>,
        %swap3A_415 = vector.shape_cast %swap3A_414 : vector<1x16xf32> to vector<16xf32>
        %swap3A_416 = vector.shape_cast %get3A_323 : vector<16xf32> to vector<1x16xf32>
        tpu.vector_store %arg11[%swap3A_412, %swap3A_413], %swap3A_416 {strides = array<i32>} : memref<1x2048xf32, #tpu.memory_space<vmem>>, vector<1x16xf32>,
        %mul3A_417 = arith.constant 64 : i32
        %mul3A_418 = arith.muli %scan3A_315, %mul3A_417 : i32
        %add3A_419 = arith.constant 16 : i32
        %add3A_420 = arith.addi %mul3A_418, %add3A_419 : i32
        %get3A_421 = arith.constant 7 : i32
        %get3A_422 = arith.index_cast %get3A_421 : i32 to index
        %get3A_423 = arith.index_cast %add3A_420 : i32 to index
        %get3A_424 = tpu.vector_load %arg6[%get3A_422, %get3A_423] {strides = array<i32>} : memref<8x2048xf32, #tpu.memory_space<vmem>>, vector<1x16xf32>,
        %get3A_425 = vector.shape_cast %get3A_424 : vector<1x16xf32> to vector<16xf32>
        %get3A_426 = arith.constant 0 : i32
        %get3A_427 = arith.index_cast %get3A_426 : i32 to index
        %get3A_428 = arith.index_cast %add3A_420 : i32 to index
        %get3A_429 = tpu.vector_load %arg11[%get3A_427, %get3A_428] {strides = array<i32>} : memref<1x2048xf32, #tpu.memory_space<vmem>>, vector<1x16xf32>,
        %get3A_430 = vector.shape_cast %get3A_429 : vector<1x16xf32> to vector<16xf32>
        %swap3A_431 = arith.constant 0 : i32
        %swap3A_432 = arith.index_cast %swap3A_431 : i32 to index
        %swap3A_433 = arith.index_cast %add3A_420 : i32 to index
        %swap3A_434 = tpu.vector_load %arg9[%swap3A_432, %swap3A_433] {strides = array<i32>} : memref<8x2048xf32, #tpu.memory_space<vmem>>, vector<1x16xf32>,
        %swap3A_435 = vector.shape_cast %swap3A_434 : vector<1x16xf32> to vector<16xf32>
        %swap3A_436 = vector.shape_cast %get3A_430 : vector<16xf32> to vector<1x16xf32>
        tpu.vector_store %arg9[%swap3A_432, %swap3A_433], %swap3A_436 {strides = array<i32>} : memref<8x2048xf32, #tpu.memory_space<vmem>>, vector<1x16xf32>,
        %get3A_437 = arith.constant 0 : i32
        %get3A_438 = arith.index_cast %get3A_437 : i32 to index
        %get3A_439 = arith.index_cast %add3A_420 : i32 to index
        %get3A_440 = tpu.vector_load %arg6[%get3A_438, %get3A_439] {strides = array<i32>} : memref<8x2048xf32, #tpu.memory_space<vmem>>, vector<1x16xf32>,
        %get3A_441 = vector.shape_cast %get3A_440 : vector<1x16xf32> to vector<16xf32>
        %swap3A_442 = arith.constant 1 : i32
        %swap3A_443 = arith.index_cast %swap3A_442 : i32 to index
        %swap3A_444 = arith.index_cast %add3A_420 : i32 to index
        %swap3A_445 = tpu.vector_load %arg9[%swap3A_443, %swap3A_444] {strides = array<i32>} : memref<8x2048xf32, #tpu.memory_space<vmem>>, vector<1x16xf32>,
        %swap3A_446 = vector.shape_cast %swap3A_445 : vector<1x16xf32> to vector<16xf32>
        %swap3A_447 = vector.shape_cast %get3A_441 : vector<16xf32> to vector<1x16xf32>
        tpu.vector_store %arg9[%swap3A_443, %swap3A_444], %swap3A_447 {strides = array<i32>} : memref<8x2048xf32, #tpu.memory_space<vmem>>, vector<1x16xf32>,
        %get3A_448 = arith.constant 1 : i32
        %get3A_449 = arith.index_cast %get3A_448 : i32 to index
        %get3A_450 = arith.index_cast %add3A_420 : i32 to index
        %get3A_451 = tpu.vector_load %arg6[%get3A_449, %get3A_450] {strides = array<i32>} : memref<8x2048xf32, #tpu.memory_space<vmem>>, vector<1x16xf32>,
        %get3A_452 = vector.shape_cast %get3A_451 : vector<1x16xf32> to vector<16xf32>
        %swap3A_453 = arith.constant 2 : i32
        %swap3A_454 = arith.index_cast %swap3A_453 : i32 to index
        %swap3A_455 = arith.index_cast %add3A_420 : i32 to index
        %swap3A_456 = tpu.vector_load %arg9[%swap3A_454, %swap3A_455] {strides = array<i32>} : memref<8x2048xf32, #tpu.memory_space<vmem>>, vector<1x16xf32>,
        %swap3A_457 = vector.shape_cast %swap3A_456 : vector<1x16xf32> to vector<16xf32>
        %swap3A_458 = vector.shape_cast %get3A_452 : vector<16xf32> to vector<1x16xf32>
        tpu.vector_store %arg9[%swap3A_454, %swap3A_455], %swap3A_458 {strides = array<i32>} : memref<8x2048xf32, #tpu.memory_space<vmem>>, vector<1x16xf32>,
        %get3A_459 = arith.constant 2 : i32
        %get3A_460 = arith.index_cast %get3A_459 : i32 to index
        %get3A_461 = arith.index_cast %add3A_420 : i32 to index
        %get3A_462 = tpu.vector_load %arg6[%get3A_460, %get3A_461] {strides = array<i32>} : memref<8x2048xf32, #tpu.memory_space<vmem>>, vector<1x16xf32>,
        %get3A_463 = vector.shape_cast %get3A_462 : vector<1x16xf32> to vector<16xf32>
        %swap3A_464 = arith.constant 3 : i32
        %swap3A_465 = arith.index_cast %swap3A_464 : i32 to index
        %swap3A_466 = arith.index_cast %add3A_420 : i32 to index
        %swap3A_467 = tpu.vector_load %arg9[%swap3A_465, %swap3A_466] {strides = array<i32>} : memref<8x2048xf32, #tpu.memory_space<vmem>>, vector<1x16xf32>,
        %swap3A_468 = vector.shape_cast %swap3A_467 : vector<1x16xf32> to vector<16xf32>
        %swap3A_469 = vector.shape_cast %get3A_463 : vector<16xf32> to vector<1x16xf32>
        tpu.vector_store %arg9[%swap3A_465, %swap3A_466], %swap3A_469 {strides = array<i32>} : memref<8x2048xf32, #tpu.memory_space<vmem>>, vector<1x16xf32>,
        %get3A_470 = arith.constant 3 : i32
        %get3A_471 = arith.index_cast %get3A_470 : i32 to index
        %get3A_472 = arith.index_cast %add3A_420 : i32 to index
        %get3A_473 = tpu.vector_load %arg6[%get3A_471, %get3A_472] {strides = array<i32>} : memref<8x2048xf32, #tpu.memory_space<vmem>>, vector<1x16xf32>,
        %get3A_474 = vector.shape_cast %get3A_473 : vector<1x16xf32> to vector<16xf32>
        %swap3A_475 = arith.constant 4 : i32
        %swap3A_476 = arith.index_cast %swap3A_475 : i32 to index
        %swap3A_477 = arith.index_cast %add3A_420 : i32 to index
        %swap3A_478 = tpu.vector_load %arg9[%swap3A_476, %swap3A_477] {strides = array<i32>} : memref<8x2048xf32, #tpu.memory_space<vmem>>, vector<1x16xf32>,
        %swap3A_479 = vector.shape_cast %swap3A_478 : vector<1x16xf32> to vector<16xf32>
        %swap3A_480 = vector.shape_cast %get3A_474 : vector<16xf32> to vector<1x16xf32>
        tpu.vector_store %arg9[%swap3A_476, %swap3A_477], %swap3A_480 {strides = array<i32>} : memref<8x2048xf32, #tpu.memory_space<vmem>>, vector<1x16xf32>,
        %get3A_481 = arith.constant 4 : i32
        %get3A_482 = arith.index_cast %get3A_481 : i32 to index
        %get3A_483 = arith.index_cast %add3A_420 : i32 to index
        %get3A_484 = tpu.vector_load %arg6[%get3A_482, %get3A_483] {strides = array<i32>} : memref<8x2048xf32, #tpu.memory_space<vmem>>, vector<1x16xf32>,
        %get3A_485 = vector.shape_cast %get3A_484 : vector<1x16xf32> to vector<16xf32>
        %swap3A_486 = arith.constant 5 : i32
        %swap3A_487 = arith.index_cast %swap3A_486 : i32 to index
        %swap3A_488 = arith.index_cast %add3A_420 : i32 to index
        %swap3A_489 = tpu.vector_load %arg9[%swap3A_487, %swap3A_488] {strides = array<i32>} : memref<8x2048xf32, #tpu.memory_space<vmem>>, vector<1x16xf32>,
        %swap3A_490 = vector.shape_cast %swap3A_489 : vector<1x16xf32> to vector<16xf32>
        %swap3A_491 = vector.shape_cast %get3A_485 : vector<16xf32> to vector<1x16xf32>
        tpu.vector_store %arg9[%swap3A_487, %swap3A_488], %swap3A_491 {strides = array<i32>} : memref<8x2048xf32, #tpu.memory_space<vmem>>, vector<1x16xf32>,
        %get3A_492 = arith.constant 5 : i32
        %get3A_493 = arith.index_cast %get3A_492 : i32 to index
        %get3A_494 = arith.index_cast %add3A_420 : i32 to index
        %get3A_495 = tpu.vector_load %arg6[%get3A_493, %get3A_494] {strides = array<i32>} : memref<8x2048xf32, #tpu.memory_space<vmem>>, vector<1x16xf32>,
        %get3A_496 = vector.shape_cast %get3A_495 : vector<1x16xf32> to vector<16xf32>
        %swap3A_497 = arith.constant 6 : i32
        %swap3A_498 = arith.index_cast %swap3A_497 : i32 to index
        %swap3A_499 = arith.index_cast %add3A_420 : i32 to index
        %swap3A_500 = tpu.vector_load %arg9[%swap3A_498, %swap3A_499] {strides = array<i32>} : memref<8x2048xf32, #tpu.memory_space<vmem>>, vector<1x16xf32>,
        %swap3A_501 = vector.shape_cast %swap3A_500 : vector<1x16xf32> to vector<16xf32>
        %swap3A_502 = vector.shape_cast %get3A_496 : vector<16xf32> to vector<1x16xf32>
        tpu.vector_store %arg9[%swap3A_498, %swap3A_499], %swap3A_502 {strides = array<i32>} : memref<8x2048xf32, #tpu.memory_space<vmem>>, vector<1x16xf32>,
        %get3A_503 = arith.constant 6 : i32
        %get3A_504 = arith.index_cast %get3A_503 : i32 to index
        %get3A_505 = arith.index_cast %add3A_420 : i32 to index
        %get3A_506 = tpu.vector_load %arg6[%get3A_504, %get3A_505] {strides = array<i32>} : memref<8x2048xf32, #tpu.memory_space<vmem>>, vector<1x16xf32>,
        %get3A_507 = vector.shape_cast %get3A_506 : vector<1x16xf32> to vector<16xf32>
        %swap3A_508 = arith.constant 7 : i32
        %swap3A_509 = arith.index_cast %swap3A_508 : i32 to index
        %swap3A_510 = arith.index_cast %add3A_420 : i32 to index
        %swap3A_511 = tpu.vector_load %arg9[%swap3A_509, %swap3A_510] {strides = array<i32>} : memref<8x2048xf32, #tpu.memory_space<vmem>>, vector<1x16xf32>,
        %swap3A_512 = vector.shape_cast %swap3A_511 : vector<1x16xf32> to vector<16xf32>
        %swap3A_513 = vector.shape_cast %get3A_507 : vector<16xf32> to vector<1x16xf32>
        tpu.vector_store %arg9[%swap3A_509, %swap3A_510], %swap3A_513 {strides = array<i32>} : memref<8x2048xf32, #tpu.memory_space<vmem>>, vector<1x16xf32>,
        %swap3A_514 = arith.constant 0 : i32
        %swap3A_515 = arith.index_cast %swap3A_514 : i32 to index
        %swap3A_516 = arith.index_cast %add3A_420 : i32 to index
        %swap3A_517 = tpu.vector_load %arg11[%swap3A_515, %swap3A_516] {strides = array<i32>} : memref<1x2048xf32, #tpu.memory_space<vmem>>, vector<1x16xf32>,
        %swap3A_518 = vector.shape_cast %swap3A_517 : vector<1x16xf32> to vector<16xf32>
        %swap3A_519 = vector.shape_cast %get3A_425 : vector<16xf32> to vector<1x16xf32>
        tpu.vector_store %arg11[%swap3A_515, %swap3A_516], %swap3A_519 {strides = array<i32>} : memref<1x2048xf32, #tpu.memory_space<vmem>>, vector<1x16xf32>,
        %mul3A_520 = arith.constant 64 : i32
        %mul3A_521 = arith.muli %scan3A_315, %mul3A_520 : i32
        %add3A_522 = arith.constant 32 : i32
        %add3A_523 = arith.addi %mul3A_521, %add3A_522 : i32
        %get3A_524 = arith.constant 7 : i32
        %get3A_525 = arith.index_cast %get3A_524 : i32 to index
        %get3A_526 = arith.index_cast %add3A_523 : i32 to index
        %get3A_527 = tpu.vector_load %arg6[%get3A_525, %get3A_526] {strides = array<i32>} : memref<8x2048xf32, #tpu.memory_space<vmem>>, vector<1x16xf32>,
        %get3A_528 = vector.shape_cast %get3A_527 : vector<1x16xf32> to vector<16xf32>
        %get3A_529 = arith.constant 0 : i32
        %get3A_530 = arith.index_cast %get3A_529 : i32 to index
        %get3A_531 = arith.index_cast %add3A_523 : i32 to index
        %get3A_532 = tpu.vector_load %arg11[%get3A_530, %get3A_531] {strides = array<i32>} : memref<1x2048xf32, #tpu.memory_space<vmem>>, vector<1x16xf32>,
        %get3A_533 = vector.shape_cast %get3A_532 : vector<1x16xf32> to vector<16xf32>
        %swap3A_534 = arith.constant 0 : i32
        %swap3A_535 = arith.index_cast %swap3A_534 : i32 to index
        %swap3A_536 = arith.index_cast %add3A_523 : i32 to index
        %swap3A_537 = tpu.vector_load %arg9[%swap3A_535, %swap3A_536] {strides = array<i32>} : memref<8x2048xf32, #tpu.memory_space<vmem>>, vector<1x16xf32>,
        %swap3A_538 = vector.shape_cast %swap3A_537 : vector<1x16xf32> to vector<16xf32>
        %swap3A_539 = vector.shape_cast %get3A_533 : vector<16xf32> to vector<1x16xf32>
        tpu.vector_store %arg9[%swap3A_535, %swap3A_536], %swap3A_539 {strides = array<i32>} : memref<8x2048xf32, #tpu.memory_space<vmem>>, vector<1x16xf32>,
        %get3A_540 = arith.constant 0 : i32
        %get3A_541 = arith.index_cast %get3A_540 : i32 to index
        %get3A_542 = arith.index_cast %add3A_523 : i32 to index
        %get3A_543 = tpu.vector_load %arg6[%get3A_541, %get3A_542] {strides = array<i32>} : memref<8x2048xf32, #tpu.memory_space<vmem>>, vector<1x16xf32>,
        %get3A_544 = vector.shape_cast %get3A_543 : vector<1x16xf32> to vector<16xf32>
        %swap3A_545 = arith.constant 1 : i32
        %swap3A_546 = arith.index_cast %swap3A_545 : i32 to index
        %swap3A_547 = arith.index_cast %add3A_523 : i32 to index
        %swap3A_548 = tpu.vector_load %arg9[%swap3A_546, %swap3A_547] {strides = array<i32>} : memref<8x2048xf32, #tpu.memory_space<vmem>>, vector<1x16xf32>,
        %swap3A_549 = vector.shape_cast %swap3A_548 : vector<1x16xf32> to vector<16xf32>
        %swap3A_550 = vector.shape_cast %get3A_544 : vector<16xf32> to vector<1x16xf32>
        tpu.vector_store %arg9[%swap3A_546, %swap3A_547], %swap3A_550 {strides = array<i32>} : memref<8x2048xf32, #tpu.memory_space<vmem>>, vector<1x16xf32>,
        %get3A_551 = arith.constant 1 : i32
        %get3A_552 = arith.index_cast %get3A_551 : i32 to index
        %get3A_553 = arith.index_cast %add3A_523 : i32 to index
        %get3A_554 = tpu.vector_load %arg6[%get3A_552, %get3A_553] {strides = array<i32>} : memref<8x2048xf32, #tpu.memory_space<vmem>>, vector<1x16xf32>,
        %get3A_555 = vector.shape_cast %get3A_554 : vector<1x16xf32> to vector<16xf32>
        %swap3A_556 = arith.constant 2 : i32
        %swap3A_557 = arith.index_cast %swap3A_556 : i32 to index
        %swap3A_558 = arith.index_cast %add3A_523 : i32 to index
        %swap3A_559 = tpu.vector_load %arg9[%swap3A_557, %swap3A_558] {strides = array<i32>} : memref<8x2048xf32, #tpu.memory_space<vmem>>, vector<1x16xf32>,
        %swap3A_560 = vector.shape_cast %swap3A_559 : vector<1x16xf32> to vector<16xf32>
        %swap3A_561 = vector.shape_cast %get3A_555 : vector<16xf32> to vector<1x16xf32>
        tpu.vector_store %arg9[%swap3A_557, %swap3A_558], %swap3A_561 {strides = array<i32>} : memref<8x2048xf32, #tpu.memory_space<vmem>>, vector<1x16xf32>,
        %get3A_562 = arith.constant 2 : i32
        %get3A_563 = arith.index_cast %get3A_562 : i32 to index
        %get3A_564 = arith.index_cast %add3A_523 : i32 to index
        %get3A_565 = tpu.vector_load %arg6[%get3A_563, %get3A_564] {strides = array<i32>} : memref<8x2048xf32, #tpu.memory_space<vmem>>, vector<1x16xf32>,
        %get3A_566 = vector.shape_cast %get3A_565 : vector<1x16xf32> to vector<16xf32>
        %swap3A_567 = arith.constant 3 : i32
        %swap3A_568 = arith.index_cast %swap3A_567 : i32 to index
        %swap3A_569 = arith.index_cast %add3A_523 : i32 to index
        %swap3A_570 = tpu.vector_load %arg9[%swap3A_568, %swap3A_569] {strides = array<i32>} : memref<8x2048xf32, #tpu.memory_space<vmem>>, vector<1x16xf32>,
        %swap3A_571 = vector.shape_cast %swap3A_570 : vector<1x16xf32> to vector<16xf32>
        %swap3A_572 = vector.shape_cast %get3A_566 : vector<16xf32> to vector<1x16xf32>
        tpu.vector_store %arg9[%swap3A_568, %swap3A_569], %swap3A_572 {strides = array<i32>} : memref<8x2048xf32, #tpu.memory_space<vmem>>, vector<1x16xf32>,
        %get3A_573 = arith.constant 3 : i32
        %get3A_574 = arith.index_cast %get3A_573 : i32 to index
        %get3A_575 = arith.index_cast %add3A_523 : i32 to index
        %get3A_576 = tpu.vector_load %arg6[%get3A_574, %get3A_575] {strides = array<i32>} : memref<8x2048xf32, #tpu.memory_space<vmem>>, vector<1x16xf32>,
        %get3A_577 = vector.shape_cast %get3A_576 : vector<1x16xf32> to vector<16xf32>
        %swap3A_578 = arith.constant 4 : i32
        %swap3A_579 = arith.index_cast %swap3A_578 : i32 to index
        %swap3A_580 = arith.index_cast %add3A_523 : i32 to index
        %swap3A_581 = tpu.vector_load %arg9[%swap3A_579, %swap3A_580] {strides = array<i32>} : memref<8x2048xf32, #tpu.memory_space<vmem>>, vector<1x16xf32>,
        %swap3A_582 = vector.shape_cast %swap3A_581 : vector<1x16xf32> to vector<16xf32>
        %swap3A_583 = vector.shape_cast %get3A_577 : vector<16xf32> to vector<1x16xf32>
        tpu.vector_store %arg9[%swap3A_579, %swap3A_580], %swap3A_583 {strides = array<i32>} : memref<8x2048xf32, #tpu.memory_space<vmem>>, vector<1x16xf32>,
        %get3A_584 = arith.constant 4 : i32
        %get3A_585 = arith.index_cast %get3A_584 : i32 to index
        %get3A_586 = arith.index_cast %add3A_523 : i32 to index
        %get3A_587 = tpu.vector_load %arg6[%get3A_585, %get3A_586] {strides = array<i32>} : memref<8x2048xf32, #tpu.memory_space<vmem>>, vector<1x16xf32>,
        %get3A_588 = vector.shape_cast %get3A_587 : vector<1x16xf32> to vector<16xf32>
        %swap3A_589 = arith.constant 5 : i32
        %swap3A_590 = arith.index_cast %swap3A_589 : i32 to index
        %swap3A_591 = arith.index_cast %add3A_523 : i32 to index
        %swap3A_592 = tpu.vector_load %arg9[%swap3A_590, %swap3A_591] {strides = array<i32>} : memref<8x2048xf32, #tpu.memory_space<vmem>>, vector<1x16xf32>,
        %swap3A_593 = vector.shape_cast %swap3A_592 : vector<1x16xf32> to vector<16xf32>
        %swap3A_594 = vector.shape_cast %get3A_588 : vector<16xf32> to vector<1x16xf32>
        tpu.vector_store %arg9[%swap3A_590, %swap3A_591], %swap3A_594 {strides = array<i32>} : memref<8x2048xf32, #tpu.memory_space<vmem>>, vector<1x16xf32>,
        %get3A_595 = arith.constant 5 : i32
        %get3A_596 = arith.index_cast %get3A_595 : i32 to index
        %get3A_597 = arith.index_cast %add3A_523 : i32 to index
        %get3A_598 = tpu.vector_load %arg6[%get3A_596, %get3A_597] {strides = array<i32>} : memref<8x2048xf32, #tpu.memory_space<vmem>>, vector<1x16xf32>,
        %get3A_599 = vector.shape_cast %get3A_598 : vector<1x16xf32> to vector<16xf32>
        %swap3A_600 = arith.constant 6 : i32
        %swap3A_601 = arith.index_cast %swap3A_600 : i32 to index
        %swap3A_602 = arith.index_cast %add3A_523 : i32 to index
        %swap3A_603 = tpu.vector_load %arg9[%swap3A_601, %swap3A_602] {strides = array<i32>} : memref<8x2048xf32, #tpu.memory_space<vmem>>, vector<1x16xf32>,
        %swap3A_604 = vector.shape_cast %swap3A_603 : vector<1x16xf32> to vector<16xf32>
        %swap3A_605 = vector.shape_cast %get3A_599 : vector<16xf32> to vector<1x16xf32>
        tpu.vector_store %arg9[%swap3A_601, %swap3A_602], %swap3A_605 {strides = array<i32>} : memref<8x2048xf32, #tpu.memory_space<vmem>>, vector<1x16xf32>,
        %get3A_606 = arith.constant 6 : i32
        %get3A_607 = arith.index_cast %get3A_606 : i32 to index
        %get3A_608 = arith.index_cast %add3A_523 : i32 to index
        %get3A_609 = tpu.vector_load %arg6[%get3A_607, %get3A_608] {strides = array<i32>} : memref<8x2048xf32, #tpu.memory_space<vmem>>, vector<1x16xf32>,
        %get3A_610 = vector.shape_cast %get3A_609 : vector<1x16xf32> to vector<16xf32>
        %swap3A_611 = arith.constant 7 : i32
        %swap3A_612 = arith.index_cast %swap3A_611 : i32 to index
        %swap3A_613 = arith.index_cast %add3A_523 : i32 to index
        %swap3A_614 = tpu.vector_load %arg9[%swap3A_612, %swap3A_613] {strides = array<i32>} : memref<8x2048xf32, #tpu.memory_space<vmem>>, vector<1x16xf32>,
        %swap3A_615 = vector.shape_cast %swap3A_614 : vector<1x16xf32> to vector<16xf32>
        %swap3A_616 = vector.shape_cast %get3A_610 : vector<16xf32> to vector<1x16xf32>
        tpu.vector_store %arg9[%swap3A_612, %swap3A_613], %swap3A_616 {strides = array<i32>} : memref<8x2048xf32, #tpu.memory_space<vmem>>, vector<1x16xf32>,
        %swap3A_617 = arith.constant 0 : i32
        %swap3A_618 = arith.index_cast %swap3A_617 : i32 to index
        %swap3A_619 = arith.index_cast %add3A_523 : i32 to index
        %swap3A_620 = tpu.vector_load %arg11[%swap3A_618, %swap3A_619] {strides = array<i32>} : memref<1x2048xf32, #tpu.memory_space<vmem>>, vector<1x16xf32>,
        %swap3A_621 = vector.shape_cast %swap3A_620 : vector<1x16xf32> to vector<16xf32>
        %swap3A_622 = vector.shape_cast %get3A_528 : vector<16xf32> to vector<1x16xf32>
        tpu.vector_store %arg11[%swap3A_618, %swap3A_619], %swap3A_622 {strides = array<i32>} : memref<1x2048xf32, #tpu.memory_space<vmem>>, vector<1x16xf32>,
        %mul3A_623 = arith.constant 64 : i32
        %mul3A_624 = arith.muli %scan3A_315, %mul3A_623 : i32
        %add3A_625 = arith.constant 48 : i32
        %add3A_626 = arith.addi %mul3A_624, %add3A_625 : i32
        %get3A_627 = arith.constant 7 : i32
        %get3A_628 = arith.index_cast %get3A_627 : i32 to index
        %get3A_629 = arith.index_cast %add3A_626 : i32 to index
        %get3A_630 = tpu.vector_load %arg6[%get3A_628, %get3A_629] {strides = array<i32>} : memref<8x2048xf32, #tpu.memory_space<vmem>>, vector<1x16xf32>,
        %get3A_631 = vector.shape_cast %get3A_630 : vector<1x16xf32> to vector<16xf32>
        %get3A_632 = arith.constant 0 : i32
        %get3A_633 = arith.index_cast %get3A_632 : i32 to index
        %get3A_634 = arith.index_cast %add3A_626 : i32 to index
        %get3A_635 = tpu.vector_load %arg11[%get3A_633, %get3A_634] {strides = array<i32>} : memref<1x2048xf32, #tpu.memory_space<vmem>>, vector<1x16xf32>,
        %get3A_636 = vector.shape_cast %get3A_635 : vector<1x16xf32> to vector<16xf32>
        %swap3A_637 = arith.constant 0 : i32
        %swap3A_638 = arith.index_cast %swap3A_637 : i32 to index
        %swap3A_639 = arith.index_cast %add3A_626 : i32 to index
        %swap3A_640 = tpu.vector_load %arg9[%swap3A_638, %swap3A_639] {strides = array<i32>} : memref<8x2048xf32, #tpu.memory_space<vmem>>, vector<1x16xf32>,
        %swap3A_641 = vector.shape_cast %swap3A_640 : vector<1x16xf32> to vector<16xf32>
        %swap3A_642 = vector.shape_cast %get3A_636 : vector<16xf32> to vector<1x16xf32>
        tpu.vector_store %arg9[%swap3A_638, %swap3A_639], %swap3A_642 {strides = array<i32>} : memref<8x2048xf32, #tpu.memory_space<vmem>>, vector<1x16xf32>,
        %get3A_643 = arith.constant 0 : i32
        %get3A_644 = arith.index_cast %get3A_643 : i32 to index
        %get3A_645 = arith.index_cast %add3A_626 : i32 to index
        %get3A_646 = tpu.vector_load %arg6[%get3A_644, %get3A_645] {strides = array<i32>} : memref<8x2048xf32, #tpu.memory_space<vmem>>, vector<1x16xf32>,
        %get3A_647 = vector.shape_cast %get3A_646 : vector<1x16xf32> to vector<16xf32>
        %swap3A_648 = arith.constant 1 : i32
        %swap3A_649 = arith.index_cast %swap3A_648 : i32 to index
        %swap3A_650 = arith.index_cast %add3A_626 : i32 to index
        %swap3A_651 = tpu.vector_load %arg9[%swap3A_649, %swap3A_650] {strides = array<i32>} : memref<8x2048xf32, #tpu.memory_space<vmem>>, vector<1x16xf32>,
        %swap3A_652 = vector.shape_cast %swap3A_651 : vector<1x16xf32> to vector<16xf32>
        %swap3A_653 = vector.shape_cast %get3A_647 : vector<16xf32> to vector<1x16xf32>
        tpu.vector_store %arg9[%swap3A_649, %swap3A_650], %swap3A_653 {strides = array<i32>} : memref<8x2048xf32, #tpu.memory_space<vmem>>, vector<1x16xf32>,
        %get3A_654 = arith.constant 1 : i32
        %get3A_655 = arith.index_cast %get3A_654 : i32 to index
        %get3A_656 = arith.index_cast %add3A_626 : i32 to index
        %get3A_657 = tpu.vector_load %arg6[%get3A_655, %get3A_656] {strides = array<i32>} : memref<8x2048xf32, #tpu.memory_space<vmem>>, vector<1x16xf32>,
        %get3A_658 = vector.shape_cast %get3A_657 : vector<1x16xf32> to vector<16xf32>
        %swap3A_659 = arith.constant 2 : i32
        %swap3A_660 = arith.index_cast %swap3A_659 : i32 to index
        %swap3A_661 = arith.index_cast %add3A_626 : i32 to index
        %swap3A_662 = tpu.vector_load %arg9[%swap3A_660, %swap3A_661] {strides = array<i32>} : memref<8x2048xf32, #tpu.memory_space<vmem>>, vector<1x16xf32>,
        %swap3A_663 = vector.shape_cast %swap3A_662 : vector<1x16xf32> to vector<16xf32>
        %swap3A_664 = vector.shape_cast %get3A_658 : vector<16xf32> to vector<1x16xf32>
        tpu.vector_store %arg9[%swap3A_660, %swap3A_661], %swap3A_664 {strides = array<i32>} : memref<8x2048xf32, #tpu.memory_space<vmem>>, vector<1x16xf32>,
        %get3A_665 = arith.constant 2 : i32
        %get3A_666 = arith.index_cast %get3A_665 : i32 to index
        %get3A_667 = arith.index_cast %add3A_626 : i32 to index
        %get3A_668 = tpu.vector_load %arg6[%get3A_666, %get3A_667] {strides = array<i32>} : memref<8x2048xf32, #tpu.memory_space<vmem>>, vector<1x16xf32>,
        %get3A_669 = vector.shape_cast %get3A_668 : vector<1x16xf32> to vector<16xf32>
        %swap3A_670 = arith.constant 3 : i32
        %swap3A_671 = arith.index_cast %swap3A_670 : i32 to index
        %swap3A_672 = arith.index_cast %add3A_626 : i32 to index
        %swap3A_673 = tpu.vector_load %arg9[%swap3A_671, %swap3A_672] {strides = array<i32>} : memref<8x2048xf32, #tpu.memory_space<vmem>>, vector<1x16xf32>,
        %swap3A_674 = vector.shape_cast %swap3A_673 : vector<1x16xf32> to vector<16xf32>
        %swap3A_675 = vector.shape_cast %get3A_669 : vector<16xf32> to vector<1x16xf32>
        tpu.vector_store %arg9[%swap3A_671, %swap3A_672], %swap3A_675 {strides = array<i32>} : memref<8x2048xf32, #tpu.memory_space<vmem>>, vector<1x16xf32>,
        %get3A_676 = arith.constant 3 : i32
        %get3A_677 = arith.index_cast %get3A_676 : i32 to index
        %get3A_678 = arith.index_cast %add3A_626 : i32 to index
        %get3A_679 = tpu.vector_load %arg6[%get3A_677, %get3A_678] {strides = array<i32>} : memref<8x2048xf32, #tpu.memory_space<vmem>>, vector<1x16xf32>,
        %get3A_680 = vector.shape_cast %get3A_679 : vector<1x16xf32> to vector<16xf32>
        %swap3A_681 = arith.constant 4 : i32
        %swap3A_682 = arith.index_cast %swap3A_681 : i32 to index
        %swap3A_683 = arith.index_cast %add3A_626 : i32 to index
        %swap3A_684 = tpu.vector_load %arg9[%swap3A_682, %swap3A_683] {strides = array<i32>} : memref<8x2048xf32, #tpu.memory_space<vmem>>, vector<1x16xf32>,
        %swap3A_685 = vector.shape_cast %swap3A_684 : vector<1x16xf32> to vector<16xf32>
        %swap3A_686 = vector.shape_cast %get3A_680 : vector<16xf32> to vector<1x16xf32>
        tpu.vector_store %arg9[%swap3A_682, %swap3A_683], %swap3A_686 {strides = array<i32>} : memref<8x2048xf32, #tpu.memory_space<vmem>>, vector<1x16xf32>,
        %get3A_687 = arith.constant 4 : i32
        %get3A_688 = arith.index_cast %get3A_687 : i32 to index
        %get3A_689 = arith.index_cast %add3A_626 : i32 to index
        %get3A_690 = tpu.vector_load %arg6[%get3A_688, %get3A_689] {strides = array<i32>} : memref<8x2048xf32, #tpu.memory_space<vmem>>, vector<1x16xf32>,
        %get3A_691 = vector.shape_cast %get3A_690 : vector<1x16xf32> to vector<16xf32>
        %swap3A_692 = arith.constant 5 : i32
        %swap3A_693 = arith.index_cast %swap3A_692 : i32 to index
        %swap3A_694 = arith.index_cast %add3A_626 : i32 to index
        %swap3A_695 = tpu.vector_load %arg9[%swap3A_693, %swap3A_694] {strides = array<i32>} : memref<8x2048xf32, #tpu.memory_space<vmem>>, vector<1x16xf32>,
        %swap3A_696 = vector.shape_cast %swap3A_695 : vector<1x16xf32> to vector<16xf32>
        %swap3A_697 = vector.shape_cast %get3A_691 : vector<16xf32> to vector<1x16xf32>
        tpu.vector_store %arg9[%swap3A_693, %swap3A_694], %swap3A_697 {strides = array<i32>} : memref<8x2048xf32, #tpu.memory_space<vmem>>, vector<1x16xf32>,
        %get3A_698 = arith.constant 5 : i32
        %get3A_699 = arith.index_cast %get3A_698 : i32 to index
        %get3A_700 = arith.index_cast %add3A_626 : i32 to index
        %get3A_701 = tpu.vector_load %arg6[%get3A_699, %get3A_700] {strides = array<i32>} : memref<8x2048xf32, #tpu.memory_space<vmem>>, vector<1x16xf32>,
        %get3A_702 = vector.shape_cast %get3A_701 : vector<1x16xf32> to vector<16xf32>
        %swap3A_703 = arith.constant 6 : i32
        %swap3A_704 = arith.index_cast %swap3A_703 : i32 to index
        %swap3A_705 = arith.index_cast %add3A_626 : i32 to index
        %swap3A_706 = tpu.vector_load %arg9[%swap3A_704, %swap3A_705] {strides = array<i32>} : memref<8x2048xf32, #tpu.memory_space<vmem>>, vector<1x16xf32>,
        %swap3A_707 = vector.shape_cast %swap3A_706 : vector<1x16xf32> to vector<16xf32>
        %swap3A_708 = vector.shape_cast %get3A_702 : vector<16xf32> to vector<1x16xf32>
        tpu.vector_store %arg9[%swap3A_704, %swap3A_705], %swap3A_708 {strides = array<i32>} : memref<8x2048xf32, #tpu.memory_space<vmem>>, vector<1x16xf32>,
        %get3A_709 = arith.constant 6 : i32
        %get3A_710 = arith.index_cast %get3A_709 : i32 to index
        %get3A_711 = arith.index_cast %add3A_626 : i32 to index
        %get3A_712 = tpu.vector_load %arg6[%get3A_710, %get3A_711] {strides = array<i32>} : memref<8x2048xf32, #tpu.memory_space<vmem>>, vector<1x16xf32>,
        %get3A_713 = vector.shape_cast %get3A_712 : vector<1x16xf32> to vector<16xf32>
        %swap3A_714 = arith.constant 7 : i32
        %swap3A_715 = arith.index_cast %swap3A_714 : i32 to index
        %swap3A_716 = arith.index_cast %add3A_626 : i32 to index
        %swap3A_717 = tpu.vector_load %arg9[%swap3A_715, %swap3A_716] {strides = array<i32>} : memref<8x2048xf32, #tpu.memory_space<vmem>>, vector<1x16xf32>,
        %swap3A_718 = vector.shape_cast %swap3A_717 : vector<1x16xf32> to vector<16xf32>
        %swap3A_719 = vector.shape_cast %get3A_713 : vector<16xf32> to vector<1x16xf32>
        tpu.vector_store %arg9[%swap3A_715, %swap3A_716], %swap3A_719 {strides = array<i32>} : memref<8x2048xf32, #tpu.memory_space<vmem>>, vector<1x16xf32>,
        %swap3A_720 = arith.constant 0 : i32
        %swap3A_721 = arith.index_cast %swap3A_720 : i32 to index
        %swap3A_722 = arith.index_cast %add3A_626 : i32 to index
        %swap3A_723 = tpu.vector_load %arg11[%swap3A_721, %swap3A_722] {strides = array<i32>} : memref<1x2048xf32, #tpu.memory_space<vmem>>, vector<1x16xf32>,
        %swap3A_724 = vector.shape_cast %swap3A_723 : vector<1x16xf32> to vector<16xf32>
        %swap3A_725 = vector.shape_cast %get3A_631 : vector<16xf32> to vector<1x16xf32>
        tpu.vector_store %arg11[%swap3A_721, %swap3A_722], %swap3A_725 {strides = array<i32>} : memref<1x2048xf32, #tpu.memory_space<vmem>>, vector<1x16xf32>,
      }
      %scan3A_303 = arith.constant 32 : i32
      %add3A_304 = arith.addi %mul3A_32, %mul3A_186 : i32
      %add3A_305 = arith.constant 2 : i32
      %add3A_306 = arith.addi %add3A_304, %add3A_305 : i32
      %mul3A_307 = arith.constant 8 : i32
      %mul3A_308 = arith.muli %add3A_306, %mul3A_307 : i32
      %dma_start3A_309 = arith.constant 0 : i32
      %dma_start3A_310 = tpu.memref_slice %arg3[%add3A, %mul3A_308, %dma_start3A_309] : memref<4x8194x2048xf32, #tpu.memory_space<hbm>> -> memref<1x8x2048xf32, #tpu.memory_space<hbm>>
      %dma_start3A_311 = tpu.memref_squeeze %dma_start3A_310 : memref<1x8x2048xf32, #tpu.memory_space<hbm>> -> memref<8x2048xf32, #tpu.memory_space<hbm>>
      %dma_start3A_312 = arith.constant 0 : i32
      %dma_start3A_313 = tpu.memref_slice %arg3[%add3A, %mul3A_308, %dma_start3A_312] : memref<4x8194x2048xf32, #tpu.memory_space<hbm>> -> memref<1x8x2048xf32, #tpu.memory_space<hbm>>
      %dma_start3A_314 = tpu.memref_squeeze %dma_start3A_313 : memref<1x8x2048xf32, #tpu.memory_space<hbm>> -> memref<8x2048xf32, #tpu.memory_space<hbm>>
      tpu.enqueue_dma source(%arg9 : memref<8x2048xf32, #tpu.memory_space<vmem>>) target(%dma_start3A_314 : memref<8x2048xf32, #tpu.memory_space<hbm>>) target_semaphore(%arg13 : memref<!tpu.dma_semaphore, #tpu.memory_space<semaphore_mem>>)
    }
    %scan3A_62 = arith.constant 42 : i32
    %dma_wait3A_63 = arith.constant 0 : i32
    %dma_wait3A_64 = arith.constant 0 : i32
    %dma_wait3A_65 = tpu.memref_slice %arg3[%add3A, %dma_wait3A_63, %dma_wait3A_64] : memref<4x8194x2048xf32, #tpu.memory_space<hbm>> -> memref<1x8x2048xf32, #tpu.memory_space<hbm>>
    %dma_wait3A_66 = tpu.memref_squeeze %dma_wait3A_65 : memref<1x8x2048xf32, #tpu.memory_space<hbm>> -> memref<8x2048xf32, #tpu.memory_space<hbm>>
    %dma_wait3A_67 = arith.constant 0 : i32
    %dma_wait3A_68 = arith.constant 0 : i32
    %dma_wait3A_69 = tpu.memref_slice %arg3[%add3A, %dma_wait3A_67, %dma_wait3A_68] : memref<4x8194x2048xf32, #tpu.memory_space<hbm>> -> memref<1x8x2048xf32, #tpu.memory_space<hbm>>
    %dma_wait3A_70 = tpu.memref_squeeze %dma_wait3A_69 : memref<1x8x2048xf32, #tpu.memory_space<hbm>> -> memref<8x2048xf32, #tpu.memory_space<hbm>>
    tpu.wait_dma2 semaphore(%arg13 : memref<!tpu.dma_semaphore, #tpu.memory_space<semaphore_mem>>) src(%arg7 : memref<8x2048xf32, #tpu.memory_space<vmem>>) dst(%dma_wait3A_70 : memref<8x2048xf32, #tpu.memory_space<hbm>>)
    %add3A_71 = arith.constant 126 : i32
    %add3A_72 = arith.addi %mul3A_32, %add3A_71 : i32
    %add3A_73 = arith.constant 0 : i32
    %add3A_74 = arith.addi %add3A_72, %add3A_73 : i32
    %max3A_75 = arith.constant 0 : i32
    %max3A_76 = arith.maxsi %add3A_74, %max3A_75 : i32
    %mul3A_77 = arith.constant 8 : i32
    %mul3A_78 = arith.muli %max3A_76, %mul3A_77 : i32
    %dma_start3A_79 = arith.constant 0 : i32
    %dma_start3A_80 = tpu.memref_slice %arg2[%add3A, %mul3A_78, %dma_start3A_79] : memref<4x8192x2048xf32, #tpu.memory_space<hbm>> -> memref<1x8x2048xf32, #tpu.memory_space<hbm>>
    %dma_start3A_81 = tpu.memref_squeeze %dma_start3A_80 : memref<1x8x2048xf32, #tpu.memory_space<hbm>> -> memref<8x2048xf32, #tpu.memory_space<hbm>>
    %dma_start3A_82 = arith.constant 0 : i32
    %dma_start3A_83 = tpu.memref_slice %arg2[%add3A, %mul3A_78, %dma_start3A_82] : memref<4x8192x2048xf32, #tpu.memory_space<hbm>> -> memref<1x8x2048xf32, #tpu.memory_space<hbm>>
    %dma_start3A_84 = tpu.memref_squeeze %dma_start3A_83 : memref<1x8x2048xf32, #tpu.memory_space<hbm>> -> memref<8x2048xf32, #tpu.memory_space<hbm>>
    tpu.enqueue_dma source(%dma_start3A_84 : memref<8x2048xf32, #tpu.memory_space<hbm>>) target(%arg4 : memref<8x2048xf32, #tpu.memory_space<vmem>>) target_semaphore(%arg12 : memref<!tpu.dma_semaphore, #tpu.memory_space<semaphore_mem>>)
    %dma_wait3A_85 = arith.constant 0 : i32
    %dma_wait3A_86 = arith.constant 0 : i32
    %dma_wait3A_87 = tpu.memref_slice %arg2[%add3A, %dma_wait3A_85, %dma_wait3A_86] : memref<4x8192x2048xf32, #tpu.memory_space<hbm>> -> memref<1x8x2048xf32, #tpu.memory_space<hbm>>
    %dma_wait3A_88 = tpu.memref_squeeze %dma_wait3A_87 : memref<1x8x2048xf32, #tpu.memory_space<hbm>> -> memref<8x2048xf32, #tpu.memory_space<hbm>>
    %dma_wait3A_89 = arith.constant 0 : i32
    %dma_wait3A_90 = arith.constant 0 : i32
    %dma_wait3A_91 = tpu.memref_slice %arg2[%add3A, %dma_wait3A_89, %dma_wait3A_90] : memref<4x8192x2048xf32, #tpu.memory_space<hbm>> -> memref<1x8x2048xf32, #tpu.memory_space<hbm>>
    %dma_wait3A_92 = tpu.memref_squeeze %dma_wait3A_91 : memref<1x8x2048xf32, #tpu.memory_space<hbm>> -> memref<8x2048xf32, #tpu.memory_space<hbm>>
    tpu.wait_dma2 semaphore(%arg12 : memref<!tpu.dma_semaphore, #tpu.memory_space<semaphore_mem>>) src(%dma_wait3A_92 : memref<8x2048xf32, #tpu.memory_space<hbm>>) dst(%arg4 : memref<8x2048xf32, #tpu.memory_space<vmem>>)
    %scan3A_93 = arith.constant 0 : i32
    %scan3A_94 = arith.constant 0 : i32
    %scan3A_95 = arith.constant 128 : i32
    %scan3A_96 = arith.addi %scan3A_94, %scan3A_95 : i32
    %scan3A_97 = arith.constant 1 : i32
    scf.for %scan3A_184 = %scan3A_94 to %scan3A_96 step %scan3A_97  : i32 {
      %mul3A_185 = arith.constant 16 : i32
      %mul3A_186 = arith.muli %scan3A_184, %mul3A_185 : i32
      %get3A = arith.constant 7 : i32
      %get3A_187 = arith.index_cast %get3A : i32 to index
      %get3A_188 = arith.index_cast %mul3A_186 : i32 to index
      %get3A_189 = tpu.vector_load %arg4[%get3A_187, %get3A_188] {strides = array<i32>} : memref<8x2048xf32, #tpu.memory_space<vmem>>, vector<1x16xf32>,
      %get3A_190 = vector.shape_cast %get3A_189 : vector<1x16xf32> to vector<16xf32>
      %get3A_191 = arith.constant 0 : i32
      %get3A_192 = arith.index_cast %get3A_191 : i32 to index
      %get3A_193 = arith.index_cast %mul3A_186 : i32 to index
      %get3A_194 = tpu.vector_load %arg11[%get3A_192, %get3A_193] {strides = array<i32>} : memref<1x2048xf32, #tpu.memory_space<vmem>>, vector<1x16xf32>,
      %get3A_195 = vector.shape_cast %get3A_194 : vector<1x16xf32> to vector<16xf32>
      %swap3A = arith.constant 0 : i32
      %swap3A_196 = arith.index_cast %swap3A : i32 to index
      %swap3A_197 = arith.index_cast %mul3A_186 : i32 to index
      %swap3A_198 = tpu.vector_load %arg7[%swap3A_196, %swap3A_197] {strides = array<i32>} : memref<8x2048xf32, #tpu.memory_space<vmem>>, vector<1x16xf32>,
      %swap3A_199 = vector.shape_cast %swap3A_198 : vector<1x16xf32> to vector<16xf32>
      %swap3A_200 = vector.shape_cast %get3A_195 : vector<16xf32> to vector<1x16xf32>
      tpu.vector_store %arg7[%swap3A_196, %swap3A_197], %swap3A_200 {strides = array<i32>} : memref<8x2048xf32, #tpu.memory_space<vmem>>, vector<1x16xf32>,
      %get3A_201 = arith.constant 0 : i32
      %get3A_202 = arith.index_cast %get3A_201 : i32 to index
      %get3A_203 = arith.index_cast %mul3A_186 : i32 to index
      %get3A_204 = tpu.vector_load %arg4[%get3A_202, %get3A_203] {strides = array<i32>} : memref<8x2048xf32, #tpu.memory_space<vmem>>, vector<1x16xf32>,
      %get3A_205 = vector.shape_cast %get3A_204 : vector<1x16xf32> to vector<16xf32>
      %swap3A_206 = arith.constant 1 : i32
      %swap3A_207 = arith.index_cast %swap3A_206 : i32 to index
      %swap3A_208 = arith.index_cast %mul3A_186 : i32 to index
      %swap3A_209 = tpu.vector_load %arg7[%swap3A_207, %swap3A_208] {strides = array<i32>} : memref<8x2048xf32, #tpu.memory_space<vmem>>, vector<1x16xf32>,
      %swap3A_210 = vector.shape_cast %swap3A_209 : vector<1x16xf32> to vector<16xf32>
      %swap3A_211 = vector.shape_cast %get3A_205 : vector<16xf32> to vector<1x16xf32>
      tpu.vector_store %arg7[%swap3A_207, %swap3A_208], %swap3A_211 {strides = array<i32>} : memref<8x2048xf32, #tpu.memory_space<vmem>>, vector<1x16xf32>,
      %get3A_212 = arith.constant 1 : i32
      %get3A_213 = arith.index_cast %get3A_212 : i32 to index
      %get3A_214 = arith.index_cast %mul3A_186 : i32 to index
      %get3A_215 = tpu.vector_load %arg4[%get3A_213, %get3A_214] {strides = array<i32>} : memref<8x2048xf32, #tpu.memory_space<vmem>>, vector<1x16xf32>,
      %get3A_216 = vector.shape_cast %get3A_215 : vector<1x16xf32> to vector<16xf32>
      %swap3A_217 = arith.constant 2 : i32
      %swap3A_218 = arith.index_cast %swap3A_217 : i32 to index
      %swap3A_219 = arith.index_cast %mul3A_186 : i32 to index
      %swap3A_220 = tpu.vector_load %arg7[%swap3A_218, %swap3A_219] {strides = array<i32>} : memref<8x2048xf32, #tpu.memory_space<vmem>>, vector<1x16xf32>,
      %swap3A_221 = vector.shape_cast %swap3A_220 : vector<1x16xf32> to vector<16xf32>
      %swap3A_222 = vector.shape_cast %get3A_216 : vector<16xf32> to vector<1x16xf32>
      tpu.vector_store %arg7[%swap3A_218, %swap3A_219], %swap3A_222 {strides = array<i32>} : memref<8x2048xf32, #tpu.memory_space<vmem>>, vector<1x16xf32>,
      %get3A_223 = arith.constant 2 : i32
      %get3A_224 = arith.index_cast %get3A_223 : i32 to index
      %get3A_225 = arith.index_cast %mul3A_186 : i32 to index
      %get3A_226 = tpu.vector_load %arg4[%get3A_224, %get3A_225] {strides = array<i32>} : memref<8x2048xf32, #tpu.memory_space<vmem>>, vector<1x16xf32>,
      %get3A_227 = vector.shape_cast %get3A_226 : vector<1x16xf32> to vector<16xf32>
      %swap3A_228 = arith.constant 3 : i32
      %swap3A_229 = arith.index_cast %swap3A_228 : i32 to index
      %swap3A_230 = arith.index_cast %mul3A_186 : i32 to index
      %swap3A_231 = tpu.vector_load %arg7[%swap3A_229, %swap3A_230] {strides = array<i32>} : memref<8x2048xf32, #tpu.memory_space<vmem>>, vector<1x16xf32>,
      %swap3A_232 = vector.shape_cast %swap3A_231 : vector<1x16xf32> to vector<16xf32>
      %swap3A_233 = vector.shape_cast %get3A_227 : vector<16xf32> to vector<1x16xf32>
      tpu.vector_store %arg7[%swap3A_229, %swap3A_230], %swap3A_233 {strides = array<i32>} : memref<8x2048xf32, #tpu.memory_space<vmem>>, vector<1x16xf32>,
      %get3A_234 = arith.constant 3 : i32
      %get3A_235 = arith.index_cast %get3A_234 : i32 to index
      %get3A_236 = arith.index_cast %mul3A_186 : i32 to index
      %get3A_237 = tpu.vector_load %arg4[%get3A_235, %get3A_236] {strides = array<i32>} : memref<8x2048xf32, #tpu.memory_space<vmem>>, vector<1x16xf32>,
      %get3A_238 = vector.shape_cast %get3A_237 : vector<1x16xf32> to vector<16xf32>
      %swap3A_239 = arith.constant 4 : i32
      %swap3A_240 = arith.index_cast %swap3A_239 : i32 to index
      %swap3A_241 = arith.index_cast %mul3A_186 : i32 to index
      %swap3A_242 = tpu.vector_load %arg7[%swap3A_240, %swap3A_241] {strides = array<i32>} : memref<8x2048xf32, #tpu.memory_space<vmem>>, vector<1x16xf32>,
      %swap3A_243 = vector.shape_cast %swap3A_242 : vector<1x16xf32> to vector<16xf32>
      %swap3A_244 = vector.shape_cast %get3A_238 : vector<16xf32> to vector<1x16xf32>
      tpu.vector_store %arg7[%swap3A_240, %swap3A_241], %swap3A_244 {strides = array<i32>} : memref<8x2048xf32, #tpu.memory_space<vmem>>, vector<1x16xf32>,
      %get3A_245 = arith.constant 4 : i32
      %get3A_246 = arith.index_cast %get3A_245 : i32 to index
      %get3A_247 = arith.index_cast %mul3A_186 : i32 to index
      %get3A_248 = tpu.vector_load %arg4[%get3A_246, %get3A_247] {strides = array<i32>} : memref<8x2048xf32, #tpu.memory_space<vmem>>, vector<1x16xf32>,
      %get3A_249 = vector.shape_cast %get3A_248 : vector<1x16xf32> to vector<16xf32>
      %swap3A_250 = arith.constant 5 : i32
      %swap3A_251 = arith.index_cast %swap3A_250 : i32 to index
      %swap3A_252 = arith.index_cast %mul3A_186 : i32 to index
      %swap3A_253 = tpu.vector_load %arg7[%swap3A_251, %swap3A_252] {strides = array<i32>} : memref<8x2048xf32, #tpu.memory_space<vmem>>, vector<1x16xf32>,
      %swap3A_254 = vector.shape_cast %swap3A_253 : vector<1x16xf32> to vector<16xf32>
      %swap3A_255 = vector.shape_cast %get3A_249 : vector<16xf32> to vector<1x16xf32>
      tpu.vector_store %arg7[%swap3A_251, %swap3A_252], %swap3A_255 {strides = array<i32>} : memref<8x2048xf32, #tpu.memory_space<vmem>>, vector<1x16xf32>,
      %get3A_256 = arith.constant 5 : i32
      %get3A_257 = arith.index_cast %get3A_256 : i32 to index
      %get3A_258 = arith.index_cast %mul3A_186 : i32 to index
      %get3A_259 = tpu.vector_load %arg4[%get3A_257, %get3A_258] {strides = array<i32>} : memref<8x2048xf32, #tpu.memory_space<vmem>>, vector<1x16xf32>,
      %get3A_260 = vector.shape_cast %get3A_259 : vector<1x16xf32> to vector<16xf32>
      %swap3A_261 = arith.constant 6 : i32
      %swap3A_262 = arith.index_cast %swap3A_261 : i32 to index
      %swap3A_263 = arith.index_cast %mul3A_186 : i32 to index
      %swap3A_264 = tpu.vector_load %arg7[%swap3A_262, %swap3A_263] {strides = array<i32>} : memref<8x2048xf32, #tpu.memory_space<vmem>>, vector<1x16xf32>,
      %swap3A_265 = vector.shape_cast %swap3A_264 : vector<1x16xf32> to vector<16xf32>
      %swap3A_266 = vector.shape_cast %get3A_260 : vector<16xf32> to vector<1x16xf32>
      tpu.vector_store %arg7[%swap3A_262, %swap3A_263], %swap3A_266 {strides = array<i32>} : memref<8x2048xf32, #tpu.memory_space<vmem>>, vector<1x16xf32>,
      %get3A_267 = arith.constant 6 : i32
      %get3A_268 = arith.index_cast %get3A_267 : i32 to index
      %get3A_269 = arith.index_cast %mul3A_186 : i32 to index
      %get3A_270 = tpu.vector_load %arg4[%get3A_268, %get3A_269] {strides = array<i32>} : memref<8x2048xf32, #tpu.memory_space<vmem>>, vector<1x16xf32>,
      %get3A_271 = vector.shape_cast %get3A_270 : vector<1x16xf32> to vector<16xf32>
      %swap3A_272 = arith.constant 7 : i32
      %swap3A_273 = arith.index_cast %swap3A_272 : i32 to index
      %swap3A_274 = arith.index_cast %mul3A_186 : i32 to index
      %swap3A_275 = tpu.vector_load %arg7[%swap3A_273, %swap3A_274] {strides = array<i32>} : memref<8x2048xf32, #tpu.memory_space<vmem>>, vector<1x16xf32>,
      %swap3A_276 = vector.shape_cast %swap3A_275 : vector<1x16xf32> to vector<16xf32>
      %swap3A_277 = vector.shape_cast %get3A_271 : vector<16xf32> to vector<1x16xf32>
      tpu.vector_store %arg7[%swap3A_273, %swap3A_274], %swap3A_277 {strides = array<i32>} : memref<8x2048xf32, #tpu.memory_space<vmem>>, vector<1x16xf32>,
      %swap3A_278 = arith.constant 0 : i32
      %swap3A_279 = arith.index_cast %swap3A_278 : i32 to index
      %swap3A_280 = arith.index_cast %mul3A_186 : i32 to index
      %swap3A_281 = tpu.vector_load %arg11[%swap3A_279, %swap3A_280] {strides = array<i32>} : memref<1x2048xf32, #tpu.memory_space<vmem>>, vector<1x16xf32>,
      %swap3A_282 = vector.shape_cast %swap3A_281 : vector<1x16xf32> to vector<16xf32>
      %swap3A_283 = vector.shape_cast %get3A_190 : vector<16xf32> to vector<1x16xf32>
      tpu.vector_store %arg11[%swap3A_279, %swap3A_280], %swap3A_283 {strides = array<i32>} : memref<1x2048xf32, #tpu.memory_space<vmem>>, vector<1x16xf32>,
    }
    %scan3A_98 = arith.constant 128 : i32
    %add3A_99 = arith.constant 126 : i32
    %add3A_100 = arith.addi %mul3A_32, %add3A_99 : i32
    %add3A_101 = arith.constant 0 : i32
    %add3A_102 = arith.addi %add3A_100, %add3A_101 : i32
    %mul3A_103 = arith.constant 8 : i32
    %mul3A_104 = arith.muli %add3A_102, %mul3A_103 : i32
    %dma_start3A_105 = arith.constant 0 : i32
    %dma_start3A_106 = tpu.memref_slice %arg3[%add3A, %mul3A_104, %dma_start3A_105] : memref<4x8194x2048xf32, #tpu.memory_space<hbm>> -> memref<1x8x2048xf32, #tpu.memory_space<hbm>>
    %dma_start3A_107 = tpu.memref_squeeze %dma_start3A_106 : memref<1x8x2048xf32, #tpu.memory_space<hbm>> -> memref<8x2048xf32, #tpu.memory_space<hbm>>
    %dma_start3A_108 = arith.constant 0 : i32
    %dma_start3A_109 = tpu.memref_slice %arg3[%add3A, %mul3A_104, %dma_start3A_108] : memref<4x8194x2048xf32, #tpu.memory_space<hbm>> -> memref<1x8x2048xf32, #tpu.memory_space<hbm>>
    %dma_start3A_110 = tpu.memref_squeeze %dma_start3A_109 : memref<1x8x2048xf32, #tpu.memory_space<hbm>> -> memref<8x2048xf32, #tpu.memory_space<hbm>>
    tpu.enqueue_dma source(%arg7 : memref<8x2048xf32, #tpu.memory_space<vmem>>) target(%dma_start3A_110 : memref<8x2048xf32, #tpu.memory_space<hbm>>) target_semaphore(%arg13 : memref<!tpu.dma_semaphore, #tpu.memory_space<semaphore_mem>>)
    %dma_wait3A_111 = arith.constant 0 : i32
    %dma_wait3A_112 = arith.constant 0 : i32
    %dma_wait3A_113 = tpu.memref_slice %arg3[%add3A, %dma_wait3A_111, %dma_wait3A_112] : memref<4x8194x2048xf32, #tpu.memory_space<hbm>> -> memref<1x8x2048xf32, #tpu.memory_space<hbm>>
    %dma_wait3A_114 = tpu.memref_squeeze %dma_wait3A_113 : memref<1x8x2048xf32, #tpu.memory_space<hbm>> -> memref<8x2048xf32, #tpu.memory_space<hbm>>
    %dma_wait3A_115 = arith.constant 0 : i32
    %dma_wait3A_116 = arith.constant 0 : i32
    %dma_wait3A_117 = tpu.memref_slice %arg3[%add3A, %dma_wait3A_115, %dma_wait3A_116] : memref<4x8194x2048xf32, #tpu.memory_space<hbm>> -> memref<1x8x2048xf32, #tpu.memory_space<hbm>>
    %dma_wait3A_118 = tpu.memref_squeeze %dma_wait3A_117 : memref<1x8x2048xf32, #tpu.memory_space<hbm>> -> memref<8x2048xf32, #tpu.memory_space<hbm>>
    tpu.wait_dma2 semaphore(%arg13 : memref<!tpu.dma_semaphore, #tpu.memory_space<semaphore_mem>>) src(%arg8 : memref<8x2048xf32, #tpu.memory_space<vmem>>) dst(%dma_wait3A_118 : memref<8x2048xf32, #tpu.memory_space<hbm>>)
    %add3A_119 = arith.constant 126 : i32
    %add3A_120 = arith.addi %mul3A_32, %add3A_119 : i32
    %add3A_121 = arith.constant 1 : i32
    %add3A_122 = arith.addi %add3A_120, %add3A_121 : i32
    %max3A_123 = arith.constant 0 : i32
    %max3A_124 = arith.maxsi %add3A_122, %max3A_123 : i32
    %mul3A_125 = arith.constant 8 : i32
    %mul3A_126 = arith.muli %max3A_124, %mul3A_125 : i32
    %dma_start3A_127 = arith.constant 0 : i32
    %dma_start3A_128 = tpu.memref_slice %arg2[%add3A, %mul3A_126, %dma_start3A_127] : memref<4x8192x2048xf32, #tpu.memory_space<hbm>> -> memref<1x8x2048xf32, #tpu.memory_space<hbm>>
    %dma_start3A_129 = tpu.memref_squeeze %dma_start3A_128 : memref<1x8x2048xf32, #tpu.memory_space<hbm>> -> memref<8x2048xf32, #tpu.memory_space<hbm>>
    %dma_start3A_130 = arith.constant 0 : i32
    %dma_start3A_131 = tpu.memref_slice %arg2[%add3A, %mul3A_126, %dma_start3A_130] : memref<4x8192x2048xf32, #tpu.memory_space<hbm>> -> memref<1x8x2048xf32, #tpu.memory_space<hbm>>
    %dma_start3A_132 = tpu.memref_squeeze %dma_start3A_131 : memref<1x8x2048xf32, #tpu.memory_space<hbm>> -> memref<8x2048xf32, #tpu.memory_space<hbm>>
    tpu.enqueue_dma source(%dma_start3A_132 : memref<8x2048xf32, #tpu.memory_space<hbm>>) target(%arg5 : memref<8x2048xf32, #tpu.memory_space<vmem>>) target_semaphore(%arg12 : memref<!tpu.dma_semaphore, #tpu.memory_space<semaphore_mem>>)
    %dma_wait3A_133 = arith.constant 0 : i32
    %dma_wait3A_134 = arith.constant 0 : i32
    %dma_wait3A_135 = tpu.memref_slice %arg2[%add3A, %dma_wait3A_133, %dma_wait3A_134] : memref<4x8192x2048xf32, #tpu.memory_space<hbm>> -> memref<1x8x2048xf32, #tpu.memory_space<hbm>>
    %dma_wait3A_136 = tpu.memref_squeeze %dma_wait3A_135 : memref<1x8x2048xf32, #tpu.memory_space<hbm>> -> memref<8x2048xf32, #tpu.memory_space<hbm>>
    %dma_wait3A_137 = arith.constant 0 : i32
    %dma_wait3A_138 = arith.constant 0 : i32
    %dma_wait3A_139 = tpu.memref_slice %arg2[%add3A, %dma_wait3A_137, %dma_wait3A_138] : memref<4x8192x2048xf32, #tpu.memory_space<hbm>> -> memref<1x8x2048xf32, #tpu.memory_space<hbm>>
    %dma_wait3A_140 = tpu.memref_squeeze %dma_wait3A_139 : memref<1x8x2048xf32, #tpu.memory_space<hbm>> -> memref<8x2048xf32, #tpu.memory_space<hbm>>
    tpu.wait_dma2 semaphore(%arg12 : memref<!tpu.dma_semaphore, #tpu.memory_space<semaphore_mem>>) src(%dma_wait3A_140 : memref<8x2048xf32, #tpu.memory_space<hbm>>) dst(%arg5 : memref<8x2048xf32, #tpu.memory_space<vmem>>)
    %scan3A_141 = arith.constant 0 : i32
    %scan3A_142 = arith.constant 0 : i32
    %scan3A_143 = arith.constant 128 : i32
    %scan3A_144 = arith.addi %scan3A_142, %scan3A_143 : i32
    %scan3A_145 = arith.constant 1 : i32
    scf.for %scan3A_184 = %scan3A_142 to %scan3A_144 step %scan3A_145  : i32 {
      %mul3A_185 = arith.constant 16 : i32
      %mul3A_186 = arith.muli %scan3A_184, %mul3A_185 : i32
      %get3A = arith.constant 7 : i32
      %get3A_187 = arith.index_cast %get3A : i32 to index
      %get3A_188 = arith.index_cast %mul3A_186 : i32 to index
      %get3A_189 = tpu.vector_load %arg5[%get3A_187, %get3A_188] {strides = array<i32>} : memref<8x2048xf32, #tpu.memory_space<vmem>>, vector<1x16xf32>,
      %get3A_190 = vector.shape_cast %get3A_189 : vector<1x16xf32> to vector<16xf32>
      %get3A_191 = arith.constant 0 : i32
      %get3A_192 = arith.index_cast %get3A_191 : i32 to index
      %get3A_193 = arith.index_cast %mul3A_186 : i32 to index
      %get3A_194 = tpu.vector_load %arg11[%get3A_192, %get3A_193] {strides = array<i32>} : memref<1x2048xf32, #tpu.memory_space<vmem>>, vector<1x16xf32>,
      %get3A_195 = vector.shape_cast %get3A_194 : vector<1x16xf32> to vector<16xf32>
      %swap3A = arith.constant 0 : i32
      %swap3A_196 = arith.index_cast %swap3A : i32 to index
      %swap3A_197 = arith.index_cast %mul3A_186 : i32 to index
      %swap3A_198 = tpu.vector_load %arg8[%swap3A_196, %swap3A_197] {strides = array<i32>} : memref<8x2048xf32, #tpu.memory_space<vmem>>, vector<1x16xf32>,
      %swap3A_199 = vector.shape_cast %swap3A_198 : vector<1x16xf32> to vector<16xf32>
      %swap3A_200 = vector.shape_cast %get3A_195 : vector<16xf32> to vector<1x16xf32>
      tpu.vector_store %arg8[%swap3A_196, %swap3A_197], %swap3A_200 {strides = array<i32>} : memref<8x2048xf32, #tpu.memory_space<vmem>>, vector<1x16xf32>,
      %get3A_201 = arith.constant 0 : i32
      %get3A_202 = arith.index_cast %get3A_201 : i32 to index
      %get3A_203 = arith.index_cast %mul3A_186 : i32 to index
      %get3A_204 = tpu.vector_load %arg5[%get3A_202, %get3A_203] {strides = array<i32>} : memref<8x2048xf32, #tpu.memory_space<vmem>>, vector<1x16xf32>,
      %get3A_205 = vector.shape_cast %get3A_204 : vector<1x16xf32> to vector<16xf32>
      %swap3A_206 = arith.constant 1 : i32
      %swap3A_207 = arith.index_cast %swap3A_206 : i32 to index
      %swap3A_208 = arith.index_cast %mul3A_186 : i32 to index
      %swap3A_209 = tpu.vector_load %arg8[%swap3A_207, %swap3A_208] {strides = array<i32>} : memref<8x2048xf32, #tpu.memory_space<vmem>>, vector<1x16xf32>,
      %swap3A_210 = vector.shape_cast %swap3A_209 : vector<1x16xf32> to vector<16xf32>
      %swap3A_211 = vector.shape_cast %get3A_205 : vector<16xf32> to vector<1x16xf32>
      tpu.vector_store %arg8[%swap3A_207, %swap3A_208], %swap3A_211 {strides = array<i32>} : memref<8x2048xf32, #tpu.memory_space<vmem>>, vector<1x16xf32>,
      %get3A_212 = arith.constant 1 : i32
      %get3A_213 = arith.index_cast %get3A_212 : i32 to index
      %get3A_214 = arith.index_cast %mul3A_186 : i32 to index
      %get3A_215 = tpu.vector_load %arg5[%get3A_213, %get3A_214] {strides = array<i32>} : memref<8x2048xf32, #tpu.memory_space<vmem>>, vector<1x16xf32>,
      %get3A_216 = vector.shape_cast %get3A_215 : vector<1x16xf32> to vector<16xf32>
      %swap3A_217 = arith.constant 2 : i32
      %swap3A_218 = arith.index_cast %swap3A_217 : i32 to index
      %swap3A_219 = arith.index_cast %mul3A_186 : i32 to index
      %swap3A_220 = tpu.vector_load %arg8[%swap3A_218, %swap3A_219] {strides = array<i32>} : memref<8x2048xf32, #tpu.memory_space<vmem>>, vector<1x16xf32>,
      %swap3A_221 = vector.shape_cast %swap3A_220 : vector<1x16xf32> to vector<16xf32>
      %swap3A_222 = vector.shape_cast %get3A_216 : vector<16xf32> to vector<1x16xf32>
      tpu.vector_store %arg8[%swap3A_218, %swap3A_219], %swap3A_222 {strides = array<i32>} : memref<8x2048xf32, #tpu.memory_space<vmem>>, vector<1x16xf32>,
      %get3A_223 = arith.constant 2 : i32
      %get3A_224 = arith.index_cast %get3A_223 : i32 to index
      %get3A_225 = arith.index_cast %mul3A_186 : i32 to index
      %get3A_226 = tpu.vector_load %arg5[%get3A_224, %get3A_225] {strides = array<i32>} : memref<8x2048xf32, #tpu.memory_space<vmem>>, vector<1x16xf32>,
      %get3A_227 = vector.shape_cast %get3A_226 : vector<1x16xf32> to vector<16xf32>
      %swap3A_228 = arith.constant 3 : i32
      %swap3A_229 = arith.index_cast %swap3A_228 : i32 to index
      %swap3A_230 = arith.index_cast %mul3A_186 : i32 to index
      %swap3A_231 = tpu.vector_load %arg8[%swap3A_229, %swap3A_230] {strides = array<i32>} : memref<8x2048xf32, #tpu.memory_space<vmem>>, vector<1x16xf32>,
      %swap3A_232 = vector.shape_cast %swap3A_231 : vector<1x16xf32> to vector<16xf32>
      %swap3A_233 = vector.shape_cast %get3A_227 : vector<16xf32> to vector<1x16xf32>
      tpu.vector_store %arg8[%swap3A_229, %swap3A_230], %swap3A_233 {strides = array<i32>} : memref<8x2048xf32, #tpu.memory_space<vmem>>, vector<1x16xf32>,
      %get3A_234 = arith.constant 3 : i32
      %get3A_235 = arith.index_cast %get3A_234 : i32 to index
      %get3A_236 = arith.index_cast %mul3A_186 : i32 to index
      %get3A_237 = tpu.vector_load %arg5[%get3A_235, %get3A_236] {strides = array<i32>} : memref<8x2048xf32, #tpu.memory_space<vmem>>, vector<1x16xf32>,
      %get3A_238 = vector.shape_cast %get3A_237 : vector<1x16xf32> to vector<16xf32>
      %swap3A_239 = arith.constant 4 : i32
      %swap3A_240 = arith.index_cast %swap3A_239 : i32 to index
      %swap3A_241 = arith.index_cast %mul3A_186 : i32 to index
      %swap3A_242 = tpu.vector_load %arg8[%swap3A_240, %swap3A_241] {strides = array<i32>} : memref<8x2048xf32, #tpu.memory_space<vmem>>, vector<1x16xf32>,
      %swap3A_243 = vector.shape_cast %swap3A_242 : vector<1x16xf32> to vector<16xf32>
      %swap3A_244 = vector.shape_cast %get3A_238 : vector<16xf32> to vector<1x16xf32>
      tpu.vector_store %arg8[%swap3A_240, %swap3A_241], %swap3A_244 {strides = array<i32>} : memref<8x2048xf32, #tpu.memory_space<vmem>>, vector<1x16xf32>,
      %get3A_245 = arith.constant 4 : i32
      %get3A_246 = arith.index_cast %get3A_245 : i32 to index
      %get3A_247 = arith.index_cast %mul3A_186 : i32 to index
      %get3A_248 = tpu.vector_load %arg5[%get3A_246, %get3A_247] {strides = array<i32>} : memref<8x2048xf32, #tpu.memory_space<vmem>>, vector<1x16xf32>,
      %get3A_249 = vector.shape_cast %get3A_248 : vector<1x16xf32> to vector<16xf32>
      %swap3A_250 = arith.constant 5 : i32
      %swap3A_251 = arith.index_cast %swap3A_250 : i32 to index
      %swap3A_252 = arith.index_cast %mul3A_186 : i32 to index
      %swap3A_253 = tpu.vector_load %arg8[%swap3A_251, %swap3A_252] {strides = array<i32>} : memref<8x2048xf32, #tpu.memory_space<vmem>>, vector<1x16xf32>,
      %swap3A_254 = vector.shape_cast %swap3A_253 : vector<1x16xf32> to vector<16xf32>
      %swap3A_255 = vector.shape_cast %get3A_249 : vector<16xf32> to vector<1x16xf32>
      tpu.vector_store %arg8[%swap3A_251, %swap3A_252], %swap3A_255 {strides = array<i32>} : memref<8x2048xf32, #tpu.memory_space<vmem>>, vector<1x16xf32>,
      %get3A_256 = arith.constant 5 : i32
      %get3A_257 = arith.index_cast %get3A_256 : i32 to index
      %get3A_258 = arith.index_cast %mul3A_186 : i32 to index
      %get3A_259 = tpu.vector_load %arg5[%get3A_257, %get3A_258] {strides = array<i32>} : memref<8x2048xf32, #tpu.memory_space<vmem>>, vector<1x16xf32>,
      %get3A_260 = vector.shape_cast %get3A_259 : vector<1x16xf32> to vector<16xf32>
      %swap3A_261 = arith.constant 6 : i32
      %swap3A_262 = arith.index_cast %swap3A_261 : i32 to index
      %swap3A_263 = arith.index_cast %mul3A_186 : i32 to index
      %swap3A_264 = tpu.vector_load %arg8[%swap3A_262, %swap3A_263] {strides = array<i32>} : memref<8x2048xf32, #tpu.memory_space<vmem>>, vector<1x16xf32>,
      %swap3A_265 = vector.shape_cast %swap3A_264 : vector<1x16xf32> to vector<16xf32>
      %swap3A_266 = vector.shape_cast %get3A_260 : vector<16xf32> to vector<1x16xf32>
      tpu.vector_store %arg8[%swap3A_262, %swap3A_263], %swap3A_266 {strides = array<i32>} : memref<8x2048xf32, #tpu.memory_space<vmem>>, vector<1x16xf32>,
      %get3A_267 = arith.constant 6 : i32
      %get3A_268 = arith.index_cast %get3A_267 : i32 to index
      %get3A_269 = arith.index_cast %mul3A_186 : i32 to index
      %get3A_270 = tpu.vector_load %arg5[%get3A_268, %get3A_269] {strides = array<i32>} : memref<8x2048xf32, #tpu.memory_space<vmem>>, vector<1x16xf32>,
      %get3A_271 = vector.shape_cast %get3A_270 : vector<1x16xf32> to vector<16xf32>
      %swap3A_272 = arith.constant 7 : i32
      %swap3A_273 = arith.index_cast %swap3A_272 : i32 to index
      %swap3A_274 = arith.index_cast %mul3A_186 : i32 to index
      %swap3A_275 = tpu.vector_load %arg8[%swap3A_273, %swap3A_274] {strides = array<i32>} : memref<8x2048xf32, #tpu.memory_space<vmem>>, vector<1x16xf32>,
      %swap3A_276 = vector.shape_cast %swap3A_275 : vector<1x16xf32> to vector<16xf32>
      %swap3A_277 = vector.shape_cast %get3A_271 : vector<16xf32> to vector<1x16xf32>
      tpu.vector_store %arg8[%swap3A_273, %swap3A_274], %swap3A_277 {strides = array<i32>} : memref<8x2048xf32, #tpu.memory_space<vmem>>, vector<1x16xf32>,
      %swap3A_278 = arith.constant 0 : i32
      %swap3A_279 = arith.index_cast %swap3A_278 : i32 to index
      %swap3A_280 = arith.index_cast %mul3A_186 : i32 to index
      %swap3A_281 = tpu.vector_load %arg11[%swap3A_279, %swap3A_280] {strides = array<i32>} : memref<1x2048xf32, #tpu.memory_space<vmem>>, vector<1x16xf32>,
      %swap3A_282 = vector.shape_cast %swap3A_281 : vector<1x16xf32> to vector<16xf32>
      %swap3A_283 = vector.shape_cast %get3A_190 : vector<16xf32> to vector<1x16xf32>
      tpu.vector_store %arg11[%swap3A_279, %swap3A_280], %swap3A_283 {strides = array<i32>} : memref<1x2048xf32, #tpu.memory_space<vmem>>, vector<1x16xf32>,
    }
    %scan3A_146 = arith.constant 128 : i32
    %add3A_147 = arith.constant 126 : i32
    %add3A_148 = arith.addi %mul3A_32, %add3A_147 : i32
    %add3A_149 = arith.constant 1 : i32
    %add3A_150 = arith.addi %add3A_148, %add3A_149 : i32
    %mul3A_151 = arith.constant 8 : i32
    %mul3A_152 = arith.muli %add3A_150, %mul3A_151 : i32
    %dma_start3A_153 = arith.constant 0 : i32
    %dma_start3A_154 = tpu.memref_slice %arg3[%add3A, %mul3A_152, %dma_start3A_153] : memref<4x8194x2048xf32, #tpu.memory_space<hbm>> -> memref<1x8x2048xf32, #tpu.memory_space<hbm>>
    %dma_start3A_155 = tpu.memref_squeeze %dma_start3A_154 : memref<1x8x2048xf32, #tpu.memory_space<hbm>> -> memref<8x2048xf32, #tpu.memory_space<hbm>>
    %dma_start3A_156 = arith.constant 0 : i32
    %dma_start3A_157 = tpu.memref_slice %arg3[%add3A, %mul3A_152, %dma_start3A_156] : memref<4x8194x2048xf32, #tpu.memory_space<hbm>> -> memref<1x8x2048xf32, #tpu.memory_space<hbm>>
    %dma_start3A_158 = tpu.memref_squeeze %dma_start3A_157 : memref<1x8x2048xf32, #tpu.memory_space<hbm>> -> memref<8x2048xf32, #tpu.memory_space<hbm>>
    tpu.enqueue_dma source(%arg8 : memref<8x2048xf32, #tpu.memory_space<vmem>>) target(%dma_start3A_158 : memref<8x2048xf32, #tpu.memory_space<hbm>>) target_semaphore(%arg13 : memref<!tpu.dma_semaphore, #tpu.memory_space<semaphore_mem>>)
    %dma_wait3A_159 = arith.constant 0 : i32
    %dma_wait3A_160 = arith.constant 0 : i32
    %dma_wait3A_161 = tpu.memref_slice %arg3[%add3A, %dma_wait3A_159, %dma_wait3A_160] : memref<4x8194x2048xf32, #tpu.memory_space<hbm>> -> memref<1x8x2048xf32, #tpu.memory_space<hbm>>
    %dma_wait3A_162 = tpu.memref_squeeze %dma_wait3A_161 : memref<1x8x2048xf32, #tpu.memory_space<hbm>> -> memref<8x2048xf32, #tpu.memory_space<hbm>>
    %dma_wait3A_163 = arith.constant 0 : i32
    %dma_wait3A_164 = arith.constant 0 : i32
    %dma_wait3A_165 = tpu.memref_slice %arg3[%add3A, %dma_wait3A_163, %dma_wait3A_164] : memref<4x8194x2048xf32, #tpu.memory_space<hbm>> -> memref<1x8x2048xf32, #tpu.memory_space<hbm>>
    %dma_wait3A_166 = tpu.memref_squeeze %dma_wait3A_165 : memref<1x8x2048xf32, #tpu.memory_space<hbm>> -> memref<8x2048xf32, #tpu.memory_space<hbm>>
    tpu.wait_dma2 semaphore(%arg13 : memref<!tpu.dma_semaphore, #tpu.memory_space<semaphore_mem>>) src(%arg7 : memref<8x2048xf32, #tpu.memory_space<vmem>>) dst(%dma_wait3A_166 : memref<8x2048xf32, #tpu.memory_space<hbm>>)
    %dma_wait3A_167 = arith.constant 0 : i32
    %dma_wait3A_168 = arith.constant 0 : i32
    %dma_wait3A_169 = tpu.memref_slice %arg3[%add3A, %dma_wait3A_167, %dma_wait3A_168] : memref<4x8194x2048xf32, #tpu.memory_space<hbm>> -> memref<1x8x2048xf32, #tpu.memory_space<hbm>>
    %dma_wait3A_170 = tpu.memref_squeeze %dma_wait3A_169 : memref<1x8x2048xf32, #tpu.memory_space<hbm>> -> memref<8x2048xf32, #tpu.memory_space<hbm>>
    %dma_wait3A_171 = arith.constant 0 : i32
    %dma_wait3A_172 = arith.constant 0 : i32
    %dma_wait3A_173 = tpu.memref_slice %arg3[%add3A, %dma_wait3A_171, %dma_wait3A_172] : memref<4x8194x2048xf32, #tpu.memory_space<hbm>> -> memref<1x8x2048xf32, #tpu.memory_space<hbm>>
    %dma_wait3A_174 = tpu.memref_squeeze %dma_wait3A_173 : memref<1x8x2048xf32, #tpu.memory_space<hbm>> -> memref<8x2048xf32, #tpu.memory_space<hbm>>
    tpu.wait_dma2 semaphore(%arg13 : memref<!tpu.dma_semaphore, #tpu.memory_space<semaphore_mem>>) src(%arg8 : memref<8x2048xf32, #tpu.memory_space<vmem>>) dst(%dma_wait3A_174 : memref<8x2048xf32, #tpu.memory_space<hbm>>)
    %dma_wait3A_175 = arith.constant 0 : i32
    %dma_wait3A_176 = arith.constant 0 : i32
    %dma_wait3A_177 = tpu.memref_slice %arg3[%add3A, %dma_wait3A_175, %dma_wait3A_176] : memref<4x8194x2048xf32, #tpu.memory_space<hbm>> -> memref<1x8x2048xf32, #tpu.memory_space<hbm>>
    %dma_wait3A_178 = tpu.memref_squeeze %dma_wait3A_177 : memref<1x8x2048xf32, #tpu.memory_space<hbm>> -> memref<8x2048xf32, #tpu.memory_space<hbm>>
    %dma_wait3A_179 = arith.constant 0 : i32
    %dma_wait3A_180 = arith.constant 0 : i32
    %dma_wait3A_181 = tpu.memref_slice %arg3[%add3A, %dma_wait3A_179, %dma_wait3A_180] : memref<4x8194x2048xf32, #tpu.memory_space<hbm>> -> memref<1x8x2048xf32, #tpu.memory_space<hbm>>
    %dma_wait3A_182 = tpu.memref_squeeze %dma_wait3A_181 : memref<1x8x2048xf32, #tpu.memory_space<hbm>> -> memref<8x2048xf32, #tpu.memory_space<hbm>>
    tpu.wait_dma2 semaphore(%arg13 : memref<!tpu.dma_semaphore, #tpu.memory_space<semaphore_mem>>) src(%arg9 : memref<8x2048xf32, #tpu.memory_space<vmem>>) dst(%dma_wait3A_182 : memref<8x2048xf32, #tpu.memory_space<hbm>>)
    %convert_element_type3A = arith.extui %eq3A_34 : i1 to i32
    %cond3A = arith.constant 0 : i32
    %cond3A_183 = arith.cmpi ne, %convert_element_type3A, %cond3A : i32
    scf.if %cond3A_183 {
      %broadcast_in_dim3A = arith.constant 0.000000e+00 : f32
      %broadcast_in_dim3A_184 = vector.broadcast %broadcast_in_dim3A : f32 to vector<16xf32>
      %scan3A_185 = arith.constant 0 : i32
      %scan3A_186 = arith.constant 0 : i32
      %scan3A_187 = arith.constant 128 : i32
      %scan3A_188 = arith.addi %scan3A_186, %scan3A_187 : i32
      %scan3A_189 = arith.constant 1 : i32
      scf.for %scan3A_207 = %scan3A_186 to %scan3A_188 step %scan3A_189  : i32 {
        %mul3A_208 = arith.constant 16 : i32
        %mul3A_209 = arith.muli %scan3A_207, %mul3A_208 : i32
        %get3A = arith.constant 0 : i32
        %get3A_210 = arith.index_cast %get3A : i32 to index
        %get3A_211 = arith.index_cast %mul3A_209 : i32 to index
        %get3A_212 = tpu.vector_load %arg11[%get3A_210, %get3A_211] {strides = array<i32>} : memref<1x2048xf32, #tpu.memory_space<vmem>>, vector<1x16xf32>,
        %get3A_213 = vector.shape_cast %get3A_212 : vector<1x16xf32> to vector<16xf32>
        %mul3A_214 = arith.constant 16 : i32
        %mul3A_215 = arith.muli %scan3A_207, %mul3A_214 : i32
        %swap3A = arith.constant 0 : i32
        %swap3A_216 = arith.index_cast %swap3A : i32 to index
        %swap3A_217 = arith.index_cast %mul3A_215 : i32 to index
        %swap3A_218 = tpu.vector_load %arg10[%swap3A_216, %swap3A_217] {strides = array<i32>} : memref<2x2048xf32, #tpu.memory_space<vmem>>, vector<1x16xf32>,
        %swap3A_219 = vector.shape_cast %swap3A_218 : vector<1x16xf32> to vector<16xf32>
        %swap3A_220 = vector.shape_cast %get3A_213 : vector<16xf32> to vector<1x16xf32>
        tpu.vector_store %arg10[%swap3A_216, %swap3A_217], %swap3A_220 {strides = array<i32>} : memref<2x2048xf32, #tpu.memory_space<vmem>>, vector<1x16xf32>,
        %mul3A_221 = arith.constant 16 : i32
        %mul3A_222 = arith.muli %scan3A_207, %mul3A_221 : i32
        %swap3A_223 = arith.constant 1 : i32
        %swap3A_224 = arith.index_cast %swap3A_223 : i32 to index
        %swap3A_225 = arith.index_cast %mul3A_222 : i32 to index
        %swap3A_226 = tpu.vector_load %arg10[%swap3A_224, %swap3A_225] {strides = array<i32>} : memref<2x2048xf32, #tpu.memory_space<vmem>>, vector<1x16xf32>,
        %swap3A_227 = vector.shape_cast %swap3A_226 : vector<1x16xf32> to vector<16xf32>
        %swap3A_228 = vector.shape_cast %broadcast_in_dim3A_184 : vector<16xf32> to vector<1x16xf32>
        tpu.vector_store %arg10[%swap3A_224, %swap3A_225], %swap3A_228 {strides = array<i32>} : memref<2x2048xf32, #tpu.memory_space<vmem>>, vector<1x16xf32>,
      }
      %scan3A_190 = arith.constant 128 : i32
      %dma_start3A_191 = arith.constant 8192 : i32
      %dma_start3A_192 = arith.constant 0 : i32
      %dma_start3A_193 = tpu.memref_slice %arg3[%add3A, %dma_start3A_191, %dma_start3A_192] : memref<4x8194x2048xf32, #tpu.memory_space<hbm>> -> memref<1x2x2048xf32, #tpu.memory_space<hbm>>
      %dma_start3A_194 = tpu.memref_squeeze %dma_start3A_193 : memref<1x2x2048xf32, #tpu.memory_space<hbm>> -> memref<2x2048xf32, #tpu.memory_space<hbm>>
      %dma_start3A_195 = arith.constant 8192 : i32
      %dma_start3A_196 = arith.constant 0 : i32
      %dma_start3A_197 = tpu.memref_slice %arg3[%add3A, %dma_start3A_195, %dma_start3A_196] : memref<4x8194x2048xf32, #tpu.memory_space<hbm>> -> memref<1x2x2048xf32, #tpu.memory_space<hbm>>
      %dma_start3A_198 = tpu.memref_squeeze %dma_start3A_197 : memref<1x2x2048xf32, #tpu.memory_space<hbm>> -> memref<2x2048xf32, #tpu.memory_space<hbm>>
      tpu.enqueue_dma source(%arg10 : memref<2x2048xf32, #tpu.memory_space<vmem>>) target(%dma_start3A_198 : memref<2x2048xf32, #tpu.memory_space<hbm>>) target_semaphore(%arg14 : memref<!tpu.dma_semaphore, #tpu.memory_space<semaphore_mem>>)
      %dma_wait3A_199 = arith.constant 8192 : i32
      %dma_wait3A_200 = arith.constant 0 : i32
      %dma_wait3A_201 = tpu.memref_slice %arg3[%add3A, %dma_wait3A_199, %dma_wait3A_200] : memref<4x8194x2048xf32, #tpu.memory_space<hbm>> -> memref<1x2x2048xf32, #tpu.memory_space<hbm>>
      %dma_wait3A_202 = tpu.memref_squeeze %dma_wait3A_201 : memref<1x2x2048xf32, #tpu.memory_space<hbm>> -> memref<2x2048xf32, #tpu.memory_space<hbm>>
      %dma_wait3A_203 = arith.constant 8192 : i32
      %dma_wait3A_204 = arith.constant 0 : i32
      %dma_wait3A_205 = tpu.memref_slice %arg3[%add3A, %dma_wait3A_203, %dma_wait3A_204] : memref<4x8194x2048xf32, #tpu.memory_space<hbm>> -> memref<1x2x2048xf32, #tpu.memory_space<hbm>>
      %dma_wait3A_206 = tpu.memref_squeeze %dma_wait3A_205 : memref<1x2x2048xf32, #tpu.memory_space<hbm>> -> memref<2x2048xf32, #tpu.memory_space<hbm>>
      tpu.wait_dma2 semaphore(%arg14 : memref<!tpu.dma_semaphore, #tpu.memory_space<semaphore_mem>>) src(%arg10 : memref<2x2048xf32, #tpu.memory_space<vmem>>) dst(%dma_wait3A_206 : memref<2x2048xf32, #tpu.memory_space<hbm>>)
    } else {
    }
    return
  }
}

module attributes {stable_mosaic.version = 14 : i64} {
  func.func @_fp_kernel(%arg0: memref<4x8192xi32, #tpu.memory_space<vmem>>, %arg1: memref<4x128xi32, #tpu.memory_space<vmem>>) attributes {dimension_semantics = [], scalar_prefetch = 0 : i64, scratch_operands = 0 : i64, tpu.core_type = #tpu.core_type<tc>} {
    %iota3A = tpu.iota {dimensions = array<i32: 1>} : vector<4x8192xi32>
    %get3A = arith.constant 0 : index
    %get3A_0 = arith.constant 0 : index
    %get3A_1 = vector.load %arg0[%get3A, %get3A_0] : memref<4x8192xi32, #tpu.memory_space<vmem>>, vector<4x8192xi32>
    %ne3A = arith.constant 0 : i32
    %ne3A_2 = vector.broadcast %ne3A : i32 to vector<4x8192xi32>
    %ne3A_3 = arith.cmpi ne, %get3A_1, %ne3A_2 : vector<4x8192xi32>
    %jit3A = arith.constant 8192 : i32
    %broadcast_in_dim3A = vector.broadcast %jit3A : i32 to vector<4x8192xi32>
    %select_n3A = arith.select %ne3A_3, %broadcast_in_dim3A, %iota3A : vector<4x8192xi1>, vector<4x8192xi32>
    %reduce_min3A = arith.constant dense<2147483647> : vector<4xi32>
    %reduce_min3A_4 = vector.multi_reduction <minsi>, %select_n3A, %reduce_min3A [1] : vector<4x8192xi32> to vector<4xi32>
    %broadcast_in_dim3A_5 = vector.shape_cast %reduce_min3A_4 : vector<4xi32> to vector<4x1xi32>
    %broadcast_in_dim3A_6 = vector.shape_cast %broadcast_in_dim3A_5 : vector<4x1xi32> to vector<4x1xi32>
    %broadcast_in_dim3A_7 = vector.broadcast %broadcast_in_dim3A_6 : vector<4x1xi32> to vector<4x128xi32>
    %swap3A = arith.constant 0 : index
    %swap3A_8 = arith.constant 0 : index
    %swap3A_9 = vector.load %arg1[%swap3A, %swap3A_8] : memref<4x128xi32, #tpu.memory_space<vmem>>, vector<4x128xi32>
    tpu.vector_store %arg1[%swap3A, %swap3A_8], %broadcast_in_dim3A_7 {strides = array<i32>} : memref<4x128xi32, #tpu.memory_space<vmem>>, vector<4x128xi32>,
    return
  }
}

module attributes {stable_mosaic.version = 14 : i64} {
  func.func @_fixup_kernel(%arg0: i32, %arg1: i32, %arg2: memref<4xi32, #tpu.memory_space<smem>>, %arg3: memref<1x8x2048xf32, #tpu.memory_space<vmem>>, %arg4: memref<1x2048xf32, #tpu.memory_space<vmem>>, %arg5: memref<1x2048xf32, #tpu.memory_space<vmem>>, %arg6: memref<1x8x2048xf32, #tpu.memory_space<vmem>>) attributes {dimension_semantics = [#tpu.dimension_semantics<arbitrary>, #tpu.dimension_semantics<arbitrary>], iteration_bounds = array<i64: 4, 3>, scalar_prefetch = 1 : i64, scratch_operands = 0 : i64, tpu.core_type = #tpu.core_type<tc>, window_params = [{transform_indices = @transform_0, window_bounds = array<i64: 1, 8, 2048>}, {pipeline_mode = #tpu.pipeline_mode<synchronous>, transform_indices = @transform_1, window_bounds = array<i64: 1, 2048>}, {pipeline_mode = #tpu.pipeline_mode<synchronous>, transform_indices = @transform_2, window_bounds = array<i64: 1, 2048>}, {transform_indices = @transform_3, window_bounds = array<i64: 1, 8, 2048>}]} {
    %eq3A = arith.constant 0 : i32
    %eq3A_0 = arith.cmpi eq, %arg1, %eq3A : i32
    %eq3A_1 = arith.constant 1 : i32
    %eq3A_2 = arith.cmpi eq, %arg1, %eq3A_1 : i32
    %get3A = arith.index_cast %arg0 : i32 to index
    %get3A_3 = memref.load %arg2[%get3A] : memref<4xi32, #tpu.memory_space<smem>>
    %jit3A = arith.constant 8 : i32
    %div3A = arith.divsi %get3A_3, %jit3A : i32
    %sign3A = arith.constant 0 : i32
    %sign3A_4 = arith.cmpi sgt, %get3A_3, %sign3A : i32
    %sign3A_5 = arith.extui %sign3A_4 : i1 to i32
    %sign3A_6 = arith.constant 0 : i32
    %sign3A_7 = arith.cmpi slt, %get3A_3, %sign3A_6 : i32
    %sign3A_8 = arith.extui %sign3A_7 : i1 to i32
    %sign3A_9 = arith.subi %sign3A_5, %sign3A_8 : i32
    %sign3A_10 = arith.constant 0 : i32
    %sign3A_11 = arith.cmpi sgt, %jit3A, %sign3A_10 : i32
    %sign3A_12 = arith.extui %sign3A_11 : i1 to i32
    %sign3A_13 = arith.constant 0 : i32
    %sign3A_14 = arith.cmpi slt, %jit3A, %sign3A_13 : i32
    %sign3A_15 = arith.extui %sign3A_14 : i1 to i32
    %sign3A_16 = arith.subi %sign3A_12, %sign3A_15 : i32
    %ne3A = arith.cmpi ne, %sign3A_9, %sign3A_16 : i32
    %rem3A = arith.remsi %get3A_3, %jit3A : i32
    %ne3A_17 = arith.constant 0 : i32
    %ne3A_18 = arith.cmpi ne, %rem3A, %ne3A_17 : i32
    %and3A = arith.andi %ne3A, %ne3A_18 : i1
    %sub3A = arith.constant 1 : i32
    %sub3A_19 = arith.subi %div3A, %sub3A : i32
    %select_n3A = arith.select %and3A, %sub3A_19, %div3A : i32
    %jit3A_20 = arith.constant 1024 : i32
    %select_n3A_21 = arith.select %eq3A_2, %select_n3A, %jit3A_20 : i32
    %jit3A_22 = arith.constant 0 : i32
    %select_n3A_23 = arith.select %eq3A_0, %jit3A_22, %select_n3A_21 : i32
    %iota3A = tpu.iota {dimensions = array<i32: 0>} : vector<8x1xi32>
    %mul3A = arith.constant 8 : i32
    %mul3A_24 = arith.muli %select_n3A_23, %mul3A : i32
    %add3A = vector.broadcast %mul3A_24 : i32 to vector<8x1xi32>
    %add3A_25 = arith.addi %iota3A, %add3A : vector<8x1xi32>
    %get3A_26 = arith.constant 0 : index
    %get3A_27 = arith.constant 0 : index
    %get3A_28 = arith.constant 0 : index
    %get3A_29 = vector.load %arg3[%get3A_26, %get3A_27, %get3A_28] : memref<1x8x2048xf32, #tpu.memory_space<vmem>>, vector<1x8x2048xf32>
    %get3A_30 = vector.shape_cast %get3A_29 : vector<1x8x2048xf32> to vector<8x2048xf32>
    %eq3A_31 = arith.constant 0 : i32
    %eq3A_32 = vector.broadcast %eq3A_31 : i32 to vector<8x1xi32>
    %eq3A_33 = arith.cmpi eq, %add3A_25, %eq3A_32 : vector<8x1xi32>
    %get3A_34 = arith.constant 0 : index
    %get3A_35 = arith.constant 0 : index
    %get3A_36 = vector.load %arg4[%get3A_34, %get3A_35] : memref<1x2048xf32, #tpu.memory_space<vmem>>, vector<1x2048xf32>
    %broadcast_in_dim3A = vector.shape_cast %eq3A_33 : vector<8x1xi1> to vector<8x1xi1>
    %broadcast_in_dim3A_37 = vector.broadcast %broadcast_in_dim3A : vector<8x1xi1> to vector<8x2048xi1>
    %broadcast_in_dim3A_38 = vector.shape_cast %get3A_36 : vector<1x2048xf32> to vector<1x2048xf32>
    %broadcast_in_dim3A_39 = vector.broadcast %broadcast_in_dim3A_38 : vector<1x2048xf32> to vector<8x2048xf32>
    %select_n3A_40 = arith.select %broadcast_in_dim3A_37, %broadcast_in_dim3A_39, %get3A_30 : vector<8x2048xi1>, vector<8x2048xf32>
    %eq3A_41 = arith.constant 8193 : i32
    %eq3A_42 = vector.broadcast %eq3A_41 : i32 to vector<8x1xi32>
    %eq3A_43 = arith.cmpi eq, %add3A_25, %eq3A_42 : vector<8x1xi32>
    %jit3A_44 = arith.constant 0.000000e+00 : f32
    %broadcast_in_dim3A_45 = vector.shape_cast %eq3A_43 : vector<8x1xi1> to vector<8x1xi1>
    %broadcast_in_dim3A_46 = vector.broadcast %broadcast_in_dim3A_45 : vector<8x1xi1> to vector<8x2048xi1>
    %broadcast_in_dim3A_47 = vector.broadcast %jit3A_44 : f32 to vector<8x2048xf32>
    %select_n3A_48 = arith.select %broadcast_in_dim3A_46, %broadcast_in_dim3A_47, %select_n3A_40 : vector<8x2048xi1>, vector<8x2048xf32>
    %get3A_49 = arith.index_cast %arg0 : i32 to index
    %get3A_50 = memref.load %arg2[%get3A_49] : memref<4xi32, #tpu.memory_space<smem>>
    %eq3A_51 = vector.broadcast %get3A_50 : i32 to vector<8x1xi32>
    %eq3A_52 = arith.cmpi eq, %add3A_25, %eq3A_51 : vector<8x1xi32>
    %get3A_53 = arith.constant 0 : index
    %get3A_54 = arith.constant 0 : index
    %get3A_55 = vector.load %arg5[%get3A_53, %get3A_54] : memref<1x2048xf32, #tpu.memory_space<vmem>>, vector<1x2048xf32>
    %broadcast_in_dim3A_56 = vector.shape_cast %eq3A_52 : vector<8x1xi1> to vector<8x1xi1>
    %broadcast_in_dim3A_57 = vector.broadcast %broadcast_in_dim3A_56 : vector<8x1xi1> to vector<8x2048xi1>
    %broadcast_in_dim3A_58 = vector.shape_cast %get3A_55 : vector<1x2048xf32> to vector<1x2048xf32>
    %broadcast_in_dim3A_59 = vector.broadcast %broadcast_in_dim3A_58 : vector<1x2048xf32> to vector<8x2048xf32>
    %select_n3A_60 = arith.select %broadcast_in_dim3A_57, %broadcast_in_dim3A_59, %select_n3A_48 : vector<8x2048xi1>, vector<8x2048xf32>
    %swap3A = arith.constant 0 : index
    %swap3A_61 = arith.constant 0 : index
    %swap3A_62 = arith.constant 0 : index
    %swap3A_63 = vector.load %arg6[%swap3A, %swap3A_61, %swap3A_62] : memref<1x8x2048xf32, #tpu.memory_space<vmem>>, vector<1x8x2048xf32>
    %swap3A_64 = vector.shape_cast %swap3A_63 : vector<1x8x2048xf32> to vector<8x2048xf32>
    %swap3A_65 = vector.shape_cast %select_n3A_60 : vector<8x2048xf32> to vector<1x8x2048xf32>
    tpu.vector_store %arg6[%swap3A, %swap3A_61, %swap3A_62], %swap3A_65 {strides = array<i32>} : memref<1x8x2048xf32, #tpu.memory_space<vmem>>, vector<1x8x2048xf32>,
    return
  }
  func.func @transform_0(%arg0: i32, %arg1: i32, %arg2: memref<4xi32, #tpu.memory_space<smem>>) -> (i32, i32, i32) {
    %eq3A = arith.constant 0 : i32
    %eq3A_0 = arith.cmpi eq, %arg1, %eq3A : i32
    %eq3A_1 = arith.constant 1 : i32
    %eq3A_2 = arith.cmpi eq, %arg1, %eq3A_1 : i32
    %get3A = arith.index_cast %arg0 : i32 to index
    %get3A_3 = memref.load %arg2[%get3A] : memref<4xi32, #tpu.memory_space<smem>>
    %jit3A = arith.constant 8 : i32
    %div3A = arith.divsi %get3A_3, %jit3A : i32
    %sign3A = arith.constant 0 : i32
    %sign3A_4 = arith.cmpi sgt, %get3A_3, %sign3A : i32
    %sign3A_5 = arith.extui %sign3A_4 : i1 to i32
    %sign3A_6 = arith.constant 0 : i32
    %sign3A_7 = arith.cmpi slt, %get3A_3, %sign3A_6 : i32
    %sign3A_8 = arith.extui %sign3A_7 : i1 to i32
    %sign3A_9 = arith.subi %sign3A_5, %sign3A_8 : i32
    %sign3A_10 = arith.constant 0 : i32
    %sign3A_11 = arith.cmpi sgt, %jit3A, %sign3A_10 : i32
    %sign3A_12 = arith.extui %sign3A_11 : i1 to i32
    %sign3A_13 = arith.constant 0 : i32
    %sign3A_14 = arith.cmpi slt, %jit3A, %sign3A_13 : i32
    %sign3A_15 = arith.extui %sign3A_14 : i1 to i32
    %sign3A_16 = arith.subi %sign3A_12, %sign3A_15 : i32
    %ne3A = arith.cmpi ne, %sign3A_9, %sign3A_16 : i32
    %rem3A = arith.remsi %get3A_3, %jit3A : i32
    %ne3A_17 = arith.constant 0 : i32
    %ne3A_18 = arith.cmpi ne, %rem3A, %ne3A_17 : i32
    %and3A = arith.andi %ne3A, %ne3A_18 : i1
    %sub3A = arith.constant 1 : i32
    %sub3A_19 = arith.subi %div3A, %sub3A : i32
    %select_n3A = arith.select %and3A, %sub3A_19, %div3A : i32
    %jit3A_20 = arith.constant 1024 : i32
    %select_n3A_21 = arith.select %eq3A_2, %select_n3A, %jit3A_20 : i32
    %jit3A_22 = arith.constant 0 : i32
    %select_n3A_23 = arith.select %eq3A_0, %jit3A_22, %select_n3A_21 : i32
    %c0_i32 = arith.constant 0 : i32
    %c0_i32_24 = arith.constant 0 : i32
    return %arg0, %select_n3A_23, %c0_i32 : i32, i32, i32
  }
  func.func @transform_1(%arg0: i32, %arg1: i32, %arg2: memref<4xi32, #tpu.memory_space<smem>>) -> (i32, i32) {
    %c0_i32 = arith.constant 0 : i32
    %c0_i32_0 = arith.constant 0 : i32
    %c0_i32_1 = arith.constant 0 : i32
    return %c0_i32, %c0_i32_0 : i32, i32
  }
  func.func @transform_2(%arg0: i32, %arg1: i32, %arg2: memref<4xi32, #tpu.memory_space<smem>>) -> (i32, i32) {
    %c0_i32 = arith.constant 0 : i32
    %c0_i32_0 = arith.constant 0 : i32
    %c0_i32_1 = arith.constant 0 : i32
    return %c0_i32, %c0_i32_0 : i32, i32
  }
  func.func @transform_3(%arg0: i32, %arg1: i32, %arg2: memref<4xi32, #tpu.memory_space<smem>>) -> (i32, i32, i32) {
    %eq3A = arith.constant 0 : i32
    %eq3A_0 = arith.cmpi eq, %arg1, %eq3A : i32
    %eq3A_1 = arith.constant 1 : i32
    %eq3A_2 = arith.cmpi eq, %arg1, %eq3A_1 : i32
    %get3A = arith.index_cast %arg0 : i32 to index
    %get3A_3 = memref.load %arg2[%get3A] : memref<4xi32, #tpu.memory_space<smem>>
    %jit3A = arith.constant 8 : i32
    %div3A = arith.divsi %get3A_3, %jit3A : i32
    %sign3A = arith.constant 0 : i32
    %sign3A_4 = arith.cmpi sgt, %get3A_3, %sign3A : i32
    %sign3A_5 = arith.extui %sign3A_4 : i1 to i32
    %sign3A_6 = arith.constant 0 : i32
    %sign3A_7 = arith.cmpi slt, %get3A_3, %sign3A_6 : i32
    %sign3A_8 = arith.extui %sign3A_7 : i1 to i32
    %sign3A_9 = arith.subi %sign3A_5, %sign3A_8 : i32
    %sign3A_10 = arith.constant 0 : i32
    %sign3A_11 = arith.cmpi sgt, %jit3A, %sign3A_10 : i32
    %sign3A_12 = arith.extui %sign3A_11 : i1 to i32
    %sign3A_13 = arith.constant 0 : i32
    %sign3A_14 = arith.cmpi slt, %jit3A, %sign3A_13 : i32
    %sign3A_15 = arith.extui %sign3A_14 : i1 to i32
    %sign3A_16 = arith.subi %sign3A_12, %sign3A_15 : i32
    %ne3A = arith.cmpi ne, %sign3A_9, %sign3A_16 : i32
    %rem3A = arith.remsi %get3A_3, %jit3A : i32
    %ne3A_17 = arith.constant 0 : i32
    %ne3A_18 = arith.cmpi ne, %rem3A, %ne3A_17 : i32
    %and3A = arith.andi %ne3A, %ne3A_18 : i1
    %sub3A = arith.constant 1 : i32
    %sub3A_19 = arith.subi %div3A, %sub3A : i32
    %select_n3A = arith.select %and3A, %sub3A_19, %div3A : i32
    %jit3A_20 = arith.constant 1024 : i32
    %select_n3A_21 = arith.select %eq3A_2, %select_n3A, %jit3A_20 : i32
    %jit3A_22 = arith.constant 0 : i32
    %select_n3A_23 = arith.select %eq3A_0, %jit3A_22, %select_n3A_21 : i32
    %c0_i32 = arith.constant 0 : i32
    %c0_i32_24 = arith.constant 0 : i32
    return %arg0, %select_n3A_23, %c0_i32 : i32, i32, i32
  }
}

</mosaic_0001>

<sc_bundles>
// kernel: kernel.5.cloned.1.call-start
scs
__scs_entry_jumppad:
0x0: {  	(pc) =	sbr.rel $0x88, $3  }
0x1: {  	(tag) =	ssettag $0x0;
	lr =	simm.s32 $0x1  }
0x2: {  	[smem:$0x3F9D] =	sst lr;
	_ =	strace $0xD0000000  }
0x3: {  	_ = 	snop  }
0x4: {  	_ = 	snop  }
0x5: {  	_ = 	snop  }
0x6: {  	_ = 	snop  }
0x7: {  	_ = 	snop  }
__scs_overlays_trampoline_lowered:
0x8: {  	[smem:$0x3FAC] =	sst s0  }
0x9: {  	[smem:$0x3FAD] =	sst s1  }
0xa: {  	[smem:$0x3FAE] =	sst s2  }
0xb: {  	[smem:$0x3FAF] =	sst s3  }
0xc: {  	[smem:$0x3FB0] =	sst s4  }
0xd: {  	[smem:$0x3FB1] =	sst s5  }
0xe: {  	[smem:$0x3FB2] =	sst s6  }
0xf: {  	[smem:$0x3FB3] =	sst s7  }
0x10: {  	[smem:$0x3FB4] =	sst s8  }
0x11: {  	[smem:$0x3FB5] =	sst s9;
	s0 =	simm.s32 @!p0 $0x0  }
0x12: {  	s1 =	sld [smem:$0x3F9B];
	s0 =	simm.s32 @p0 $0x1  }
0x13: {  	[smem:$0x3FB6] =	sst s0;
	s0 =	simm.s32 @!p1 $0x0  }
0x14: {  	s2 =	sld [smem:$0x3F9A];
	s0 =	simm.s32 @p1 $0x1  }
0x15: {  	[smem:$0x3FB7] =	sst s0;
	s0 =	simm.s32 @!p2 $0x0  }
0x16: {  	s3 =	sld [smem:$0x3FDB];
	s0 =	simm.s32 @p2 $0x1  }
0x17: {  	s4 =	simm.s32 $0x1BF5;
	[smem:$0x3FB9] =	sst s0  }
0x18: {  	s0 =	sld [smem:$0x3F9C];
	_ =	swait.ge [sflag:s4], $0x0  }
0x19: {  	s7 =	sld [smem:$0x3F9D]  }
0x1a: {  	s8 =	sadd.s32 $0xFFFFE003, lr  }
0x1b: {  	s9 =	sadd.s32 $0xFFFFFEF7, lr;
	s5 =	simm.s32 $0xFFFFFFFF;
	p2 =	slt.u32 s8, $0xFFFFF086  }
0x1c: {  	p1 =	slt.u32 s9, $0xF7A;
	s5 =	simm.s32 @!p2 $0x0  }
0x1d: {  	s5 =	simm.s32 @p1 $0x1;
	p0 =	seq.s32 s7, s2  }
0x1e: {  	s7 =	smul.u32 @!p0 $0xF7A, s2;
	p2 =	seq.s32 @!p0 s5, $0x0  }
0x1f: {  	s9 =	smul.u32 $0xF7A, s1;
	s8 =	simm.s32 @!p0 $0x1BF5;
	p2 =	por !p2, p0  }
0x20: {  	[sflag:s8] =	ssyncset.s32 @!p0 $0xFFFFF086;
	s6 =	sadd.s32 @!p0 s3, s7;
	s7 =	simm.s32 @!p0 $0x108  }
0x21: {  	s3 =	sadd.s32 s3, s9;
	s6 =	sadd.s32 @!p0 $0x88, s6;
	s7 =	simm.s32 @p2 $0x1082  }
0x22: {  	[simem:s7], [sflag:s8] =	dma.local @!p0 [hbm:s6], $0xF7A  }
0x23: {  	s9 =	sor.u32 $0xD0000000, s2;
	s6 =	simm.s32 $0x108;
	_ =	swait.ge @!p0 [sflag:s8], $0x0  }
0x24: {  	s3 =	sadd.s32 $0x88, s3;
	s6 =	simm.s32 @!p1 $0x1082;
	[sflag:s4] =	ssyncset.s32 $0xFFFFF086  }
0x25: {  	[simem:s6], [sflag:s4] =	dma.local [hbm:s3], $0xF7A  }
0x26: {  	[smem:$0x3F9D] =	sst s1;
	(tag) =	ssettag s2;
	_ =	strace s9  }
0x27: {  	s1 =	sld [smem:$0x3FAD]  }
0x28: {  	s2 =	sld [smem:$0x3FAE]  }
0x29: {  	s4 =	sld [smem:$0x3FB0]  }
0x2a: {  	p0 =	seq.s32 s5, $0x0;
	s5 =	sld [smem:$0x3FB1]  }
0x2b: {  	s6 =	sld [smem:$0x3FB2]  }
0x2c: {  	s7 =	sld [smem:$0x3FB3]  }
0x2d: {  	s3 =	simm.s32 $0x108;
	s8 =	sld [smem:$0x3FB4]  }
0x2e: {  	s3 =	simm.s32 @!p0 $0x1082;
	s9 =	sld [smem:$0x3FB5]  }
0x2f: {  	lr =	sadd.s32 s0, s3;
	s0 =	sld [smem:$0x3FAC]  }
0x30: {  	s3 =	sld [smem:$0x3FAF]  }
0x31: {  	[smem:$0x3FB8] =	sst s10  }
0x32: {  	s10 =	sld [smem:$0x3FB6];
	_ =	sdelay $0x3  }
0x33: {  	p0 =	seq.s32 s10, $0x1;
	s10 =	sld [smem:$0x3FB8];
	_ =	sdelay $0x3  }
0x34: {  	[smem:$0x3FB8] =	sst s10  }
0x35: {  	s10 =	sld [smem:$0x3FB7];
	_ =	sdelay $0x3  }
0x36: {  	p1 =	seq.s32 s10, $0x1;
	s10 =	sld [smem:$0x3FB8];
	_ =	sdelay $0x3  }
0x37: {  	[smem:$0x3FB8] =	sst s10  }
0x38: {  	s10 =	sld [smem:$0x3FB9]  }
0x39: {  	_ = 	snop;
	(pc) =	sbr.ind lr, $3  }
0x3a: {  	_ = 	snop  }
0x3b: {  	_ = 	snop  }
0x3c: {  	p2 =	seq.s32 s10, $0x1;
	s10 =	sld [smem:$0x3FB8]  }
0x3d: {  	_ =	shalt  }
0x3e: {  	_ =	shalt  }
0x3f: {  	_ =	shalt  }
0x40: {  	_ =	shalt  }
0x41: {  	_ =	shalt  }
0x42: {  	_ =	shalt  }
0x43: {  	_ =	shalt  }
0x44: {  	_ =	shalt  }
0x45: {  	_ =	shalt  }
0x46: {  	_ =	shalt  }
0x47: {  	_ =	shalt  }
0x48: {  	_ =	shalt  }
0x49: {  	_ =	shalt  }
0x4a: {  	_ =	shalt  }
0x4b: {  	_ =	shalt  }
0x4c: {  	_ =	shalt  }
0x4d: {  	_ =	shalt  }
0x4e: {  	_ =	shalt  }
0x4f: {  	_ =	shalt  }
0x50: {  	_ =	shalt  }
0x51: {  	_ =	shalt  }
0x52: {  	_ =	shalt  }
0x53: {  	_ =	shalt  }
0x54: {  	_ =	shalt  }
0x55: {  	_ =	shalt  }
0x56: {  	_ =	shalt  }
0x57: {  	_ =	shalt  }
0x58: {  	_ =	shalt  }
0x59: {  	_ =	shalt  }
0x5a: {  	_ =	shalt  }
0x5b: {  	_ =	shalt  }
0x5c: {  	_ =	shalt  }
0x5d: {  	_ =	shalt  }
0x5e: {  	_ =	shalt  }
0x5f: {  	_ =	shalt  }
0x60: {  	_ =	shalt  }
0x61: {  	_ =	shalt  }
0x62: {  	_ =	shalt  }
0x63: {  	_ =	shalt  }
0x64: {  	_ =	shalt  }
0x65: {  	_ =	shalt  }
0x66: {  	_ =	shalt  }
0x67: {  	_ =	shalt  }
0x68: {  	_ =	shalt  }
0x69: {  	_ =	shalt  }
0x6a: {  	_ =	shalt  }
0x6b: {  	_ =	shalt  }
0x6c: {  	_ =	shalt  }
0x6d: {  	_ =	shalt  }
0x6e: {  	_ =	shalt  }
0x6f: {  	_ =	shalt  }
0x70: {  	_ =	shalt  }
0x71: {  	_ =	shalt  }
0x72: {  	_ =	shalt  }
0x73: {  	_ =	shalt  }
0x74: {  	_ =	shalt  }
0x75: {  	_ =	shalt  }
0x76: {  	_ =	shalt  }
0x77: {  	_ =	shalt  }
0x78: {  	_ =	shalt  }
0x79: {  	_ =	shalt  }
0x7a: {  	_ =	shalt  }
0x7b: {  	_ =	shalt  }
0x7c: {  	_ =	shalt  }
0x7d: {  	_ =	shalt  }
0x7e: {  	_ =	shalt  }
0x7f: {  	_ =	shalt  }
0x80: {  	_ =	shalt  }
0x81: {  	_ =	shalt  }
0x82: {  	_ =	shalt  }
0x83: {  	_ =	shalt  }
0x84: {  	_ =	shalt  }
0x85: {  	_ =	shalt  }
0x86: {  	_ =	shalt  }
0x87: {  	_ =	shalt  }
.Lfunc_end0:
.L_simem_size_0:
called_computation_lowered:
.L_overlay_start_0:
0x88: {  	s2 =	sld [smem:$0x3FD9]  }
0x89: {  	s3 =	sld [smem:$0x3FFE];
	_ =	sdelay $0x1  }
0x8a: {  	s1 =	srdreg.scid  }
0x8b: {  	s0 =	sand.u32 $0x1, s1  }
0x8c: {  	s17 =	sshll.u32 s0, $0xA;
	s2 =	sadd.s32 s3, s2  }
0x8d: {  	s2 =	sadd.s32 s2, s17  }
0x8e: {  	[smem:$0x3FC4] =	sst s2  }
0x8f: {  	_ = 	snop  }
0x90: {  	s2 =	sld [smem:$0x3FC9];
	(tm) =	ssettm $0x1  }
0x91: {  	s18 =	sld [smem:$0x3FFB];
	_ =	sdelay $0x3  }
0x92: {  	_ =	strace s18  }
0x93: {  	s3 =	sld [smem:$0x3FFC];
	_ =	sdelay $0x3  }
0x94: {  	_ =	strace s3  }
0x95: {  	s3 =	sld [smem:$0x3FFD];
	_ =	sdelay $0x3  }
0x96: {  	_ =	strace s3  }
0x97: {  	_ =	strace $0x8FFFFFFF  }
0x98: {  	s19 =	sld [smem:$0x3FDB];
	_ =	sdelay $0x1  }
0x99: {  	s4 =	simm.s32 $_scs_section_size  }
0x9a: {  	s5 =	simm.s32 $_size__tile_overlayer_lowered;
	s6 =	simm.s32 $_tile_overlayer_lowered  }
0x9b: {  	s22 =	simm.s32 $0x1BFF;
	s21 =	sshll.u32 s6, $0x1;
	s3 =	sadd.s32 s4, s19  }
0x9c: {  	s7 =	simm.s32 $0x0;
	s20 =	sshll.u32 s5, $0x1;
	s5 =	sadd.s32 s21, s3  }
0x9d: {  	[timem:s7], [sflag:s22] =	dma.local [hbm:s5], s20  }
0x9e: {  	_ =	swait.ge [sflag:s22], s20  }
0x9f: {  	s4 =	ssub.s32 $0x0, s20;
	[sflag:s22] =	ssyncset.done $0x0  }
0xa0: {  	[sflag:s22] =	ssyncadd.s32 s4;
	_ =	sdelay $0x1  }
0xa1: {  	s23 =	simm.s32 $0x1B8B  }
0xa2: {  	_ =	swait.ge [sflag:s23], $0x1  }
0xa3: {  	[sflag:s23] =	ssyncset.done $0x0  }
0xa4: {  	s25 =	simm.s32 $0x1B8E;
	s24 =	sld [smem:$0x3FFE];
	[sflag:s23] =	ssyncadd.s32 $0xFFFFFFFF  }
0xa5: {  	s26 =	simm.s32 $execute0_lowered;
	[smem:$0x3FD2] =	sst s25  }
0xa6: {  	s5 =	sshll.u32 s26, $0x1;
	_ =	strace $0x80000046;
	[dreg:$0x1] =	wrdreg $0xFFFFFFFF  }
0xa7: {  	s28 =	simm.s32 $_size_execute0_lowered;
	s3 =	sadd.s32 s3, s5;
	[dreg:$0x0] =	wrdreg $0x0  }
0xa8: {  	s5 =	sshll.u32 s28, $0x1;
	[dreg:$0x2] =	wrdreg s3  }
0xa9: {  	[dreg:$0x3] =	wrdreg s5  }
0xaa: {  	[dreg:$0x4] =	wrdreg $0xC0  }
0xab: {  	_ =	task [dreg:s7], $0x5FFFF  }
0xac: {  	[dreg:$0x1] =	wrdreg $0xFFFFFFFF  }
0xad: {  	[dreg:$0x0] =	wrdreg $0x60  }
0xae: {  	[dreg:$0x2] =	wrdreg s2  }
0xaf: {  	[dreg:$0x3] =	wrdreg s24  }
0xb0: {  	[dreg:$0x4] =	wrdreg $0x9  }
0xb1: {  	_ =	task.clear_ibuf [dreg:s7], $0x5FFFF;
	_ =	strace $0x90000046  }
0xb2: {  	s29 =	simm.s32 $0x9;
	_ =	strace $0x80000048  }
0xb3: {  	_ =	swait.ge [sflag:s29], $0x1  }
0xb4: {  	[sflag:s29] =	ssyncadd.s32 $0xFFFFFFFF  }
0xb5: {  	_ =	strace $0x90000048  }
0xb6: {  	_ =	sfence  }
0xb7: {  	s30 =	sld [smem:$0x0];
	_ =	sdelay $0x2  }
0xb8: {  	s31 =	sshll.u32 s1, $0xD;
	s1 =	sshrl.u32 s1, $0x2  }
0xb9: {  	s3 =	sand.u32 $0x4000, s31;
	s1 =	sadd.s32 s1, s30  }
0xba: {  	s0 =	sor.u32 s3, s0;
	s1 =	sshll.u32 s1, $0x11  }
0xbb: {  	s0 =	sor.u32 s1, s0  }
0xbc: {  	s0 =	sadd.s32 $0x8F2B, s0  }
0xbd: {  	[sflag:s0] =	ssyncadd.remote.s32 $0x1  }
0xbe: {  	_ =	sfence.sel $0xFFFF  }
0xbf: {  	[dreg:$0x0] =	wrdreg $0xFFFFFFFF;
	(pc) =	sbr.abs _section_cstart, $3  }
0xc0: {  	[dreg:$0x1] =	wrdreg $0xFFFFFFFF  }
0xc1: {  	_ =	task.clear_ibuf [dreg:s7], $0x2FFFF;
	_ =	strace $0x9FFFFFFF  }
0xc2: {  	(tm) =	ssettm $0x7FFFFFFF  }
0xc3: {  	_ =	shalt  }
tec
execute0_lowered:
.L_overlay_start_1:
0x0: {  	(tag) =	ssettag $0x1  }
0x1: {  	s1 =	rddreg [dreg:$0x0]  }
0x2: {  	s0 =	rddreg [dreg:$0x1]  }
0x3: {  	s13 =	simm.s32 $0x0;
	s2 =	srdreg.scid;
	s3 =	stileid.u32  }
0x4: {  	[smem:$0x7FF] =	sst s13;
	s2 =	sand.u32 $0x1, s2;
	s8 =	sand.u32 $0x7, s3  }
0x5: {  	s7 =	sshrl.u32 s3, $0x3;
	s5 =	sadd.s32 $0x600, s0;
	_ =	strace $0x80000047  }
0x6: {  	s6 =	sshll.u32 s2, $0x1;
	s16 =	sshll.u32 s8, $0x7;
	s2 =	ssub.s32 $0x2, s2  }
0x7: {  	s10 =	sshll.u32 s8, $0x15;
	s17 =	sor.u32 s7, s6;
	[dreg:$0x3] =	wrdreg s16  }
0x8: {  	s18 =	smax.u32 s16, $0x1;
	s9 =	sshrl.u32 s2, $0x1;
	s19 =	sor.u32 $0x1F8000, s10  }
0x9: {  	s25 =	sor.u32 $0x1FC000, s10;
	s6 =	sshll.u32 s17, $0x18;
	s7 =	sshll.u32 s18, $0xE  }
0xa: {  	s2 =	ssub.s32 s2, s9;
	s7 =	sor.u32 s7, s6;
	s21 =	sor.u32 s19, s6  }
0xb: {  	s26 =	sor.u32 s25, s6;
	s31 =	smax.u32 s2, $0x1;
	s11 =	sadd.s32 $0xFFFFC000, s7  }
0xc: {  	s7 =	smul.u32 $0x1004000, s17;
	s23 =	sshrl.u32 s21, $0x3;
	s20 =	sshrl.u32 s11, $0x3  }
0xd: {  	[dreg:$0xa] =	wrdreg s31;
	s24 =	sadd.s32 s1, s23;
	s22 =	sadd.s32 s1, s20  }
0xe: {  	s0 =	sadd.s32 s19, s7;
	[dreg:$0x5] =	wrdreg s24;
	s9 =	sadd.s32 s25, s7  }
0xf: {  	s28 =	sshrl.u32 s7, $0x3;
	[dreg:$0x4] =	wrdreg s22;
	s0 =	sshrl.u32 s0, $0x3  }
.Ltmp0:
0x10: {  	s9 =	sshrl.u32 s9, $0x3;
	s0 =	sadd.s32 s5, s0;
	(pc) =	sbr.rel .LBB2_1-.Ltmp0, $4  }
0x11: {  	s29 =	sadd.s32 s5, s9;
	[dreg:$0x6] =	wrdreg s0;
	s0 =	sshrl.u32 s26, $0x3  }
0x12: {  	s30 =	sadd.s32 s5, s28;
	[dreg:$0x8] =	wrdreg s29;
	s0 =	sadd.s32 s1, s0  }
0x13: {  	p0 =	sne.s32 s8, $0x7;
	[dreg:$0x7] =	wrdreg s0;
	s0 =	sadd.s32 $0x200000, s30  }
0x14: {  	v0 =	vimm.f32 $0.0e+00;
	s16 =	simm.s32 $0x1;
	s1 =	simm.s32 $0x0;
	[dreg:$0x9] =	wrdreg s0  }
.LBB2_19:
0x15: {  	s1 =	sadd.s32 $0x1, s1;
	s0 =	rddreg [dreg:$0xa]  }
0x16: {  	p1 =	sne.s32 s1, s0  }
.Ltmp1:
0x17: {  	_ = 	snop;
	(pc) =	sbr.rel @!p1 .LBB2_20-.Ltmp1, $1  }
0x18: {  	_ =	sdelay $0x3  }
.LBB2_1:
0x19: {  	[dreg:$0xb] =	wrdreg s1  }
0x1a: {  	s0 =	rddreg [dreg:$0x4];
	s28 =	simm.s32 $0x8000  }
0x1b: {  	[tilespmem:s28], [sflag:$0x1] =	stream.linear.gather [hbm4b:s0+s13], $0x4000, $0x38;
	[tilespmem:$0x19800] =	vst v63  }
0x1c: {  	s29 =	sand.u32 $0xF000, s13;
	_ =	swait.ge [sflag:s16], $0x4000  }
0x1d: {  	s2 =	sand.u32 $0x70, s13;
	s0 =	sshrl.u32 s29, $0x2;
	[sflag:s16] =	ssyncset.done $0x0  }
0x1e: {  	s0 =	sor.u32 s2, s0;
	[sflag:s16] =	ssyncadd.s32 $0xFFFFC000  }
0x1f: {  	v1 =	vld [tilespmem:s0+$0x8380];
	_ =	sdelay $0x1  }
0x20: {  	s30 =	simm.s32 $0x200  }
0x21: {  	s31 =	simm.s32 $0x10;
	s8 =	sand.u32 $0xF000, s30  }
0x22: {  	s2 =	sand.u32 $0x70, s31;
	s8 =	sshrl.u32 s8, $0x2;
	s0 =	simm.s32 $0x19000  }
0x23: {  	s8 =	sor.u32 s2, s8;
	[tilespmem:s0+$0x0] =	vst v1  }
0x24: {  	v1 =	vld [tilespmem:s8+$0x8380]  }
0x25: {  	s2 =	simm.s32 $0x20;
	s8 =	simm.s32 $0x400  }
.LBB2_2:
0x26: {  	s9 =	sand.u32 $0xF000, s8;
	p1 =	sne.s32 s2, $0x7F0  }
0x27: {  	s10 =	smov.u32 s2;
	s2 =	sadd.s32 $0x10, s2;
	s0 =	sadd.s32 $0x10, s0  }
.Ltmp2:
0x28: {  	s10 =	sand.u32 $0x70, s10;
	s9 =	sshrl.u32 s9, $0x2;
	(pc) =	sbr.rel @p1 .LBB2_2-.Ltmp2, $3  }
0x29: {  	s9 =	sor.u32 s10, s9;
	[tilespmem:s0+$0x0] =	vst v1  }
0x2a: {  	v1 =	vld [tilespmem:s9+$0x8380];
	_ =	sdelay $0x1  }
0x2b: {  	s8 =	sadd.s32 $0x200, s8  }
0x2c: {  	_ = 	snop  }
0x2d: {  	s0 =	sadd.s32 $0x10, s0  }
0x2e: {  	s29 =	simm.s32 $0x0;
	[tilespmem:s0+$0x0] =	vst v1  }
.LBB2_4:
0x2f: {  	s0 =	smul.u32 $0x3, s29;
	p1 =	seq.s32 s29, $0x0  }
0x30: {  	s1 =	rddreg [dreg:$0x3];
	s8 =	simm.s32 @!p1 $0x2  }
0x31: {  	s0 =	sadd.s32 s1, s0;
	_ =	swait.ge @!p1 [sflag:s8], $0x4000  }
0x32: {  	s2 =	sshll.u32 s0, $0xE;
	[sflag:s8] =	ssyncset.done @!p1 $0x0  }
0x33: {  	s0 =	sadd.s32 s6, s2;
	[sflag:s8] =	ssyncadd.s32 @!p1 $0xFFFFC000  }
0x34: {  	s0 =	sshrl.u32 s0, $0x3;
	s17 =	rddreg [dreg:$0x0]  }
0x35: {  	s31 =	sadd.s32 $0x4000, s2;
	s0 =	sadd.s32 s17, s0  }
0x36: {  	[tilespmem:s13], [sflag:$0x1] =	stream.linear.gather [hbm4b:s0+s13], $0x4000, $0x38;
	[tilespmem:$0x19800] =	vst v63  }
0x37: {  	s18 =	sadd.s32 s6, s31;
	_ =	swait.ge @!p1 [sflag:s8], $0x4000  }
0x38: {  	s3 =	simm.s32 $0x4000;
	s0 =	sshrl.u32 s18, $0x3;
	[sflag:s8] =	ssyncset.done @!p1 $0x0  }
0x39: {  	s30 =	sadd.s32 $0x8000, s2;
	s0 =	sadd.s32 s17, s0;
	[sflag:s8] =	ssyncadd.s32 @!p1 $0xFFFFC000  }
0x3a: {  	[tilespmem:s3], [sflag:$0x1] =	stream.linear.gather [hbm4b:s0+s13], $0x4000, $0x38;
	[tilespmem:$0x19800] =	vst v63  }
0x3b: {  	s19 =	sadd.s32 s6, s30;
	_ =	swait.ge @!p1 [sflag:s8], $0x4000  }
0x3c: {  	s20 =	simm.s32 $0x8000;
	s0 =	sshrl.u32 s19, $0x3;
	[sflag:s8] =	ssyncset.done @!p1 $0x0  }
0x3d: {  	s21 =	simm.s32 $0x0;
	s0 =	sadd.s32 s17, s0;
	[sflag:s8] =	ssyncadd.s32 @!p1 $0xFFFFC000  }
0x3e: {  	[tilespmem:s20], [sflag:$0x1] =	stream.linear.gather [hbm4b:s0+s21], $0x4000, $0x38;
	[tilespmem:$0x19800] =	vst v63  }
0x3f: {  	_ =	swait.ge [sflag:s16], $0x4000  }
0x40: {  	s24 =	sand.u32 $0x40, s21;
	s23 =	sand.u32 $0x3C00, s21;
	[sflag:s16] =	ssyncset.done $0x0  }
0x41: {  	s25 =	sor.u32 s24, s23;
	[sflag:s16] =	ssyncadd.s32 $0xFFFFC000  }
0x42: {  	s9 =	simm.s32 $0x1;
	p1 =	por $0x0, $0x0;
	v2 =	vld [tilespmem:s25+$0x100]  }
0x43: {  	s9 =	simm.s32 @!p1 $0x0;
	s0 =	simm.s32 $0x19000;
	v3 =	vld [tilespmem:s25+$0x0]  }
0x44: {  	s22 =	sshll.u32 s9, $0x6;
	v4 =	vld [tilespmem:s0+$0x0]  }
0x45: {  	s26 =	sadd.s32 $0x0, s22;
	v5 =	vld [tilespmem:s25+$0x80]  }
0x46: {  	s15 =	sor.u32 $0x380, s26  }
0x47: {  	v1 =	vld [tilespmem:s15+$0x0];
	[tilespmem:s25+$0xC180] =	vst v2  }
0x48: {  	[tilespmem:s25+$0xC080] =	vst v3  }
0x49: {  	[tilespmem:s25+$0xC000] =	vst v4  }
0x4a: {  	s10 =	sor.u32 $0x200, s26;
	v2 =	vld [tilespmem:s25+$0x180];
	[tilespmem:s25+$0xC100] =	vst v5  }
0x4b: {  	v3 =	vld [tilespmem:s10+$0x0]  }
0x4c: {  	p3 =	por $0x1, $0x1  }
.Ltmp3:
0x4d: {  	_ = 	snop;
	(pc) =	sbr.rel @!p3 .LBB2_6-.Ltmp3, $4  }
0x4e: {  	p2 =	por $0x0, $0x0;
	s11 =	simm.s32 $0x0  }
0x4f: {  	s12 =	simm.s32 $0x19000;
	s14 =	sor.u32 $0x10, s24;
	s28 =	sor.u32 $0x280, s26;
	[tilespmem:s10+$0xC000] =	vst v2  }
0x50: {  	s8 =	sand.u32 $0x780, s21;
	s9 =	simm.s32 $0x200;
	s17 =	sor.u32 $0x300, s26;
	[tilespmem:s28+$0xC000] =	vst v3;
	v2 =	vld [tilespmem:s28+$0x0]  }
0x51: {  	s13 =	sadd.s32 $0x30, s26;
	s25 =	sor.u32 $0x20, s24;
	s10 =	simm.s32 $0x19000;
	v3 =	vld [tilespmem:s17+$0x0]  }
.LBB2_5:
0x52: {  	_ = 	snop  }
0x53: {  	p2 =	por !p2, !p2  }
0x54: {  	s11 =	sadd.s32 $0x40, s11;
	s12 =	sadd.s32 $0x40, s12;
	s21 =	smov.u32 s9  }
0x55: {  	p3 =	sne.s32 s9, $0x3E00;
	s9 =	sadd.s32 $0x200, s9;
	s18 =	sand.u32 $0x780, s11;
	[tilespmem:s17+$0xC000] =	vst v2  }
0x56: {  	[tilespmem:s15+$0xC000] =	vst v3;
	s15 =	sor.u32 $0x19000, s8;
	s8 =	smov.u32 s18  }
0x57: {  	[tilespmem:s10+$0x0] =	vst v1;
	s19 =	sor.u32 s14, s15;
	s10 =	smov.u32 s12  }
0x58: {  	s14 =	sor.u32 s23, s14;
	v1 =	vld [tilespmem:s19+$0x0]  }
0x59: {  	v2 =	vld [tilespmem:s14+$0x0]  }
0x5a: {  	s4 =	sadd.s32 $0x10, s26;
	v3 =	vld [tilespmem:s14+$0x80]  }
0x5b: {  	s1 =	sor.u32 $0x380, s4;
	v4 =	vld [tilespmem:s14+$0x100]  }
0x5c: {  	v5 =	vld [tilespmem:s1+$0x0]  }
0x5d: {  	[tilespmem:s14+$0xC000] =	vst v1  }
0x5e: {  	[tilespmem:s14+$0xC080] =	vst v2  }
0x5f: {  	[tilespmem:s14+$0xC100] =	vst v3  }
0x60: {  	s3 =	sor.u32 $0x200, s4;
	[tilespmem:s14+$0xC180] =	vst v4;
	v1 =	vld [tilespmem:s14+$0x180]  }
0x61: {  	s17 =	sand.u32 $0x3C00, s21;
	s18 =	sand.u32 $0x40, s11;
	v2 =	vld [tilespmem:s3+$0x0]  }
0x62: {  	s20 =	sor.u32 s18, s17;
	s28 =	sor.u32 $0x20, s18;
	s14 =	sor.u32 $0x10, s18  }
0x63: {  	_ =	sdelay $0x1  }
0x64: {  	[tilespmem:s3+$0xC000] =	vst v1;
	s3 =	sor.u32 $0x280, s4  }
0x65: {  	[tilespmem:s3+$0xC000] =	vst v2;
	v1 =	vld [tilespmem:s3+$0x0];
	s3 =	sor.u32 $0x300, s4  }
0x66: {  	v2 =	vld [tilespmem:s3+$0x0];
	_ =	sdelay $0x3  }
0x67: {  	[tilespmem:s3+$0xC000] =	vst v1  }
0x68: {  	[tilespmem:s1+$0xC000] =	vst v2  }
0x69: {  	s1 =	sor.u32 s25, s15;
	[tilespmem:s19+$0x0] =	vst v5  }
0x6a: {  	s3 =	sor.u32 s23, s25;
	s25 =	smov.u32 s28;
	v1 =	vld [tilespmem:s1+$0x0]  }
0x6b: {  	s4 =	sadd.s32 $0x20, s26;
	v2 =	vld [tilespmem:s3+$0x0]  }
0x6c: {  	s19 =	sor.u32 $0x380, s4;
	v3 =	vld [tilespmem:s3+$0x100]  }
0x6d: {  	v4 =	vld [tilespmem:s19+$0x0]  }
0x6e: {  	v5 =	vld [tilespmem:s3+$0x80]  }
0x6f: {  	[tilespmem:s3+$0xC000] =	vst v1;
	v1 =	vld [tilespmem:s3+$0x180]  }
0x70: {  	[tilespmem:s3+$0xC080] =	vst v2  }
0x71: {  	[tilespmem:s3+$0xC180] =	vst v3;
	_ =	sdelay $0x1  }
0x72: {  	[tilespmem:s3+$0xC100] =	vst v5;
	s3 =	sor.u32 $0x200, s4  }
0x73: {  	[tilespmem:s3+$0xC000] =	vst v1;
	v1 =	vld [tilespmem:s3+$0x0];
	s3 =	sor.u32 $0x280, s4  }
0x74: {  	v2 =	vld [tilespmem:s3+$0x0];
	_ =	sdelay $0x3  }
0x75: {  	[tilespmem:s3+$0xC000] =	vst v1;
	s3 =	sor.u32 $0x300, s4  }
0x76: {  	[tilespmem:s3+$0xC000] =	vst v2;
	v1 =	vld [tilespmem:s3+$0x0];
	_ =	sdelay $0x4  }
0x77: {  	s3 =	sor.u32 $0x30, s24;
	s24 =	smov.u32 s18;
	[tilespmem:s19+$0xC000] =	vst v1  }
0x78: {  	[tilespmem:s1+$0x0] =	vst v4;
	s1 =	sor.u32 s23, s3;
	s23 =	smov.u32 s17  }
0x79: {  	v1 =	vld [tilespmem:s1+$0x180]  }
0x7a: {  	v2 =	vld [tilespmem:s1+$0x0]  }
0x7b: {  	s3 =	sor.u32 s3, s15;
	v3 =	vld [tilespmem:s1+$0x100]  }
0x7c: {  	v4 =	vld [tilespmem:s1+$0x80]  }
0x7d: {  	s4 =	sor.u32 $0x380, s13;
	v5 =	vld [tilespmem:s3+$0x0]  }
0x7e: {  	v6 =	vld [tilespmem:s4+$0x0]  }
0x7f: {  	[tilespmem:s1+$0xC080] =	vst v2  }
0x80: {  	[tilespmem:s1+$0xC180] =	vst v3  }
0x81: {  	s15 =	sor.u32 $0x200, s13;
	[tilespmem:s1+$0xC100] =	vst v4  }
0x82: {  	[tilespmem:s1+$0xC000] =	vst v5  }
0x83: {  	s1 =	sor.u32 $0x280, s13;
	[tilespmem:s15+$0xC000] =	vst v1;
	v1 =	vld [tilespmem:s15+$0x0]  }
0x84: {  	v2 =	vld [tilespmem:s1+$0x0];
	_ =	sdelay $0x2  }
0x85: {  	s13 =	sor.u32 $0x300, s13  }
0x86: {  	[tilespmem:s1+$0xC000] =	vst v1  }
0x87: {  	[tilespmem:s13+$0xC000] =	vst v2;
	v1 =	vld [tilespmem:s13+$0x0];
	_ =	sdelay $0x4  }
0x88: {  	[tilespmem:s4+$0xC000] =	vst v1  }
0x89: {  	s1 =	simm.s32 $0x1;
	[tilespmem:s3+$0x0] =	vst v6  }
0x8a: {  	s1 =	simm.s32 @!p2 $0x0;
	v2 =	vld [tilespmem:s20+$0x100]  }
0x8b: {  	s1 =	sshll.u32 s1, $0x6;
	v3 =	vld [tilespmem:s20+$0x0]  }
0x8c: {  	s26 =	sadd.s32 s1, s21;
	v4 =	vld [tilespmem:s12+$0x0]  }
0x8d: {  	s15 =	sor.u32 $0x380, s26;
	s13 =	sadd.s32 $0x30, s26;
	v5 =	vld [tilespmem:s20+$0x80]  }
0x8e: {  	v1 =	vld [tilespmem:s15+$0x0]  }
0x8f: {  	[tilespmem:s20+$0xC180] =	vst v2;
	v2 =	vld [tilespmem:s20+$0x180]  }
0x90: {  	[tilespmem:s20+$0xC080] =	vst v3  }
0x91: {  	[tilespmem:s20+$0xC000] =	vst v4  }
0x92: {  	s1 =	sor.u32 $0x200, s26;
	[tilespmem:s20+$0xC100] =	vst v5  }
0x93: {  	v3 =	vld [tilespmem:s1+$0x0]  }
0x94: {  	[tilespmem:s1+$0xC000] =	vst v2  }
.Ltmp4:
0x95: {  	(pc) =	sbr.rel @p3 .LBB2_5-.Ltmp4, $4  }
0x96: {  	_ = 	snop  }
0x97: {  	s1 =	sor.u32 $0x280, s26  }
0x98: {  	s17 =	sor.u32 $0x300, s26;
	[tilespmem:s1+$0xC000] =	vst v3;
	v2 =	vld [tilespmem:s1+$0x0]  }
0x99: {  	v3 =	vld [tilespmem:s17+$0x0]  }
.LBB2_6:
0x9a: {  	_ =	sdelay $0x2  }
0x9b: {  	[tilespmem:s17+$0xC000] =	vst v2  }
0x9c: {  	s1 =	sor.u32 $0x19000, s8;
	[tilespmem:s15+$0xC000] =	vst v3  }
0x9d: {  	s3 =	sor.u32 s14, s1;
	[tilespmem:s10+$0x0] =	vst v1  }
0x9e: {  	s4 =	sor.u32 s23, s14;
	v1 =	vld [tilespmem:s3+$0x0]  }
0x9f: {  	v2 =	vld [tilespmem:s4+$0x0]  }
0xa0: {  	v3 =	vld [tilespmem:s4+$0x80]  }
0xa1: {  	s17 =	sadd.s32 $0x10, s26;
	v4 =	vld [tilespmem:s4+$0x100]  }
0xa2: {  	s9 =	sor.u32 $0x380, s17  }
0xa3: {  	v5 =	vld [tilespmem:s9+$0x0];
	[tilespmem:s4+$0xC000] =	vst v1  }
0xa4: {  	[tilespmem:s4+$0xC080] =	vst v2  }
0xa5: {  	[tilespmem:s4+$0xC100] =	vst v3  }
0xa6: {  	s18 =	sor.u32 $0x200, s17;
	[tilespmem:s4+$0xC180] =	vst v4;
	v1 =	vld [tilespmem:s4+$0x180]  }
0xa7: {  	v2 =	vld [tilespmem:s18+$0x0];
	_ =	sdelay $0x3  }
0xa8: {  	s19 =	sor.u32 $0x280, s17;
	[tilespmem:s18+$0xC000] =	vst v1  }
0xa9: {  	s20 =	sor.u32 $0x300, s17;
	[tilespmem:s19+$0xC000] =	vst v2;
	v1 =	vld [tilespmem:s19+$0x0]  }
0xaa: {  	v2 =	vld [tilespmem:s20+$0x0];
	_ =	sdelay $0x3  }
0xab: {  	[tilespmem:s20+$0xC000] =	vst v1  }
0xac: {  	[tilespmem:s9+$0xC000] =	vst v2  }
0xad: {  	s21 =	sor.u32 s25, s1;
	[tilespmem:s3+$0x0] =	vst v5  }
0xae: {  	s25 =	sor.u32 s23, s25;
	v1 =	vld [tilespmem:s21+$0x0]  }
0xaf: {  	v2 =	vld [tilespmem:s25+$0x0]  }
0xb0: {  	v3 =	vld [tilespmem:s25+$0x100]  }
0xb1: {  	s26 =	sadd.s32 $0x20, s26;
	v4 =	vld [tilespmem:s25+$0x80]  }
0xb2: {  	s28 =	sor.u32 $0x380, s26  }
0xb3: {  	v5 =	vld [tilespmem:s28+$0x0];
	[tilespmem:s25+$0xC000] =	vst v1  }
0xb4: {  	[tilespmem:s25+$0xC080] =	vst v2  }
0xb5: {  	[tilespmem:s25+$0xC180] =	vst v3  }
0xb6: {  	s10 =	sor.u32 $0x200, s26;
	v1 =	vld [tilespmem:s25+$0x180];
	[tilespmem:s25+$0xC100] =	vst v4  }
0xb7: {  	v2 =	vld [tilespmem:s10+$0x0];
	_ =	sdelay $0x3  }
0xb8: {  	s11 =	sor.u32 $0x280, s26;
	[tilespmem:s10+$0xC000] =	vst v1  }
0xb9: {  	s12 =	sor.u32 $0x300, s26;
	v1 =	vld [tilespmem:s11+$0x0];
	[tilespmem:s11+$0xC000] =	vst v2  }
0xba: {  	v2 =	vld [tilespmem:s12+$0x0];
	_ =	sdelay $0x3  }
0xbb: {  	[tilespmem:s12+$0xC000] =	vst v1  }
0xbc: {  	s14 =	sor.u32 $0x30, s24;
	[tilespmem:s28+$0xC000] =	vst v2  }
0xbd: {  	s15 =	sor.u32 s23, s14;
	[tilespmem:s21+$0x0] =	vst v5  }
0xbe: {  	v1 =	vld [tilespmem:s15+$0x0]  }
0xbf: {  	v2 =	vld [tilespmem:s15+$0x100]  }
0xc0: {  	s1 =	sor.u32 s14, s1;
	v3 =	vld [tilespmem:s15+$0x80]  }
0xc1: {  	v4 =	vld [tilespmem:s1+$0x0]  }
0xc2: {  	s17 =	sor.u32 $0x380, s13  }
0xc3: {  	v5 =	vld [tilespmem:s17+$0x0];
	[tilespmem:s15+$0xC080] =	vst v1  }
0xc4: {  	[tilespmem:s15+$0xC180] =	vst v2  }
0xc5: {  	[tilespmem:s15+$0xC100] =	vst v3  }
0xc6: {  	s18 =	sor.u32 $0x200, s13;
	v1 =	vld [tilespmem:s15+$0x180];
	[tilespmem:s15+$0xC000] =	vst v4  }
0xc7: {  	v2 =	vld [tilespmem:s18+$0x0];
	_ =	sdelay $0x3  }
0xc8: {  	s19 =	sor.u32 $0x280, s13;
	[tilespmem:s18+$0xC000] =	vst v1  }
0xc9: {  	s20 =	sor.u32 $0x300, s13;
	v1 =	vld [tilespmem:s19+$0x0];
	[tilespmem:s19+$0xC000] =	vst v2  }
0xca: {  	v2 =	vld [tilespmem:s20+$0x0];
	_ =	sdelay $0x3  }
0xcb: {  	s2 =	sadd.s32 s7, s2;
	[tilespmem:s20+$0xC000] =	vst v1  }
0xcc: {  	s2 =	sshrl.u32 s2, $0x3;
	[tilespmem:s17+$0xC000] =	vst v2  }
0xcd: {  	s24 =	simm.s32 $0x0;
	s23 =	simm.s32 $0xC000;
	s21 =	sadd.s32 s5, s2;
	[tilespmem:s1+$0x0] =	vst v5  }
0xce: {  	[hbm4b:s21+s24] =	stream.linear.scatter [tilespmem:s23], [sflag:$0x2], $0x4000, $0x38;
	[tilespmem:$0x19800] =	vst v63  }
0xcf: {  	_ =	swait.ge [sflag:s16], $0x4000  }
0xd0: {  	s2 =	sand.u32 $0x3C00, s24;
	s23 =	sand.u32 $0x40, s24;
	[sflag:s16] =	ssyncset.done $0x0  }
0xd1: {  	s25 =	sor.u32 s23, s2;
	[sflag:s16] =	ssyncadd.s32 $0xFFFFC000  }
0xd2: {  	v2 =	vld [tilespmem:s25+$0x4100]  }
0xd3: {  	v3 =	vld [tilespmem:s25+$0x4000]  }
0xd4: {  	v4 =	vld [tilespmem:s0+$0x0]  }
0xd5: {  	s14 =	sadd.s32 $0x0, s22;
	v5 =	vld [tilespmem:s25+$0x4080]  }
0xd6: {  	s15 =	sor.u32 $0x380, s14  }
0xd7: {  	v1 =	vld [tilespmem:s15+$0x4000];
	[tilespmem:s25+$0x10180] =	vst v2  }
0xd8: {  	[tilespmem:s25+$0x10080] =	vst v3  }
0xd9: {  	[tilespmem:s25+$0x10000] =	vst v4  }
0xda: {  	s26 =	sor.u32 $0x200, s14;
	v2 =	vld [tilespmem:s25+$0x4180];
	[tilespmem:s25+$0x10100] =	vst v5  }
0xdb: {  	v3 =	vld [tilespmem:s26+$0x4000];
	_ =	sdelay $0x3  }
0xdc: {  	s8 =	sand.u32 $0x780, s24;
	s28 =	sor.u32 $0x280, s14;
	[tilespmem:s26+$0x10000] =	vst v2  }
0xdd: {  	s13 =	sadd.s32 $0x30, s14;
	s9 =	simm.s32 $0x200;
	s17 =	sor.u32 $0x300, s14;
	[tilespmem:s28+$0x10000] =	vst v3;
	v2 =	vld [tilespmem:s28+$0x4000]  }
0xde: {  	s10 =	simm.s32 $0x19000;
	s11 =	sor.u32 $0x10, s23;
	s22 =	sor.u32 $0x20, s23;
	v3 =	vld [tilespmem:s17+$0x4000]  }
.LBB2_7:
0xdf: {  	_ = 	snop  }
0xe0: {  	p1 =	por !p1, !p1  }
0xe1: {  	s24 =	sadd.s32 $0x40, s24;
	s0 =	sadd.s32 $0x40, s0;
	s12 =	smov.u32 s9  }
0xe2: {  	p2 =	sne.s32 s9, $0x3E00;
	s9 =	sadd.s32 $0x200, s9;
	s1 =	sand.u32 $0x780, s24;
	[tilespmem:s17+$0x10000] =	vst v2  }
0xe3: {  	[tilespmem:s15+$0x10000] =	vst v3;
	s15 =	sor.u32 $0x19000, s8;
	s8 =	smov.u32 s1  }
0xe4: {  	[tilespmem:s10+$0x0] =	vst v1;
	s1 =	sor.u32 s11, s15;
	s10 =	smov.u32 s0  }
0xe5: {  	s3 =	sor.u32 s2, s11;
	v1 =	vld [tilespmem:s1+$0x0]  }
0xe6: {  	v2 =	vld [tilespmem:s3+$0x4000]  }
0xe7: {  	s4 =	sadd.s32 $0x10, s14;
	v3 =	vld [tilespmem:s3+$0x4080]  }
0xe8: {  	s19 =	sor.u32 $0x380, s4;
	v4 =	vld [tilespmem:s3+$0x4100]  }
0xe9: {  	v5 =	vld [tilespmem:s19+$0x4000]  }
0xea: {  	[tilespmem:s3+$0x10000] =	vst v1  }
0xeb: {  	[tilespmem:s3+$0x10080] =	vst v2  }
0xec: {  	[tilespmem:s3+$0x10100] =	vst v3  }
0xed: {  	[tilespmem:s3+$0x10180] =	vst v4;
	v1 =	vld [tilespmem:s3+$0x4180];
	s3 =	sor.u32 $0x200, s4  }
0xee: {  	s18 =	sand.u32 $0x40, s24;
	s17 =	sand.u32 $0x3C00, s12;
	v2 =	vld [tilespmem:s3+$0x4000]  }
0xef: {  	s21 =	sor.u32 $0x20, s18;
	s20 =	sor.u32 s18, s17;
	s11 =	sor.u32 $0x10, s18  }
0xf0: {  	_ =	sdelay $0x1  }
0xf1: {  	[tilespmem:s3+$0x10000] =	vst v1;
	s3 =	sor.u32 $0x280, s4  }
0xf2: {  	[tilespmem:s3+$0x10000] =	vst v2;
	v1 =	vld [tilespmem:s3+$0x4000];
	s3 =	sor.u32 $0x300, s4  }
0xf3: {  	v2 =	vld [tilespmem:s3+$0x4000];
	_ =	sdelay $0x3  }
0xf4: {  	[tilespmem:s3+$0x10000] =	vst v1  }
0xf5: {  	[tilespmem:s19+$0x10000] =	vst v2  }
0xf6: {  	[tilespmem:s1+$0x0] =	vst v5;
	s1 =	sor.u32 s22, s15  }
0xf7: {  	s3 =	sor.u32 s2, s22;
	s22 =	smov.u32 s21;
	v1 =	vld [tilespmem:s1+$0x0]  }
0xf8: {  	s4 =	sadd.s32 $0x20, s14;
	v2 =	vld [tilespmem:s3+$0x4000]  }
0xf9: {  	s14 =	sor.u32 $0x380, s4;
	v3 =	vld [tilespmem:s3+$0x4100]  }
0xfa: {  	v4 =	vld [tilespmem:s14+$0x4000]  }
0xfb: {  	v5 =	vld [tilespmem:s3+$0x4080]  }
0xfc: {  	[tilespmem:s3+$0x10000] =	vst v1;
	v1 =	vld [tilespmem:s3+$0x4180]  }
0xfd: {  	[tilespmem:s3+$0x10080] =	vst v2  }
0xfe: {  	[tilespmem:s3+$0x10180] =	vst v3;
	_ =	sdelay $0x1  }
0xff: {  	[tilespmem:s3+$0x10100] =	vst v5;
	s3 =	sor.u32 $0x200, s4  }
0x100: {  	[tilespmem:s3+$0x10000] =	vst v1;
	v1 =	vld [tilespmem:s3+$0x4000];
	s3 =	sor.u32 $0x280, s4  }
0x101: {  	v2 =	vld [tilespmem:s3+$0x4000];
	_ =	sdelay $0x3  }
0x102: {  	[tilespmem:s3+$0x10000] =	vst v1;
	s3 =	sor.u32 $0x300, s4  }
0x103: {  	[tilespmem:s3+$0x10000] =	vst v2;
	v1 =	vld [tilespmem:s3+$0x4000];
	_ =	sdelay $0x4  }
0x104: {  	s3 =	sor.u32 $0x30, s23;
	s23 =	smov.u32 s18;
	[tilespmem:s14+$0x10000] =	vst v1  }
0x105: {  	[tilespmem:s1+$0x0] =	vst v4;
	s1 =	sor.u32 s2, s3;
	s2 =	smov.u32 s17  }
0x106: {  	v1 =	vld [tilespmem:s1+$0x4180]  }
0x107: {  	v2 =	vld [tilespmem:s1+$0x4000]  }
0x108: {  	s3 =	sor.u32 s3, s15;
	v3 =	vld [tilespmem:s1+$0x4100]  }
0x109: {  	v4 =	vld [tilespmem:s1+$0x4080]  }
0x10a: {  	s4 =	sor.u32 $0x380, s13;
	v5 =	vld [tilespmem:s3+$0x0]  }
0x10b: {  	v6 =	vld [tilespmem:s4+$0x4000]  }
0x10c: {  	[tilespmem:s1+$0x10080] =	vst v2  }
0x10d: {  	[tilespmem:s1+$0x10180] =	vst v3  }
0x10e: {  	s14 =	sor.u32 $0x200, s13;
	[tilespmem:s1+$0x10100] =	vst v4  }
0x10f: {  	[tilespmem:s1+$0x10000] =	vst v5  }
0x110: {  	s1 =	sor.u32 $0x280, s13;
	[tilespmem:s14+$0x10000] =	vst v1;
	v1 =	vld [tilespmem:s14+$0x4000]  }
0x111: {  	v2 =	vld [tilespmem:s1+$0x4000];
	_ =	sdelay $0x2  }
0x112: {  	s13 =	sor.u32 $0x300, s13  }
0x113: {  	[tilespmem:s1+$0x10000] =	vst v1  }
0x114: {  	[tilespmem:s13+$0x10000] =	vst v2;
	v1 =	vld [tilespmem:s13+$0x4000];
	_ =	sdelay $0x4  }
0x115: {  	[tilespmem:s4+$0x10000] =	vst v1  }
0x116: {  	s1 =	simm.s32 $0x1;
	[tilespmem:s3+$0x0] =	vst v6  }
0x117: {  	s1 =	simm.s32 @!p1 $0x0;
	v2 =	vld [tilespmem:s20+$0x4100]  }
0x118: {  	s1 =	sshll.u32 s1, $0x6;
	v3 =	vld [tilespmem:s20+$0x4000]  }
0x119: {  	s14 =	sadd.s32 s1, s12;
	v4 =	vld [tilespmem:s0+$0x0]  }
0x11a: {  	s15 =	sor.u32 $0x380, s14;
	s13 =	sadd.s32 $0x30, s14;
	v5 =	vld [tilespmem:s20+$0x4080]  }
0x11b: {  	v1 =	vld [tilespmem:s15+$0x4000]  }
0x11c: {  	[tilespmem:s20+$0x10180] =	vst v2;
	v2 =	vld [tilespmem:s20+$0x4180]  }
0x11d: {  	[tilespmem:s20+$0x10080] =	vst v3  }
0x11e: {  	[tilespmem:s20+$0x10000] =	vst v4  }
0x11f: {  	s1 =	sor.u32 $0x200, s14;
	[tilespmem:s20+$0x10100] =	vst v5  }
0x120: {  	v3 =	vld [tilespmem:s1+$0x4000]  }
0x121: {  	[tilespmem:s1+$0x10000] =	vst v2  }
.Ltmp5:
0x122: {  	(pc) =	sbr.rel @p2 .LBB2_7-.Ltmp5, $4  }
0x123: {  	_ = 	snop  }
0x124: {  	s1 =	sor.u32 $0x280, s14  }
0x125: {  	s17 =	sor.u32 $0x300, s14;
	[tilespmem:s1+$0x10000] =	vst v3;
	v2 =	vld [tilespmem:s1+$0x4000]  }
0x126: {  	v3 =	vld [tilespmem:s17+$0x4000]  }
0x127: {  	_ =	sdelay $0x2  }
0x128: {  	[tilespmem:s17+$0x10000] =	vst v2  }
0x129: {  	s0 =	sor.u32 $0x19000, s8;
	[tilespmem:s15+$0x10000] =	vst v3  }
0x12a: {  	s1 =	sor.u32 s11, s0;
	[tilespmem:s10+$0x0] =	vst v1  }
0x12b: {  	s3 =	sor.u32 s2, s11;
	v1 =	vld [tilespmem:s1+$0x0]  }
0x12c: {  	v2 =	vld [tilespmem:s3+$0x4000]  }
0x12d: {  	v3 =	vld [tilespmem:s3+$0x4080]  }
0x12e: {  	s4 =	sadd.s32 $0x10, s14;
	v4 =	vld [tilespmem:s3+$0x4100]  }
0x12f: {  	s21 =	sor.u32 $0x380, s4  }
0x130: {  	v5 =	vld [tilespmem:s21+$0x4000];
	[tilespmem:s3+$0x10000] =	vst v1  }
0x131: {  	[tilespmem:s3+$0x10080] =	vst v2  }
0x132: {  	[tilespmem:s3+$0x10100] =	vst v3  }
0x133: {  	s24 =	sor.u32 $0x200, s4;
	[tilespmem:s3+$0x10180] =	vst v4;
	v1 =	vld [tilespmem:s3+$0x4180]  }
0x134: {  	v2 =	vld [tilespmem:s24+$0x4000];
	_ =	sdelay $0x3  }
0x135: {  	s25 =	sor.u32 $0x280, s4;
	[tilespmem:s24+$0x10000] =	vst v1  }
0x136: {  	s26 =	sor.u32 $0x300, s4;
	[tilespmem:s25+$0x10000] =	vst v2;
	v1 =	vld [tilespmem:s25+$0x4000]  }
0x137: {  	v2 =	vld [tilespmem:s26+$0x4000];
	_ =	sdelay $0x3  }
0x138: {  	[tilespmem:s26+$0x10000] =	vst v1  }
0x139: {  	[tilespmem:s21+$0x10000] =	vst v2  }
0x13a: {  	s28 =	sor.u32 s22, s0;
	[tilespmem:s1+$0x0] =	vst v5  }
0x13b: {  	s9 =	sor.u32 s2, s22;
	v1 =	vld [tilespmem:s28+$0x0]  }
0x13c: {  	v2 =	vld [tilespmem:s9+$0x4000]  }
0x13d: {  	v3 =	vld [tilespmem:s9+$0x4100]  }
0x13e: {  	s10 =	sadd.s32 $0x20, s14;
	v4 =	vld [tilespmem:s9+$0x4080]  }
0x13f: {  	s11 =	sor.u32 $0x380, s10  }
0x140: {  	v5 =	vld [tilespmem:s11+$0x4000];
	[tilespmem:s9+$0x10000] =	vst v1  }
0x141: {  	[tilespmem:s9+$0x10080] =	vst v2  }
0x142: {  	[tilespmem:s9+$0x10180] =	vst v3  }
0x143: {  	s12 =	sor.u32 $0x200, s10;
	v1 =	vld [tilespmem:s9+$0x4180];
	[tilespmem:s9+$0x10100] =	vst v4  }
0x144: {  	v2 =	vld [tilespmem:s12+$0x4000];
	_ =	sdelay $0x3  }
0x145: {  	s14 =	sor.u32 $0x280, s10;
	[tilespmem:s12+$0x10000] =	vst v1  }
0x146: {  	s15 =	sor.u32 $0x300, s10;
	v1 =	vld [tilespmem:s14+$0x4000];
	[tilespmem:s14+$0x10000] =	vst v2  }
0x147: {  	v2 =	vld [tilespmem:s15+$0x4000];
	_ =	sdelay $0x3  }
0x148: {  	[tilespmem:s15+$0x10000] =	vst v1  }
0x149: {  	s17 =	sor.u32 $0x30, s23;
	[tilespmem:s11+$0x10000] =	vst v2  }
0x14a: {  	s18 =	sor.u32 s2, s17;
	[tilespmem:s28+$0x0] =	vst v5  }
0x14b: {  	v1 =	vld [tilespmem:s18+$0x4000]  }
0x14c: {  	v2 =	vld [tilespmem:s18+$0x4100]  }
0x14d: {  	s0 =	sor.u32 s17, s0;
	v3 =	vld [tilespmem:s18+$0x4080]  }
0x14e: {  	v4 =	vld [tilespmem:s0+$0x0]  }
0x14f: {  	s19 =	sor.u32 $0x380, s13  }
0x150: {  	v5 =	vld [tilespmem:s19+$0x4000];
	[tilespmem:s18+$0x10080] =	vst v1  }
0x151: {  	[tilespmem:s18+$0x10180] =	vst v2  }
0x152: {  	[tilespmem:s18+$0x10100] =	vst v3  }
0x153: {  	s20 =	sor.u32 $0x200, s13;
	v1 =	vld [tilespmem:s18+$0x4180];
	[tilespmem:s18+$0x10000] =	vst v4  }
0x154: {  	v2 =	vld [tilespmem:s20+$0x4000];
	_ =	sdelay $0x3  }
0x155: {  	s21 =	sor.u32 $0x280, s13;
	[tilespmem:s20+$0x10000] =	vst v1  }
0x156: {  	s22 =	sor.u32 $0x300, s13;
	v1 =	vld [tilespmem:s21+$0x4000];
	[tilespmem:s21+$0x10000] =	vst v2  }
0x157: {  	v2 =	vld [tilespmem:s22+$0x4000];
	_ =	sdelay $0x3  }
0x158: {  	s23 =	sadd.s32 s7, s31;
	[tilespmem:s22+$0x10000] =	vst v1  }
0x159: {  	s1 =	sshrl.u32 s23, $0x3;
	[tilespmem:s19+$0x10000] =	vst v2  }
0x15a: {  	s25 =	simm.s32 $0x10000;
	s24 =	sadd.s32 s5, s1;
	s22 =	simm.s32 $0x0;
	[tilespmem:s0+$0x0] =	vst v5  }
0x15b: {  	[hbm4b:s24+s22] =	stream.linear.scatter [tilespmem:s25], [sflag:$0x2], $0x4000, $0x38;
	[tilespmem:$0x19800] =	vst v63  }
0x15c: {  	_ =	swait.ge [sflag:s16], $0x4000  }
0x15d: {  	s2 =	sand.u32 $0x40, s22;
	s0 =	sand.u32 $0x3C00, s22;
	[sflag:s16] =	ssyncset.done $0x0  }
0x15e: {  	s26 =	sor.u32 s2, s0;
	[sflag:s16] =	ssyncadd.s32 $0xFFFFC000  }
0x15f: {  	p1 =	por $0x0, $0x0;
	s3 =	simm.s32 $0x1;
	v2 =	vld [tilespmem:s26+$0x8100]  }
0x160: {  	s3 =	simm.s32 @!p1 $0x0;
	s24 =	simm.s32 $0x19000;
	v3 =	vld [tilespmem:s26+$0x8000]  }
0x161: {  	s3 =	sshll.u32 s3, $0x6;
	v4 =	vld [tilespmem:s24+$0x0]  }
0x162: {  	s14 =	sadd.s32 $0x0, s3;
	v5 =	vld [tilespmem:s26+$0x8080]  }
0x163: {  	s15 =	sor.u32 $0x380, s14  }
0x164: {  	v1 =	vld [tilespmem:s15+$0x8000];
	[tilespmem:s26+$0x14180] =	vst v2  }
0x165: {  	[tilespmem:s26+$0x14080] =	vst v3  }
0x166: {  	[tilespmem:s26+$0x14000] =	vst v4  }
0x167: {  	s28 =	sor.u32 $0x200, s14;
	v2 =	vld [tilespmem:s26+$0x8180];
	[tilespmem:s26+$0x14100] =	vst v5  }
0x168: {  	v3 =	vld [tilespmem:s28+$0x8000];
	_ =	sdelay $0x3  }
0x169: {  	s10 =	simm.s32 $0x19000;
	s31 =	sor.u32 $0x280, s14;
	[tilespmem:s28+$0x14000] =	vst v2  }
0x16a: {  	s9 =	simm.s32 $0x200;
	s17 =	sor.u32 $0x300, s14;
	s13 =	sadd.s32 $0x30, s14;
	[tilespmem:s31+$0x14000] =	vst v3;
	v2 =	vld [tilespmem:s31+$0x8000]  }
0x16b: {  	s8 =	sand.u32 $0x780, s22;
	s11 =	sor.u32 $0x10, s2;
	s23 =	sor.u32 $0x20, s2;
	v3 =	vld [tilespmem:s17+$0x8000]  }
.LBB2_9:
0x16c: {  	_ = 	snop  }
0x16d: {  	p1 =	por !p1, !p1  }
0x16e: {  	s22 =	sadd.s32 $0x40, s22;
	s24 =	sadd.s32 $0x40, s24;
	s12 =	smov.u32 s9  }
0x16f: {  	p2 =	sne.s32 s9, $0x3E00;
	s9 =	sadd.s32 $0x200, s9;
	s1 =	sand.u32 $0x780, s22;
	[tilespmem:s17+$0x14000] =	vst v2  }
0x170: {  	[tilespmem:s15+$0x14000] =	vst v3;
	s15 =	sor.u32 $0x19000, s8;
	s8 =	smov.u32 s1  }
0x171: {  	[tilespmem:s10+$0x0] =	vst v1;
	s1 =	sor.u32 s11, s15;
	s10 =	smov.u32 s24  }
0x172: {  	s3 =	sor.u32 s0, s11;
	v1 =	vld [tilespmem:s1+$0x0]  }
0x173: {  	v2 =	vld [tilespmem:s3+$0x8000]  }
0x174: {  	s4 =	sadd.s32 $0x10, s14;
	v3 =	vld [tilespmem:s3+$0x8080]  }
0x175: {  	s19 =	sor.u32 $0x380, s4;
	v4 =	vld [tilespmem:s3+$0x8100]  }
0x176: {  	v5 =	vld [tilespmem:s19+$0x8000]  }
0x177: {  	[tilespmem:s3+$0x14000] =	vst v1  }
0x178: {  	[tilespmem:s3+$0x14080] =	vst v2  }
0x179: {  	[tilespmem:s3+$0x14100] =	vst v3  }
0x17a: {  	[tilespmem:s3+$0x14180] =	vst v4;
	v1 =	vld [tilespmem:s3+$0x8180];
	s3 =	sor.u32 $0x200, s4  }
0x17b: {  	s18 =	sand.u32 $0x40, s22;
	s17 =	sand.u32 $0x3C00, s12;
	v2 =	vld [tilespmem:s3+$0x8000]  }
0x17c: {  	s21 =	sor.u32 $0x20, s18;
	s20 =	sor.u32 s18, s17;
	s11 =	sor.u32 $0x10, s18  }
0x17d: {  	_ =	sdelay $0x1  }
0x17e: {  	[tilespmem:s3+$0x14000] =	vst v1;
	s3 =	sor.u32 $0x280, s4  }
0x17f: {  	[tilespmem:s3+$0x14000] =	vst v2;
	v1 =	vld [tilespmem:s3+$0x8000];
	s3 =	sor.u32 $0x300, s4  }
0x180: {  	v2 =	vld [tilespmem:s3+$0x8000];
	_ =	sdelay $0x3  }
0x181: {  	[tilespmem:s3+$0x14000] =	vst v1  }
0x182: {  	[tilespmem:s19+$0x14000] =	vst v2  }
0x183: {  	[tilespmem:s1+$0x0] =	vst v5;
	s1 =	sor.u32 s23, s15  }
0x184: {  	s3 =	sor.u32 s0, s23;
	s23 =	smov.u32 s21;
	v1 =	vld [tilespmem:s1+$0x0]  }
0x185: {  	s4 =	sadd.s32 $0x20, s14;
	v2 =	vld [tilespmem:s3+$0x8000]  }
0x186: {  	s14 =	sor.u32 $0x380, s4;
	v3 =	vld [tilespmem:s3+$0x8100]  }
0x187: {  	v4 =	vld [tilespmem:s14+$0x8000]  }
0x188: {  	v5 =	vld [tilespmem:s3+$0x8080]  }
0x189: {  	[tilespmem:s3+$0x14000] =	vst v1;
	v1 =	vld [tilespmem:s3+$0x8180]  }
0x18a: {  	[tilespmem:s3+$0x14080] =	vst v2  }
0x18b: {  	[tilespmem:s3+$0x14180] =	vst v3;
	_ =	sdelay $0x1  }
0x18c: {  	[tilespmem:s3+$0x14100] =	vst v5;
	s3 =	sor.u32 $0x200, s4  }
0x18d: {  	[tilespmem:s3+$0x14000] =	vst v1;
	v1 =	vld [tilespmem:s3+$0x8000];
	s3 =	sor.u32 $0x280, s4  }
0x18e: {  	v2 =	vld [tilespmem:s3+$0x8000];
	_ =	sdelay $0x3  }
0x18f: {  	[tilespmem:s3+$0x14000] =	vst v1;
	s3 =	sor.u32 $0x300, s4  }
0x190: {  	[tilespmem:s3+$0x14000] =	vst v2;
	v1 =	vld [tilespmem:s3+$0x8000];
	_ =	sdelay $0x4  }
0x191: {  	s3 =	sor.u32 $0x30, s2;
	s2 =	smov.u32 s18;
	[tilespmem:s14+$0x14000] =	vst v1  }
0x192: {  	[tilespmem:s1+$0x0] =	vst v4;
	s1 =	sor.u32 s0, s3;
	s0 =	smov.u32 s17  }
0x193: {  	v1 =	vld [tilespmem:s1+$0x8180]  }
0x194: {  	v2 =	vld [tilespmem:s1+$0x8000]  }
0x195: {  	s3 =	sor.u32 s3, s15;
	v3 =	vld [tilespmem:s1+$0x8100]  }
0x196: {  	v4 =	vld [tilespmem:s1+$0x8080]  }
0x197: {  	s4 =	sor.u32 $0x380, s13;
	v5 =	vld [tilespmem:s3+$0x0]  }
0x198: {  	v6 =	vld [tilespmem:s4+$0x8000]  }
0x199: {  	[tilespmem:s1+$0x14080] =	vst v2  }
0x19a: {  	[tilespmem:s1+$0x14180] =	vst v3  }
0x19b: {  	s14 =	sor.u32 $0x200, s13;
	[tilespmem:s1+$0x14100] =	vst v4  }
0x19c: {  	[tilespmem:s1+$0x14000] =	vst v5  }
0x19d: {  	s1 =	sor.u32 $0x280, s13;
	[tilespmem:s14+$0x14000] =	vst v1;
	v1 =	vld [tilespmem:s14+$0x8000]  }
0x19e: {  	v2 =	vld [tilespmem:s1+$0x8000];
	_ =	sdelay $0x2  }
0x19f: {  	s13 =	sor.u32 $0x300, s13  }
0x1a0: {  	[tilespmem:s1+$0x14000] =	vst v1  }
0x1a1: {  	[tilespmem:s13+$0x14000] =	vst v2;
	v1 =	vld [tilespmem:s13+$0x8000];
	_ =	sdelay $0x4  }
0x1a2: {  	[tilespmem:s4+$0x14000] =	vst v1  }
0x1a3: {  	s1 =	simm.s32 $0x1;
	[tilespmem:s3+$0x0] =	vst v6  }
0x1a4: {  	s1 =	simm.s32 @!p1 $0x0;
	v2 =	vld [tilespmem:s20+$0x8100]  }
0x1a5: {  	s1 =	sshll.u32 s1, $0x6;
	v3 =	vld [tilespmem:s20+$0x8000]  }
0x1a6: {  	s14 =	sadd.s32 s1, s12;
	v4 =	vld [tilespmem:s24+$0x0]  }
0x1a7: {  	s15 =	sor.u32 $0x380, s14;
	s13 =	sadd.s32 $0x30, s14;
	v5 =	vld [tilespmem:s20+$0x8080]  }
0x1a8: {  	v1 =	vld [tilespmem:s15+$0x8000]  }
0x1a9: {  	[tilespmem:s20+$0x14180] =	vst v2;
	v2 =	vld [tilespmem:s20+$0x8180]  }
0x1aa: {  	[tilespmem:s20+$0x14080] =	vst v3  }
0x1ab: {  	[tilespmem:s20+$0x14000] =	vst v4  }
0x1ac: {  	s1 =	sor.u32 $0x200, s14;
	[tilespmem:s20+$0x14100] =	vst v5  }
0x1ad: {  	v3 =	vld [tilespmem:s1+$0x8000]  }
0x1ae: {  	[tilespmem:s1+$0x14000] =	vst v2  }
.Ltmp6:
0x1af: {  	(pc) =	sbr.rel @p2 .LBB2_9-.Ltmp6, $4  }
0x1b0: {  	_ = 	snop  }
0x1b1: {  	s1 =	sor.u32 $0x280, s14  }
0x1b2: {  	s17 =	sor.u32 $0x300, s14;
	[tilespmem:s1+$0x14000] =	vst v3;
	v2 =	vld [tilespmem:s1+$0x8000]  }
0x1b3: {  	v3 =	vld [tilespmem:s17+$0x8000]  }
0x1b4: {  	_ =	sdelay $0x2  }
0x1b5: {  	[tilespmem:s17+$0x14000] =	vst v2  }
0x1b6: {  	s1 =	sor.u32 $0x19000, s8;
	[tilespmem:s15+$0x14000] =	vst v3  }
0x1b7: {  	s3 =	sor.u32 s11, s1;
	[tilespmem:s10+$0x0] =	vst v1  }
0x1b8: {  	s4 =	sor.u32 s0, s11;
	v1 =	vld [tilespmem:s3+$0x0]  }
0x1b9: {  	v2 =	vld [tilespmem:s4+$0x8000]  }
0x1ba: {  	v3 =	vld [tilespmem:s4+$0x8080]  }
0x1bb: {  	s31 =	sadd.s32 $0x10, s14;
	v4 =	vld [tilespmem:s4+$0x8100]  }
0x1bc: {  	s9 =	sor.u32 $0x380, s31  }
0x1bd: {  	v5 =	vld [tilespmem:s9+$0x8000];
	[tilespmem:s4+$0x14000] =	vst v1  }
0x1be: {  	[tilespmem:s4+$0x14080] =	vst v2  }
0x1bf: {  	[tilespmem:s4+$0x14100] =	vst v3  }
0x1c0: {  	s10 =	sor.u32 $0x200, s31;
	[tilespmem:s4+$0x14180] =	vst v4;
	v1 =	vld [tilespmem:s4+$0x8180]  }
0x1c1: {  	v2 =	vld [tilespmem:s10+$0x8000];
	_ =	sdelay $0x3  }
0x1c2: {  	s11 =	sor.u32 $0x280, s31;
	[tilespmem:s10+$0x14000] =	vst v1  }
0x1c3: {  	s12 =	sor.u32 $0x300, s31;
	[tilespmem:s11+$0x14000] =	vst v2;
	v1 =	vld [tilespmem:s11+$0x8000]  }
0x1c4: {  	v2 =	vld [tilespmem:s12+$0x8000];
	_ =	sdelay $0x3  }
0x1c5: {  	[tilespmem:s12+$0x14000] =	vst v1  }
0x1c6: {  	[tilespmem:s9+$0x14000] =	vst v2  }
0x1c7: {  	s15 =	sor.u32 s23, s1;
	[tilespmem:s3+$0x0] =	vst v5  }
0x1c8: {  	s17 =	sor.u32 s0, s23;
	v1 =	vld [tilespmem:s15+$0x0]  }
0x1c9: {  	v2 =	vld [tilespmem:s17+$0x8000]  }
0x1ca: {  	v3 =	vld [tilespmem:s17+$0x8100]  }
0x1cb: {  	s18 =	sadd.s32 $0x20, s14;
	v4 =	vld [tilespmem:s17+$0x8080]  }
0x1cc: {  	s19 =	sor.u32 $0x380, s18  }
0x1cd: {  	v5 =	vld [tilespmem:s19+$0x8000];
	[tilespmem:s17+$0x14000] =	vst v1  }
0x1ce: {  	[tilespmem:s17+$0x14080] =	vst v2  }
0x1cf: {  	[tilespmem:s17+$0x14180] =	vst v3  }
0x1d0: {  	s20 =	sor.u32 $0x200, s18;
	v1 =	vld [tilespmem:s17+$0x8180];
	[tilespmem:s17+$0x14100] =	vst v4  }
0x1d1: {  	v2 =	vld [tilespmem:s20+$0x8000];
	_ =	sdelay $0x3  }
0x1d2: {  	s21 =	sor.u32 $0x280, s18;
	[tilespmem:s20+$0x14000] =	vst v1  }
0x1d3: {  	s22 =	sor.u32 $0x300, s18;
	v1 =	vld [tilespmem:s21+$0x8000];
	[tilespmem:s21+$0x14000] =	vst v2  }
0x1d4: {  	v2 =	vld [tilespmem:s22+$0x8000];
	_ =	sdelay $0x3  }
0x1d5: {  	[tilespmem:s22+$0x14000] =	vst v1  }
0x1d6: {  	s2 =	sor.u32 $0x30, s2;
	[tilespmem:s19+$0x14000] =	vst v2  }
0x1d7: {  	s23 =	sor.u32 s0, s2;
	[tilespmem:s15+$0x0] =	vst v5  }
0x1d8: {  	v1 =	vld [tilespmem:s23+$0x8000]  }
0x1d9: {  	v2 =	vld [tilespmem:s23+$0x8100]  }
0x1da: {  	s1 =	sor.u32 s2, s1;
	v3 =	vld [tilespmem:s23+$0x8080]  }
0x1db: {  	v4 =	vld [tilespmem:s1+$0x0]  }
0x1dc: {  	s24 =	sor.u32 $0x380, s13  }
0x1dd: {  	v5 =	vld [tilespmem:s24+$0x8000];
	[tilespmem:s23+$0x14080] =	vst v1  }
0x1de: {  	[tilespmem:s23+$0x14180] =	vst v2  }
0x1df: {  	[tilespmem:s23+$0x14100] =	vst v3  }
0x1e0: {  	s25 =	sor.u32 $0x200, s13;
	v1 =	vld [tilespmem:s23+$0x8180];
	[tilespmem:s23+$0x14000] =	vst v4  }
0x1e1: {  	v2 =	vld [tilespmem:s25+$0x8000];
	_ =	sdelay $0x3  }
0x1e2: {  	s26 =	sor.u32 $0x280, s13;
	[tilespmem:s25+$0x14000] =	vst v1  }
0x1e3: {  	s28 =	sor.u32 $0x300, s13;
	v1 =	vld [tilespmem:s26+$0x8000];
	[tilespmem:s26+$0x14000] =	vst v2  }
0x1e4: {  	v2 =	vld [tilespmem:s28+$0x8000]  }
0x1e5: {  	s29 =	sadd.s32 $0x1, s29  }
0x1e6: {  	p1 =	sne.s32 s29, $0x2A  }
.Ltmp7:
0x1e7: {  	_ = 	snop;
	(pc) =	sbr.rel @p1 .LBB2_4-.Ltmp7, $4  }
0x1e8: {  	s30 =	sadd.s32 s7, s30;
	[tilespmem:s28+$0x14000] =	vst v1  }
0x1e9: {  	s0 =	sshrl.u32 s30, $0x3;
	[tilespmem:s24+$0x14000] =	vst v2  }
0x1ea: {  	s13 =	simm.s32 $0x0;
	s0 =	sadd.s32 s5, s0;
	s31 =	simm.s32 $0x14000;
	[tilespmem:s1+$0x0] =	vst v5  }
0x1eb: {  	[hbm4b:s0+s13] =	stream.linear.scatter [tilespmem:s31], [sflag:$0x2], $0x4000, $0x38;
	[tilespmem:$0x19800] =	vst v63  }
0x1ec: {  	s14 =	simm.s32 $0x2  }
0x1ed: {  	_ =	swait.ge [sflag:s14], $0x4000  }
0x1ee: {  	[sflag:s14] =	ssyncset.done $0x0  }
0x1ef: {  	s0 =	simm.s32 $0x0;
	s1 =	rddreg [dreg:$0x5];
	[sflag:s14] =	ssyncadd.s32 $0xFFFFC000  }
0x1f0: {  	[tilespmem:s0], [sflag:$0x1] =	stream.linear.gather [hbm4b:s1+s0], $0x4000, $0x38;
	[tilespmem:$0x19800] =	vst v63  }
0x1f1: {  	_ =	swait.ge [sflag:s16], $0x4000  }
0x1f2: {  	s2 =	simm.s32 $0x19000;
	[sflag:s16] =	ssyncset.done $0x0  }
0x1f3: {  	s30 =	sand.u32 $0x70, s0;
	s3 =	sand.u32 $0x3C00, s0;
	[sflag:s16] =	ssyncadd.s32 $0xFFFFC000  }
0x1f4: {  	s4 =	sand.u32 $0x7, s0;
	s8 =	sor.u32 s30, s3;
	v3 =	vld [tilespmem:s2+$0x0]  }
0x1f5: {  	s31 =	sshll.u32 s4, $0x4;
	v6 =	vld [tilespmem:s8+$0x280]  }
0x1f6: {  	s1 =	sadd.s32 $0x0, s31;
	v5 =	vld [tilespmem:s8+$0x180]  }
0x1f7: {  	s10 =	sor.u32 $0x380, s1;
	v2 =	vld [tilespmem:s8+$0x200]  }
0x1f8: {  	v1 =	vld [tilespmem:s10+$0x0]  }
0x1f9: {  	[tilespmem:s8+$0xC000] =	vst v3;
	v3 =	vld [tilespmem:s8+$0x0]  }
0x1fa: {  	s11 =	simm.s32 $0x10;
	s12 =	simm.s32 $0x0;
	s9 =	simm.s32 $0x19000;
	v4 =	vld [tilespmem:s8+$0x100];
	[tilespmem:s8+$0xC300] =	vst v6  }
.LBB2_12:
0x1fb: {  	v6 =	vld [tilespmem:s8+$0x80];
	[tilespmem:s8+$0xC200] =	vst v5;
	s0 =	sadd.s32 $0x80, s0;
	s12 =	sadd.s32 $0x1, s12;
	s2 =	sadd.s32 $0x10, s2  }
0x1fc: {  	p1 =	sne.s32 s11, $0x7F0;
	s1 =	smov.u32 s11;
	s11 =	sadd.s32 $0x10, s11;
	[tilespmem:s8+$0xC280] =	vst v2;
	v2 =	vld [tilespmem:s8+$0x300]  }
0x1fd: {  	_ = 	snop  }
0x1fe: {  	[tilespmem:s8+$0xC080] =	vst v3  }
0x1ff: {  	[tilespmem:s8+$0xC180] =	vst v4  }
0x200: {  	[tilespmem:s8+$0xC100] =	vst v6  }
0x201: {  	s3 =	sand.u32 $0x7, s12;
	s1 =	sand.u32 $0x70, s1;
	s4 =	sand.u32 $0x3C00, s0;
	[tilespmem:s10+$0xC000] =	vst v2  }
0x202: {  	s3 =	sshll.u32 s3, $0x4;
	s8 =	sor.u32 s1, s4;
	[tilespmem:s9+$0x0] =	vst v1;
	s9 =	smov.u32 s2  }
0x203: {  	s1 =	sadd.s32 s3, s0;
	v3 =	vld [tilespmem:s2+$0x0]  }
0x204: {  	s10 =	sor.u32 $0x380, s1;
	v6 =	vld [tilespmem:s8+$0x280]  }
.Ltmp8:
0x205: {  	v5 =	vld [tilespmem:s8+$0x180];
	(pc) =	sbr.rel @p1 .LBB2_12-.Ltmp8, $4  }
0x206: {  	v2 =	vld [tilespmem:s8+$0x200]  }
0x207: {  	v1 =	vld [tilespmem:s10+$0x0]  }
0x208: {  	[tilespmem:s8+$0xC000] =	vst v3;
	v3 =	vld [tilespmem:s8+$0x0]  }
0x209: {  	v4 =	vld [tilespmem:s8+$0x100];
	[tilespmem:s8+$0xC300] =	vst v6  }
0x20a: {  	v6 =	vld [tilespmem:s8+$0x80]  }
0x20b: {  	[tilespmem:s8+$0xC280] =	vst v2;
	v2 =	vld [tilespmem:s8+$0x300]  }
0x20c: {  	[tilespmem:s8+$0xC200] =	vst v5  }
0x20d: {  	[tilespmem:s8+$0xC080] =	vst v3  }
0x20e: {  	[tilespmem:s8+$0xC180] =	vst v4  }
0x20f: {  	[tilespmem:s8+$0xC100] =	vst v6  }
0x210: {  	[tilespmem:s10+$0xC000] =	vst v2  }
0x211: {  	s0 =	simm.s32 $0x0;
	s1 =	rddreg [dreg:$0x6];
	s2 =	simm.s32 $0xC000;
	[tilespmem:s9+$0x0] =	vst v1  }
0x212: {  	[hbm4b:s1+s0] =	stream.linear.scatter [tilespmem:s2], [sflag:$0x2], $0x4000, $0x38;
	[tilespmem:$0x19800] =	vst v63  }
0x213: {  	_ =	swait.ge [sflag:s14], $0x4000  }
0x214: {  	[sflag:s14] =	ssyncset.done $0x0  }
0x215: {  	s29 =	simm.s32 $0x4000;
	s28 =	rddreg [dreg:$0x7];
	[sflag:s14] =	ssyncadd.s32 $0xFFFFC000  }
0x216: {  	[tilespmem:s29], [sflag:$0x1] =	stream.linear.gather [hbm4b:s28+s0], $0x4000, $0x38;
	[tilespmem:$0x19800] =	vst v63  }
0x217: {  	_ =	swait.ge [sflag:s16], $0x4000  }
0x218: {  	s30 =	sand.u32 $0x70, s0;
	[sflag:s16] =	ssyncset.done $0x0  }
0x219: {  	s3 =	sand.u32 $0x3C00, s0;
	s2 =	simm.s32 $0x19000;
	[sflag:s16] =	ssyncadd.s32 $0xFFFFC000  }
0x21a: {  	s4 =	sand.u32 $0x7, s0;
	s8 =	sor.u32 s30, s3;
	v3 =	vld [tilespmem:s2+$0x0]  }
0x21b: {  	s31 =	sshll.u32 s4, $0x4;
	v6 =	vld [tilespmem:s8+$0x4280]  }
0x21c: {  	s1 =	sadd.s32 $0x0, s31;
	v5 =	vld [tilespmem:s8+$0x4180]  }
0x21d: {  	s10 =	sor.u32 $0x380, s1;
	v2 =	vld [tilespmem:s8+$0x4200]  }
0x21e: {  	v1 =	vld [tilespmem:s10+$0x4000]  }
0x21f: {  	[tilespmem:s8+$0x10000] =	vst v3;
	v3 =	vld [tilespmem:s8+$0x4000]  }
0x220: {  	s11 =	simm.s32 $0x10;
	s12 =	simm.s32 $0x0;
	s9 =	simm.s32 $0x19000;
	v4 =	vld [tilespmem:s8+$0x4100];
	[tilespmem:s8+$0x10300] =	vst v6  }
.LBB2_14:
0x221: {  	v6 =	vld [tilespmem:s8+$0x4080];
	[tilespmem:s8+$0x10200] =	vst v5;
	s0 =	sadd.s32 $0x80, s0;
	s12 =	sadd.s32 $0x1, s12;
	s2 =	sadd.s32 $0x10, s2  }
0x222: {  	p1 =	sne.s32 s11, $0x7F0;
	s1 =	smov.u32 s11;
	s11 =	sadd.s32 $0x10, s11;
	[tilespmem:s8+$0x10280] =	vst v2;
	v2 =	vld [tilespmem:s8+$0x4300]  }
0x223: {  	_ = 	snop  }
0x224: {  	[tilespmem:s8+$0x10080] =	vst v3  }
0x225: {  	[tilespmem:s8+$0x10180] =	vst v4  }
0x226: {  	[tilespmem:s8+$0x10100] =	vst v6  }
0x227: {  	s3 =	sand.u32 $0x7, s12;
	s1 =	sand.u32 $0x70, s1;
	s4 =	sand.u32 $0x3C00, s0;
	[tilespmem:s10+$0x10000] =	vst v2  }
0x228: {  	s3 =	sshll.u32 s3, $0x4;
	s8 =	sor.u32 s1, s4;
	[tilespmem:s9+$0x0] =	vst v1;
	s9 =	smov.u32 s2  }
0x229: {  	s1 =	sadd.s32 s3, s0;
	v3 =	vld [tilespmem:s2+$0x0]  }
0x22a: {  	s10 =	sor.u32 $0x380, s1;
	v6 =	vld [tilespmem:s8+$0x4280]  }
.Ltmp9:
0x22b: {  	v5 =	vld [tilespmem:s8+$0x4180];
	(pc) =	sbr.rel @p1 .LBB2_14-.Ltmp9, $4  }
0x22c: {  	v2 =	vld [tilespmem:s8+$0x4200]  }
0x22d: {  	v1 =	vld [tilespmem:s10+$0x4000]  }
0x22e: {  	[tilespmem:s8+$0x10000] =	vst v3;
	v3 =	vld [tilespmem:s8+$0x4000]  }
0x22f: {  	v4 =	vld [tilespmem:s8+$0x4100];
	[tilespmem:s8+$0x10300] =	vst v6  }
0x230: {  	v6 =	vld [tilespmem:s8+$0x4080]  }
0x231: {  	[tilespmem:s8+$0x10280] =	vst v2;
	v2 =	vld [tilespmem:s8+$0x4300]  }
0x232: {  	[tilespmem:s8+$0x10200] =	vst v5  }
0x233: {  	[tilespmem:s8+$0x10080] =	vst v3  }
0x234: {  	[tilespmem:s8+$0x10180] =	vst v4  }
0x235: {  	[tilespmem:s8+$0x10100] =	vst v6  }
0x236: {  	[tilespmem:s10+$0x10000] =	vst v2  }
0x237: {  	s0 =	rddreg [dreg:$0x8];
	s1 =	simm.s32 $0x10000;
	s8 =	simm.s32 $0x0;
	[tilespmem:s9+$0x0] =	vst v1  }
0x238: {  	[hbm4b:s0+s8] =	stream.linear.scatter [tilespmem:s1], [sflag:$0x2], $0x4000, $0x38;
	[tilespmem:$0x19800] =	vst v63  }
0x239: {  	_ =	swait.ge [sflag:s14], $0x4000  }
0x23a: {  	[sflag:s14] =	ssyncset.done $0x0  }
0x23b: {  	[sflag:s14] =	ssyncadd.s32 $0xFFFFC000  }
0x23c: {  	_ =	swait.ge [sflag:s14], $0x4000  }
.Ltmp10:
0x23d: {  	[sflag:s14] =	ssyncset.done $0x0;
	(pc) =	sbr.rel @p0 .LBB2_19-.Ltmp10, $4  }
0x23e: {  	[sflag:s14] =	ssyncadd.s32 $0xFFFFC000  }
0x23f: {  	_ =	swait.ge [sflag:s14], $0x4000  }
0x240: {  	[sflag:s14] =	ssyncset.done $0x0  }
0x241: {  	s0 =	simm.s32 $0x19000;
	s1 =	rddreg [dreg:$0xb];
	[sflag:s14] =	ssyncadd.s32 $0xFFFFC000  }
0x242: {  	v1 =	vld [tilespmem:s0+$0x0]  }
0x243: {  	s1 =	sand.u32 $0x70, s8;
	s2 =	sand.u32 $0xF00, s8  }
0x244: {  	s2 =	sor.u32 s1, s2  }
0x245: {  	s9 =	sadd.s32 $0x10, s8;
	s8 =	sadd.s32 $0x20, s8;
	[tilespmem:s2+$0x18080] =	vst v0  }
.LBB2_17:
0x246: {  	s1 =	sand.u32 $0x70, s9;
	s3 =	sand.u32 $0xF00, s8;
	p1 =	sne.s32 s9, $0x7F0  }
.Ltmp11:
0x247: {  	s0 =	sadd.s32 $0x10, s0;
	[tilespmem:s2+$0x18000] =	vst v1;
	s2 =	sor.u32 s1, s3;
	(pc) =	sbr.rel @p1 .LBB2_17-.Ltmp11, $2  }
0x248: {  	s9 =	sadd.s32 $0x10, s9;
	v1 =	vld [tilespmem:s0+$0x0];
	[tilespmem:s2+$0x18080] =	vst v0;
	_ =	sdelay $0x2  }
0x249: {  	s8 =	sadd.s32 $0x20, s8  }
0x24a: {  	s0 =	rddreg [dreg:$0x9];
	s1 =	simm.s32 $0x100;
	s30 =	simm.s32 $0x400  }
.Ltmp12:
0x24b: {  	s3 =	simm.s32 $0x18000;
	s31 =	simm.s32 $0x3;
	[tilespmem:s2+$0x18000] =	vst v1;
	(pc) =	sbr.rel .LBB2_19-.Ltmp12, $4  }
0x24c: {  	[hbm4b:s0+s1] =	stream.strided.scatter [tilespmem:s3], [sflag:$0x3], $0x1000, s30, s1, $0x38;
	[tilespmem:$0x19800] =	vst v63  }
0x24d: {  	_ =	swait.ge [sflag:s31], $0x1000  }
0x24e: {  	[sflag:s31] =	ssyncset.done $0x0  }
0x24f: {  	s1 =	rddreg [dreg:$0xb];
	[sflag:s31] =	ssyncadd.s32 $0xFFFFF000  }
.LBB2_20:
0x250: {  	_ =	sfence.sel $0x180000  }
0x251: {  	[bflag:$0x0] =	sbarrier.arrive $0xFFFF  }
0x252: {  	_ =	strace $0x90000047  }
0x253: {  	s0 =	stileid.u32;
	[bflag:$0x2] =	sbarrier.arrive $0xFFFF  }
0x254: {  	p0 =	sne.s32 s0, $0x0;
	s0 =	rddreg [dreg:$0x2]  }
0x255: {  	s0 =	sadd.s32 @!p0 $0x100000, s0  }
0x256: {  	[sflag:s0] =	ssyncadd.tile.s32 @!p0 $0x1;
	_ =	shalt  }
.Lfunc_end2:
_tile_overlayer_lowered:
.L_overlay_start_2:
0x257: {  	(tag) =	ssettag $0x2  }
0x258: {  	s0 =	rddreg [dreg:$0x0];
	s2 =	stileid.u32  }
0x259: {  	s1 =	rddreg [dreg:$0x1];
	p0 =	sne.s32 s2, $0x0  }
0x25a: {  	s3 =	rddreg [dreg:$0x2];
	[bflag:$0x3] =	sbarrier.arrive $0xFFFF;
	s2 =	simm.s32 @!p0 $0x1C04  }
0x25b: {  	[timem:s3], [sflag:s2] =	dma.local @!p0 [hbm:s0], s1  }
0x25c: {  	s0 =	simm.s32 @!p0 $0x4  }
0x25d: {  	_ =	swait.ge @!p0 [sflag:s0], s1  }
0x25e: {  	s1 =	ssub.s32 @!p0 $0x0, s1;
	[sflag:s0] =	ssyncset.done @!p0 $0x0  }
0x25f: {  	[sflag:s0] =	ssyncadd.s32 @!p0 s1  }
0x260: {  	[bflag:$0x3] =	sbarrier.arrive $0xFFFF  }
0x261: {  	_ =	shalt  }

</sc_bundles>
